<compile_context>
chip_gen: v7x
topology: tpu7x:2x2x1
jax: 0.10.2.dev20260603
libtpu: 0.0.44.dev20260713+nightly
codegen_flags: <defaults>
</compile_context>

<pallas_src>
import numpy as np
import jax
import jax.numpy as jnp
from jax.experimental import pallas as pl
from jax.experimental.pallas import tpu as pltpu
import jax.experimental.pallas.tpu_sc as plsc

_N = 10000
_HID = 128
_NF = 32
_CUT = 2.5
_NG = 20
_NGP = 32
_NI = 3
_BOX = 27.3

_T = 64
_S = 32
_S4 = _S // 4
_NPAD = 10240
_NT = _NPAD // _T
_NC = _NPAD // _S
_TN = 128
_NTN = _NPAD // _TN

_off_np = np.linspace(0.0, _CUT, _NG).astype(np.float32)
_OFFS = np.full((_NGP,), 1e3, np.float32)
_OFFS[:_NG] = _off_np
_COEFF = np.float32(-0.5 / (_off_np[1] - _off_np[0]) ** 2)
_LOG2 = np.float32(np.log(2.0))
_PI = np.float32(np.pi)
_F32 = jnp.float32

_u = np.linspace(0.0, _CUT * _CUT + 0.02, 20001)
_cc = np.polynomial.chebyshev.chebfit(_u, np.cos((np.pi / _CUT) * np.sqrt(_u)), 8)
_CPOLY = np.polynomial.chebyshev.cheb2poly(_cc).astype(np.float32)


def _sp(x):
    return jnp.logaddexp(x, 0.0) - _LOG2


def _emb_gather(embp, zi):
    vmesh = plsc.VectorSubcoreMesh(core_axis_name="core",
                                   subcore_axis_name="subcore")

    @pl.kernel(out_type=jax.ShapeDtypeStruct((_NPAD, _HID), _F32),
               mesh=vmesh)
    def _k(x_hbm, i_hbm, o_hbm):
        def body(i_vmem, o_vmem):
            pltpu.sync_copy(x_hbm.at[i_vmem.at[0]], o_vmem)

        pltpu.emit_pipeline(
            body,
            grid=(_NPAD // 128,),
            in_specs=[pl.BlockSpec((1, 128), index_map=lambda i: (0, i))],
            out_specs=[pl.BlockSpec((128, _HID), index_map=lambda i: (i, 0))],
            core_axis_name="subcore",
            dimension_semantics=(pltpu.PARALLEL,),
        )(i_hbm, o_hbm)

    return _k(embp, zi)


def _xl_body(h_ref, w_ref, o_ref):
    o_ref[...] = jnp.dot(h_ref[...], w_ref[...], preferred_element_type=_F32)


def _prep_body(xsp_ref, ysp_ref, zsp_ref, o_ref):
    xs = xsp_ref[...]
    ys = ysp_ref[...]
    zs = zsp_ref[...]
    o_ref[...] = xs * xs + ys * ys + zs * zs


def _msg_body(cnt_ref, lst_ref, posr_ref, xsp_ref, ysp_ref, zsp_ref,
              sqsp_ref, colp_ref, xlp_ref,
              h_ref, offs_ref, w1_ref, b1_ref, w2_ref, b2_ref, q_ref,
              l2w_ref, l2b_ref, lw_ref, lb_ref, o_ref):
    t = pl.program_id(0)
    pd = posr_ref[...]
    xd = pd[:, 0:1].reshape(_T, 1, 1)
    yd = pd[:, 1:2].reshape(_T, 1, 1)
    zd = pd[:, 2:3].reshape(_T, 1, 1)
    sqd = xd * xd + yd * yd + zd * zd
    rowid = jax.lax.broadcasted_iota(jnp.int32, (_T, 1, 1), 0) + t * _T
    w1 = w1_ref[...]
    b1 = b1_ref[0:1, :].reshape(1, 1, 128)
    w2 = w2_ref[...]
    b2 = b2_ref[0:1, :].reshape(1, 1, 128)
    offs = offs_ref[0:1, :].reshape(1, 1, 128)
    cnt = cnt_ref[t]

    def step(s, acc):
        c = lst_ref[t, s]
        base = c * _S4
        xs = xsp_ref[pl.ds(base, _S4), :].reshape(1, _S4, 128)
        ys = ysp_ref[pl.ds(base, _S4), :].reshape(1, _S4, 128)
        zs = zsp_ref[pl.ds(base, _S4), :].reshape(1, _S4, 128)
        sqs = sqsp_ref[pl.ds(base, _S4), :].reshape(1, _S4, 128)
        colid = colp_ref[pl.ds(base, _S4), :].reshape(1, _S4, 128)
        dt = xd * xs + yd * ys + zd * zs
        d2 = sqd + sqs - 2.0 * dt
        m = (d2 < _CUT * _CUT) & (rowid != colid)
        u = jnp.maximum(d2, 0.0) + 1e-12
        ew = jnp.sqrt(u)
        dlt = ew - offs
        ea = jnp.exp(_COEFF * (dlt * dlt)).reshape(_T * _S4, 128)
        t1 = jnp.dot(ea, w1, preferred_element_type=_F32).reshape(_T, _S4, 128) + b1
        g = _sp(t1).reshape(_T * _S4, 128)
        wf = jnp.dot(g, w2, preferred_element_type=_F32).reshape(_T, _S4, 128) + b2
        cw = jnp.full_like(u, float(_CPOLY[8]))
        for _c in _CPOLY[7::-1]:
            cw = cw * u + float(_c)
        cw = 0.5 * (cw + 1.0)
        fac = jnp.where(m, cw, 0.0)
        xls = xlp_ref[pl.ds(base, _S4), :].reshape(1, _S4, 128)
        msg = (wf * fac) * xls
        return acc + jnp.sum(msg, axis=1)

    acc = jax.lax.fori_loop(0, cnt, step, jnp.zeros((_T, 128), _F32))
    aggr = jnp.dot(acc, q_ref[...], preferred_element_type=_F32)
    xc = jnp.dot(aggr, l2w_ref[...], preferred_element_type=_F32) + l2b_ref[0:1, :]
    xc = _sp(xc)
    xc = jnp.dot(xc, lw_ref[...], preferred_element_type=_F32) + lb_ref[0:1, :]
    o_ref[...] = h_ref[...] + xc


def _head_body(h_ref, o1w_ref, o1b_ref, o2w_ref, o2b_ref, o_ref):
    t = pl.program_id(0)

    @pl.when(t == 0)
    def _():
        o_ref[...] = jnp.zeros_like(o_ref)

    h = h_ref[...]
    u = _sp(jnp.dot(h, o1w_ref[...], preferred_element_type=_F32) + o1b_ref[0:1, :])
    y = jnp.dot(u, o2w_ref[...], preferred_element_type=_F32) + o2b_ref[0:1, :]
    rowid = jax.lax.broadcasted_iota(jnp.int32, (_TN, 1), 0) + t * _TN
    y = jnp.where(rowid < _N, y, 0.0)
    o_ref[0:1, :] += jnp.sum(y, axis=0, keepdims=True)

    @pl.when(t == _NTN - 1)
    def _():
        o_ref[...] = jnp.maximum(o_ref[...], 0.0)


def _pad8(b):
    return jnp.zeros((8, b.shape[0]), _F32).at[0].set(b.astype(_F32))


def _full(shape):
    return pl.BlockSpec(shape, lambda i, *_: tuple(0 for _ in shape))


def _rows(shape):
    return pl.BlockSpec(shape, lambda i, *_: (i,) + tuple(0 for _ in shape[1:]))


def kernel(z, pos, emb, mlp_w1, mlp_b1, mlp_w2, mlp_b2, lin1_w, lin2_w, lin2_b,
           lin_w, lin_b, out1_w, out1_b, out2_w, out2_b):
    pos = pos.astype(_F32)

    pos0 = jnp.concatenate([pos, jnp.full((_NPAD - _N, 3), 1e6, _F32)], axis=0)
    z0 = jnp.concatenate([z.astype(jnp.int32),
                          jnp.zeros((_NPAD - _N,), jnp.int32)])
    o1 = jnp.argsort(pos0[:, 0]).reshape(8, 1280)
    o2 = jnp.argsort(pos0[o1, 1], axis=1)
    p2 = jnp.take_along_axis(o1, o2, axis=1).reshape(40, 256)
    o3 = jnp.argsort(pos0[p2, 2], axis=1)
    p3 = jnp.take_along_axis(p2, o3, axis=1).reshape(_NPAD)

    posf = pos0[p3]
    zi = z0[p3].reshape(1, _NPAD)
    posr = jnp.pad(posf, ((0, 0), (0, 5)))
    xsp = jnp.repeat(posf[:, 0].reshape(-1, 4), 32, axis=1)
    ysp = jnp.repeat(posf[:, 1].reshape(-1, 4), 32, axis=1)
    zsp = jnp.repeat(posf[:, 2].reshape(-1, 4), 32, axis=1)
    colp = jnp.repeat(jnp.arange(_NPAD, dtype=jnp.int32).reshape(-1, 4),
                      32, axis=1)

    vid = (jnp.arange(_NPAD) < _N).reshape(_NC, _S, 1)
    pr = posf.reshape(_NC, _S, 3)
    slo = jnp.min(jnp.where(vid, pr, jnp.inf), axis=1)
    shi = jnp.max(jnp.where(vid, pr, -jnp.inf), axis=1)
    dlo = jnp.min(slo.reshape(_NT, _T // _S, 3), axis=1)
    dhi = jnp.max(shi.reshape(_NT, _T // _S, 3), axis=1)
    gap = jnp.maximum(0.0, jnp.maximum(dlo[:, None, :] - shi[None, :, :],
                                       slo[None, :, :] - dhi[:, None, :]))
    act = jnp.sum(gap * gap, axis=-1) <= (_CUT + 1e-2) ** 2
    cnt = jnp.sum(act, axis=1).astype(jnp.int32)
    lst = jnp.argsort(~act, axis=1, stable=True).astype(jnp.int32)

    embp = jnp.pad(emb.astype(_F32), ((0, 128 - emb.shape[0]), (0, 0)))
    offsp = _pad8(jnp.tile(jnp.asarray(_OFFS), 4))
    eye4 = jnp.eye(4, dtype=_F32)
    qmat = jnp.tile(jnp.eye(_NF, dtype=_F32), (4, 1))

    sqsp = pl.pallas_call(
        _prep_body,
        grid=(1,),
        in_specs=[_full((_NPAD // 4, 128))] * 3,
        out_specs=_full((_NPAD // 4, 128)),
        out_shape=jax.ShapeDtypeStruct((_NPAD // 4, 128), _F32),
    )(xsp, ysp, zsp)

    h = _emb_gather(embp, zi)

    for i in range(_NI):
        xl = pl.pallas_call(
            _xl_body,
            grid=(_NTN,),
            in_specs=[_rows((_TN, _HID)), _full((_HID, _NF))],
            out_specs=_rows((_TN, _NF)),
            out_shape=jax.ShapeDtypeStruct((_NPAD, _NF), _F32),
        )(h, lin1_w[i].astype(_F32))
        xlp = xl.reshape(_NPAD // 4, 128)

        w1p = jnp.pad(mlp_w1[i].astype(_F32), ((0, _NGP - _NG), (0, 0)))
        w1bd = jnp.kron(eye4, w1p)
        w2bd = jnp.kron(eye4, mlp_w2[i].astype(_F32))
        b1p = _pad8(jnp.tile(mlp_b1[i].astype(_F32), 4))
        b2p = _pad8(jnp.tile(mlp_b2[i].astype(_F32), 4))
        grid_spec = pltpu.PrefetchScalarGridSpec(
            num_scalar_prefetch=2,
            grid=(_NT,),
            in_specs=[
                _rows((_T, 8)),
                _full((_NPAD // 4, 128)),
                _full((_NPAD // 4, 128)),
                _full((_NPAD // 4, 128)),
                _full((_NPAD // 4, 128)),
                _full((_NPAD // 4, 128)),
                _full((_NPAD // 4, 128)),
                _rows((_T, _HID)),
                _full((8, 128)),
                _full((128, 128)),
                _full((8, 128)),
                _full((128, 128)),
                _full((8, 128)),
                _full((128, _NF)),
                _full((_NF, _HID)),
                _full((8, _HID)),
                _full((_HID, _HID)),
                _full((8, _HID)),
            ],
            out_specs=_rows((_T, _HID)),
        )
        h = pl.pallas_call(
            _msg_body,
            grid_spec=grid_spec,
            out_shape=jax.ShapeDtypeStruct((_NPAD, _HID), _F32),
        )(cnt, lst, posr, xsp, ysp, zsp, sqsp, colp, xlp, h,
          offsp, w1bd, b1p, w2bd, b2p, qmat,
          lin2_w[i].astype(_F32), _pad8(lin2_b[i]),
          lin_w[i].astype(_F32), _pad8(lin_b[i]))

    o8 = pl.pallas_call(
        _head_body,
        grid=(_NTN,),
        in_specs=[_rows((_TN, _HID)), _full((_HID, _HID // 2)),
                  _full((8, _HID // 2)), _full((_HID // 2, _NF)),
                  _full((8, _NF))],
        out_specs=_full((8, _NF)),
        out_shape=jax.ShapeDtypeStruct((8, _NF), _F32),
    )(h, out1_w.astype(_F32), _pad8(out1_b), out2_w.astype(_F32), _pad8(out2_b))
    return o8[0:1]

# --- scband reference (transcript-rebuilt; emitter-appended) ---
"""Pipeline reference for scband-sch-65369402245540 (READ-ONLY COPY).

The authoritative reference and input builder live on the scoring server;
editing this copy changes nothing except your own understanding.
"""

import jax, jax.numpy as jnp
import numpy as np

HIDDEN = 128
OUT_CH = 32
CUTOFF = 2.5
NFILT = 32
NINT = 3
NGAUSS = 20
NNODES = 10000
BOX = 27.3


def shifted_softplus(x):
    return jnp.logaddexp(x, 0.0) - jnp.log(2.0)


def build_edges(pos):
    # host-side radius_graph (non-differentiable index selection, like PyG radius_graph)
    p = np.asarray(pos, dtype=np.float32)
    n = p.shape[0]
    sq = (p * p).sum(axis=1)
    srcs, dsts = [], []
    chunk = 2000
    for s in range(0, n, chunk):
        e = min(s + chunk, n)
        d2 = sq[s:e, None] + sq[None, :] - 2.0 * (p[s:e] @ p.T)
        m = d2 < CUTOFF * CUTOFF
        m[np.arange(e - s), np.arange(s, e)] = False
        r, c = np.nonzero(m)
        srcs.append(c.astype(np.int64))
        dsts.append((r + s).astype(np.int64))
    return np.concatenate(srcs), np.concatenate(dsts)


def setup_inputs(seed: int = 0):
    key = jax.random.key(seed)
    ks = jax.random.split(key, 18)
    z = jax.random.randint(ks[0], (NNODES,), 0, 100)
    pos = jax.random.uniform(ks[1], (NNODES, 3), dtype=jnp.float32) * BOX
    emb = 0.1 * jax.random.normal(ks[2], (100, HIDDEN), jnp.float32)
    mlp_w1 = 0.1 * jax.random.normal(ks[3], (NINT, NGAUSS, NFILT), jnp.float32)
    mlp_b1 = jnp.zeros((NINT, NFILT), jnp.float32)
    mlp_w2 = 0.1 * jax.random.normal(ks[4], (NINT, NFILT, NFILT), jnp.float32)
    mlp_b2 = jnp.zeros((NINT, NFILT), jnp.float32)
    lin1_w = 0.1 * jax.random.normal(ks[5], (NINT, HIDDEN, NFILT), jnp.float32)
    lin2_w = 0.1 * jax.random.normal(ks[6], (NINT, NFILT, HIDDEN), jnp.float32)
    lin2_b = jnp.zeros((NINT, HIDDEN), jnp.float32)
    lin_w = 0.1 * jax.random.normal(ks[7], (NINT, HIDDEN, HIDDEN), jnp.float32)
    lin_b = jnp.zeros((NINT, HIDDEN), jnp.float32)
    out1_w = 0.1 * jax.random.normal(ks[8], (HIDDEN, HIDDEN // 2), jnp.float32)
    out1_b = jnp.zeros((HIDDEN // 2,), jnp.float32)
    out2_w = 0.1 * jax.random.normal(ks[9], (HIDDEN // 2, OUT_CH), jnp.float32)
    out2_b = jnp.zeros((OUT_CH,), jnp.float32)
    return {"z": z, "pos": pos, "emb": emb, "mlp_w1": mlp_w1, "mlp_b1": mlp_b1,
            "mlp_w2": mlp_w2, "mlp_b2": mlp_b2, "lin1_w": lin1_w, "lin2_w": lin2_w,
            "lin2_b": lin2_b, "lin_w": lin_w, "lin_b": lin_b, "out1_w": out1_w,
            "out1_b": out1_b, "out2_w": out2_w, "out2_b": out2_b}


def reference(z, pos, emb, mlp_w1, mlp_b1, mlp_w2, mlp_b2, lin1_w, lin2_w, lin2_b,
              lin_w, lin_b, out1_w, out1_b, out2_w, out2_b):
    p = pos.astype(jnp.float32)
    sq = jnp.sum(p * p, axis=1)
    idx_all = jnp.arange(NNODES)
    offset = jnp.linspace(0.0, CUTOFF, NGAUSS)
    coeff = -0.5 / (offset[1] - offset[0]) ** 2
    chunk = 100
    nchunks = NNODES // chunk

    def edge_terms(s):
        rows = s * chunk + jnp.arange(chunk)
        pd = p[rows]
        d2 = sq[rows][:, None] + sq[None, :] - 2.0 * jnp.sum(
            pd[:, None, :] * p[None, :, :], axis=2)
        m = d2 < CUTOFF * CUTOFF
        m = m & (idx_all[None, :] != rows[:, None])
        dvec = p[None, :, :] - pd[:, None, :]
        ew = jnp.sqrt(jnp.sum(dvec * dvec, axis=2) + 1e-12)
        eattr = jnp.exp(coeff * (ew[..., None] - offset[None, None, :]) ** 2)
        C = 0.5 * (jnp.cos(ew * jnp.pi / CUTOFF) + 1.0)
        return m, eattr, C

    h = emb[z]
    for i in range(NINT):
        xl = h @ lin1_w[i]

        def body(carry, s):
            m, eattr, C = edge_terms(s)
            Wf = shifted_softplus(eattr @ mlp_w1[i] + mlp_b1[i]) @ mlp_w2[i] + mlp_b2[i]
            Wf = Wf * C[..., None]
            msg = jnp.where(m[..., None], xl[None, :, :] * Wf, 0.0)
            return carry, jnp.sum(msg, axis=1)

        _, agg = jax.lax.scan(body, None, jnp.arange(nchunks))
        agg = agg.reshape(NNODES, NFILT)
        xc = agg @ lin2_w[i] + lin2_b[i]
        xc = shifted_softplus(xc)
        xc = xc @ lin_w[i] + lin_b[i]
        h = h + xc
    h = shifted_softplus(h @ out1_w + out1_b)
    h = h @ out2_w + out2_b
    out = jnp.sum(h, axis=0, keepdims=True)
    return jax.nn.relu(out)

if __name__ == "__main__":
    import jax
    _d = setup_inputs()
    print(jax.jit(kernel)(*tuple(_d.values())))

</pallas_src>

<mosaic_0001>
#map = affine_map<(d0, d1) -> (0, 0)>
module attributes {stable_mosaic.version = 14 : i64} {
  func.func @_k(%arg0: i32, %arg1: i32, %arg2: memref<128x128xf32, #tpu.memory_space<hbm>>, %arg3: memref<1x10240xi32, #tpu.memory_space<hbm>>, %arg4: memref<10240x128xf32, #tpu.memory_space<hbm>>) attributes {dimension_semantics = [#tpu.dimension_semantics<core_parallel>, #tpu.dimension_semantics<subcore_parallel>], iteration_bounds = array<i64: 2, 16>, scalar_prefetch = 0 : i64, scratch_operands = 0 : i64, tpu.core_type = #tpu.core_type<sc_vector_subcore>, window_params = [{transform_indices = #map}, {transform_indices = #map}, {transform_indices = #map}]} {
    %mul3A = arith.constant 5 : i32
    %mul3A_0 = arith.muli %arg1, %mul3A : i32
    "tpu.region"() ({
      %run_scoped3A = memref.alloca() : memref<2x1x128xi32, #tpu.memory_space<vmem>>
      %run_scoped3A_1 = tpu.sem_alloc : memref<2x!tpu.dma_semaphore, #tpu.memory_space<semaphore_mem>>
      %run_scoped3A_2 = memref.alloca() : memref<2x128x128xf32, #tpu.memory_space<vmem>>
      %run_scoped3A_3 = tpu.sem_alloc : memref<2x!tpu.dma_semaphore, #tpu.memory_space<semaphore_mem>>
      %add3A = arith.constant 0 : i32
      %add3A_4 = arith.addi %add3A, %mul3A_0 : i32
      %select_n3A = arith.constant true
      %select_n3A_5 = arith.constant 0 : i32
      %select_n3A_6 = arith.constant -1 : i32
      %select_n3A_7 = arith.select %select_n3A, %select_n3A_6, %select_n3A_5 : i32
      %eq3A = arith.constant -1 : i32
      %eq3A_8 = arith.cmpi eq, %select_n3A_7, %eq3A : i32
      %select_n3A_9 = arith.constant 4 : i32
      %select_n3A_10 = arith.select %eq3A_8, %select_n3A_9, %select_n3A_7 : i32
      %add3A_11 = arith.addi %select_n3A_10, %mul3A_0 : i32
      %select_n3A_12 = arith.constant true
      %select_n3A_13 = arith.constant 0 : i32
      %select_n3A_14 = arith.constant 1 : i32
      %select_n3A_15 = arith.select %select_n3A_12, %select_n3A_14, %select_n3A_13 : i32
      %eq3A_16 = arith.constant 5 : i32
      %eq3A_17 = arith.cmpi eq, %select_n3A_15, %eq3A_16 : i32
      %select_n3A_18 = arith.constant 0 : i32
      %select_n3A_19 = arith.select %eq3A_17, %select_n3A_18, %select_n3A_15 : i32
      %add3A_20 = arith.addi %select_n3A_19, %mul3A_0 : i32
      %add3A_21 = arith.constant 1 : i32
      %add3A_22 = arith.addi %select_n3A_19, %add3A_21 : i32
      %select_n3A_23 = arith.constant true
      %select_n3A_24 = arith.select %select_n3A_23, %add3A_22, %select_n3A_19 : i32
      %eq3A_25 = arith.constant 5 : i32
      %eq3A_26 = arith.cmpi eq, %select_n3A_24, %eq3A_25 : i32
      %select_n3A_27 = arith.constant 0 : i32
      %select_n3A_28 = arith.select %eq3A_26, %select_n3A_27, %select_n3A_24 : i32
      %add3A_29 = arith.addi %select_n3A_28, %mul3A_0 : i32
      "tpu.trace_start"() <{level = 10 : i32, message = "ep_initialize_0"}> : () -> ()
      %rem3A = arith.constant 0 : i32
      %rem3A_30 = arith.constant 2 : i32
      %rem3A_31 = arith.remui %rem3A, %rem3A_30 : i32
      %mul3A_32 = arith.constant 128 : i32
      %mul3A_33 = arith.muli %mul3A_32, %add3A_4 : i32
      %dma_start3A = arith.constant 0 : i32
      %dma_start3A_34 = arith.constant 0 : i32
      %dma_start3A_35 = tpu.memref_slice %run_scoped3A[%rem3A_31, %dma_start3A, %dma_start3A_34] : memref<2x1x128xi32, #tpu.memory_space<vmem>> -> memref<1x1x128xi32, #tpu.memory_space<vmem>>
      %dma_start3A_36 = tpu.memref_squeeze %dma_start3A_35 : memref<1x1x128xi32, #tpu.memory_space<vmem>> -> memref<1x128xi32, #tpu.memory_space<vmem>>
      %dma_start3A_37 = arith.constant 0 : i32
      %dma_start3A_38 = tpu.memref_slice %arg3[%dma_start3A_37, %mul3A_33] : memref<1x10240xi32, #tpu.memory_space<hbm>> -> memref<1x128xi32, #tpu.memory_space<hbm>>
      %dma_start3A_39 = tpu.memref_slice %run_scoped3A_1[%rem3A_31] : memref<2x!tpu.dma_semaphore, #tpu.memory_space<semaphore_mem>> -> memref<1x!tpu.dma_semaphore, #tpu.memory_space<semaphore_mem>>
      %dma_start3A_40 = tpu.memref_squeeze %dma_start3A_39 : memref<1x!tpu.dma_semaphore, #tpu.memory_space<semaphore_mem>> -> memref<!tpu.dma_semaphore, #tpu.memory_space<semaphore_mem>>
      %dma_start3A_41 = arith.constant 0 : i32
      %dma_start3A_42 = arith.constant 0 : i32
      %dma_start3A_43 = tpu.memref_slice %run_scoped3A[%rem3A_31, %dma_start3A_41, %dma_start3A_42] : memref<2x1x128xi32, #tpu.memory_space<vmem>> -> memref<1x1x128xi32, #tpu.memory_space<vmem>>
      %dma_start3A_44 = tpu.memref_squeeze %dma_start3A_43 : memref<1x1x128xi32, #tpu.memory_space<vmem>> -> memref<1x128xi32, #tpu.memory_space<vmem>>
      %dma_start3A_45 = arith.constant 0 : i32
      %dma_start3A_46 = tpu.memref_slice %arg3[%dma_start3A_45, %mul3A_33] : memref<1x10240xi32, #tpu.memory_space<hbm>> -> memref<1x128xi32, #tpu.memory_space<hbm>>
      tpu.enqueue_dma source(%dma_start3A_46 : memref<1x128xi32, #tpu.memory_space<hbm>>) target(%dma_start3A_44 : memref<1x128xi32, #tpu.memory_space<vmem>>) target_semaphore(%dma_start3A_40 : memref<!tpu.dma_semaphore, #tpu.memory_space<semaphore_mem>>)
      %add3A_47 = arith.constant 0 : i32
      %add3A_48 = arith.constant 1 : i32
      %add3A_49 = arith.addi %add3A_47, %add3A_48 : i32
      %select_n3A_50 = arith.constant true
      %select_n3A_51 = arith.constant 0 : i32
      %select_n3A_52 = arith.select %select_n3A_50, %add3A_49, %select_n3A_51 : i32
      "tpu.trace_stop"() : () -> ()
      %scan3A = arith.constant 0 : i32
      %scan3A_53 = arith.constant 0 : i32
      %scan3A_54 = arith.constant 0 : i32
      %scan3A_55 = arith.constant 0 : i32
      %scan3A_56 = arith.constant 0 : i32
      %scan3A_57 = arith.constant 5 : i32
      %scan3A_58 = arith.addi %scan3A_56, %scan3A_57 : i32
      %scan3A_59 = arith.constant 1 : i32
      %scan3A_60:5 = scf.for %scan3A_114 = %scan3A_56 to %scan3A_58 step %scan3A_59 iter_args(%scan3A_115 = %select_n3A_52, %scan3A_116 = %scan3A, %scan3A_117 = %scan3A_53, %scan3A_118 = %scan3A_54, %scan3A_119 = %scan3A_55) -> (i32, i32, i32, i32, i32)  : i32 {
        %eq3A_120 = arith.constant 0 : i32
        %eq3A_121 = arith.cmpi eq, %scan3A_114, %eq3A_120 : i32
        %eq3A_122 = arith.constant 4 : i32
        %eq3A_123 = arith.cmpi eq, %scan3A_114, %eq3A_122 : i32
        %add3A_124 = arith.addi %scan3A_119, %mul3A_0 : i32
        %sub3A_125 = arith.constant 1 : i32
        %sub3A_126 = arith.subi %scan3A_119, %sub3A_125 : i32
        %select_n3A_127 = arith.constant true
        %select_n3A_128 = arith.select %select_n3A_127, %sub3A_126, %scan3A_119 : i32
        %eq3A_129 = arith.constant -1 : i32
        %eq3A_130 = arith.cmpi eq, %select_n3A_128, %eq3A_129 : i32
        %select_n3A_131 = arith.constant 4 : i32
        %select_n3A_132 = arith.select %eq3A_130, %select_n3A_131, %select_n3A_128 : i32
        %add3A_133 = arith.addi %select_n3A_132, %mul3A_0 : i32
        %add3A_134 = arith.constant 1 : i32
        %add3A_135 = arith.addi %scan3A_119, %add3A_134 : i32
        %select_n3A_136 = arith.constant true
        %select_n3A_137 = arith.select %select_n3A_136, %add3A_135, %scan3A_119 : i32
        %eq3A_138 = arith.constant 5 : i32
        %eq3A_139 = arith.cmpi eq, %select_n3A_137, %eq3A_138 : i32
        %select_n3A_140 = arith.constant 0 : i32
        %select_n3A_141 = arith.select %eq3A_139, %select_n3A_140, %select_n3A_137 : i32
        %add3A_142 = arith.addi %select_n3A_141, %mul3A_0 : i32
        %add3A_143 = arith.constant 1 : i32
        %add3A_144 = arith.addi %select_n3A_141, %add3A_143 : i32
        %select_n3A_145 = arith.constant true
        %select_n3A_146 = arith.select %select_n3A_145, %add3A_144, %select_n3A_141 : i32
        %eq3A_147 = arith.constant 5 : i32
        %eq3A_148 = arith.cmpi eq, %select_n3A_146, %eq3A_147 : i32
        %select_n3A_149 = arith.constant 0 : i32
        %select_n3A_150 = arith.select %eq3A_148, %select_n3A_149, %select_n3A_146 : i32
        %add3A_151 = arith.addi %select_n3A_150, %mul3A_0 : i32
        %ne3A = arith.cmpi ne, %add3A_124, %add3A_142 : i32
        %or3A = arith.constant false
        %or3A_152 = arith.ori %or3A, %ne3A : i1
        %ge3A = arith.constant 4 : i32
        %ge3A_153 = arith.cmpi sge, %scan3A_114, %ge3A : i32
        %not3A = arith.constant true
        %not3A_154 = arith.xori %ge3A_153, %not3A : i1
        %and3A = arith.andi %or3A_152, %not3A_154 : i1
        %convert_element_type3A = arith.extui %and3A : i1 to i32
        %cond3A = arith.constant 0 : i32
        %cond3A_155 = arith.cmpi ne, %convert_element_type3A, %cond3A : i32
        scf.if %cond3A_155 {
          "tpu.trace_start"() <{level = 10 : i32, message = "ep_copy_in"}> : () -> ()
          %rem3A_257 = arith.constant 2 : i32
          %rem3A_258 = arith.remui %scan3A_115, %rem3A_257 : i32
          %mul3A_259 = arith.constant 128 : i32
          %mul3A_260 = arith.muli %mul3A_259, %add3A_142 : i32
          %dma_start3A_261 = arith.constant 0 : i32
          %dma_start3A_262 = arith.constant 0 : i32
          %dma_start3A_263 = tpu.memref_slice %run_scoped3A[%rem3A_258, %dma_start3A_261, %dma_start3A_262] : memref<2x1x128xi32, #tpu.memory_space<vmem>> -> memref<1x1x128xi32, #tpu.memory_space<vmem>>
          %dma_start3A_264 = tpu.memref_squeeze %dma_start3A_263 : memref<1x1x128xi32, #tpu.memory_space<vmem>> -> memref<1x128xi32, #tpu.memory_space<vmem>>
          %dma_start3A_265 = arith.constant 0 : i32
          %dma_start3A_266 = tpu.memref_slice %arg3[%dma_start3A_265, %mul3A_260] : memref<1x10240xi32, #tpu.memory_space<hbm>> -> memref<1x128xi32, #tpu.memory_space<hbm>>
          %dma_start3A_267 = tpu.memref_slice %run_scoped3A_1[%rem3A_258] : memref<2x!tpu.dma_semaphore, #tpu.memory_space<semaphore_mem>> -> memref<1x!tpu.dma_semaphore, #tpu.memory_space<semaphore_mem>>
          %dma_start3A_268 = tpu.memref_squeeze %dma_start3A_267 : memref<1x!tpu.dma_semaphore, #tpu.memory_space<semaphore_mem>> -> memref<!tpu.dma_semaphore, #tpu.memory_space<semaphore_mem>>
          %dma_start3A_269 = arith.constant 0 : i32
          %dma_start3A_270 = arith.constant 0 : i32
          %dma_start3A_271 = tpu.memref_slice %run_scoped3A[%rem3A_258, %dma_start3A_269, %dma_start3A_270] : memref<2x1x128xi32, #tpu.memory_space<vmem>> -> memref<1x1x128xi32, #tpu.memory_space<vmem>>
          %dma_start3A_272 = tpu.memref_squeeze %dma_start3A_271 : memref<1x1x128xi32, #tpu.memory_space<vmem>> -> memref<1x128xi32, #tpu.memory_space<vmem>>
          %dma_start3A_273 = arith.constant 0 : i32
          %dma_start3A_274 = tpu.memref_slice %arg3[%dma_start3A_273, %mul3A_260] : memref<1x10240xi32, #tpu.memory_space<hbm>> -> memref<1x128xi32, #tpu.memory_space<hbm>>
          tpu.enqueue_dma source(%dma_start3A_274 : memref<1x128xi32, #tpu.memory_space<hbm>>) target(%dma_start3A_272 : memref<1x128xi32, #tpu.memory_space<vmem>>) target_semaphore(%dma_start3A_268 : memref<!tpu.dma_semaphore, #tpu.memory_space<semaphore_mem>>)
          "tpu.trace_stop"() : () -> ()
        } else {
        }
        %and3A_156 = arith.constant true
        %and3A_157 = arith.andi %and3A, %and3A_156 : i1
        %add3A_158 = arith.constant 1 : i32
        %add3A_159 = arith.addi %scan3A_115, %add3A_158 : i32
        %select_n3A_160 = arith.select %and3A_157, %add3A_159, %scan3A_115 : i32
        %ne3A_161 = arith.cmpi ne, %add3A_124, %add3A_142 : i32
        %or3A_162 = arith.constant false
        %or3A_163 = arith.ori %or3A_162, %ne3A_161 : i1
        %or3A_164 = arith.constant false
        %or3A_165 = arith.ori %or3A_163, %or3A_164 : i1
        %ge3A_166 = arith.constant 4 : i32
        %ge3A_167 = arith.cmpi sge, %scan3A_114, %ge3A_166 : i32
        %not3A_168 = arith.constant true
        %not3A_169 = arith.xori %ge3A_167, %not3A_168 : i1
        %and3A_170 = arith.andi %or3A_165, %not3A_169 : i1
        %ne3A_171 = arith.cmpi ne, %add3A_124, %add3A_133 : i32
        %or3A_172 = arith.constant false
        %or3A_173 = arith.ori %or3A_172, %ne3A_171 : i1
        %or3A_174 = arith.ori %or3A_173, %eq3A_121 : i1
        %convert_element_type3A_175 = arith.extui %or3A_174 : i1 to i32
        %cond3A_176 = arith.constant 0 : i32
        %cond3A_177 = arith.cmpi ne, %convert_element_type3A_175, %cond3A_176 : i32
        scf.if %cond3A_177 {
          "tpu.trace_start"() <{level = 10 : i32, message = "ep_wait_in"}> : () -> ()
          %mul3A_257 = arith.constant 128 : i32
          %mul3A_258 = arith.muli %mul3A_257, %add3A_124 : i32
          %rem3A_259 = arith.constant 2 : i32
          %rem3A_260 = arith.remui %scan3A_116, %rem3A_259 : i32
          %dma_wait3A_261 = arith.constant 0 : i32
          %dma_wait3A_262 = arith.constant 0 : i32
          %dma_wait3A_263 = tpu.memref_slice %run_scoped3A[%rem3A_260, %dma_wait3A_261, %dma_wait3A_262] : memref<2x1x128xi32, #tpu.memory_space<vmem>> -> memref<1x1x128xi32, #tpu.memory_space<vmem>>
          %dma_wait3A_264 = tpu.memref_squeeze %dma_wait3A_263 : memref<1x1x128xi32, #tpu.memory_space<vmem>> -> memref<1x128xi32, #tpu.memory_space<vmem>>
          %dma_wait3A_265 = arith.constant 0 : i32
          %dma_wait3A_266 = tpu.memref_slice %arg3[%dma_wait3A_265, %mul3A_258] : memref<1x10240xi32, #tpu.memory_space<hbm>> -> memref<1x128xi32, #tpu.memory_space<hbm>>
          %dma_wait3A_267 = tpu.memref_slice %run_scoped3A_1[%rem3A_260] : memref<2x!tpu.dma_semaphore, #tpu.memory_space<semaphore_mem>> -> memref<1x!tpu.dma_semaphore, #tpu.memory_space<semaphore_mem>>
          %dma_wait3A_268 = tpu.memref_squeeze %dma_wait3A_267 : memref<1x!tpu.dma_semaphore, #tpu.memory_space<semaphore_mem>> -> memref<!tpu.dma_semaphore, #tpu.memory_space<semaphore_mem>>
          %dma_wait3A_269 = arith.constant 0 : i32
          %dma_wait3A_270 = arith.constant 0 : i32
          %dma_wait3A_271 = tpu.memref_slice %run_scoped3A[%rem3A_260, %dma_wait3A_269, %dma_wait3A_270] : memref<2x1x128xi32, #tpu.memory_space<vmem>> -> memref<1x1x128xi32, #tpu.memory_space<vmem>>
          %dma_wait3A_272 = tpu.memref_squeeze %dma_wait3A_271 : memref<1x1x128xi32, #tpu.memory_space<vmem>> -> memref<1x128xi32, #tpu.memory_space<vmem>>
          %dma_wait3A_273 = arith.constant 0 : i32
          %dma_wait3A_274 = tpu.memref_slice %arg3[%dma_wait3A_273, %mul3A_258] : memref<1x10240xi32, #tpu.memory_space<hbm>> -> memref<1x128xi32, #tpu.memory_space<hbm>>
          tpu.wait_dma2 semaphore(%dma_wait3A_268 : memref<!tpu.dma_semaphore, #tpu.memory_space<semaphore_mem>>) src(%dma_wait3A_274 : memref<1x128xi32, #tpu.memory_space<hbm>>) dst(%dma_wait3A_272 : memref<1x128xi32, #tpu.memory_space<vmem>>)
          "tpu.trace_stop"() : () -> ()
        } else {
        }
        %ne3A_178 = arith.cmpi ne, %add3A_124, %add3A_133 : i32
        %or3A_179 = arith.constant false
        %or3A_180 = arith.ori %or3A_179, %ne3A_178 : i1
        %or3A_181 = arith.constant false
        %or3A_182 = arith.ori %or3A_180, %or3A_181 : i1
        %or3A_183 = arith.ori %or3A_182, %eq3A_121 : i1
        %convert_element_type3A_184 = arith.extui %or3A_183 : i1 to i32
        %cond3A_185 = arith.constant 0 : i32
        %cond3A_186 = arith.cmpi ne, %convert_element_type3A_184, %cond3A_185 : i32
        scf.if %cond3A_186 {
        } else {
        }
        %rem3A_187 = arith.constant 2 : i32
        %rem3A_188 = arith.remui %scan3A_116, %rem3A_187 : i32
        %rem3A_189 = arith.constant 2 : i32
        %rem3A_190 = arith.remui %scan3A_117, %rem3A_189 : i32
        %run_scoped3A_191 = arith.constant 0 : i32
        "tpu.trace_start"() <{level = 10 : i32, message = "ep_run_kernel"}> : () -> ()
        "tpu.region"() ({
          %run_scoped3A_257 = tpu.sem_alloc : memref<!tpu.dma_semaphore, #tpu.memory_space<semaphore_mem>>
          %dma_start3A_258 = arith.constant 0 : i32
          %dma_start3A_259 = arith.constant 0 : i32
          %dma_start3A_260 = tpu.memref_slice %run_scoped3A_2[%rem3A_190, %dma_start3A_258, %dma_start3A_259] : memref<2x128x128xf32, #tpu.memory_space<vmem>> -> memref<1x128x128xf32, #tpu.memory_space<vmem>>
          %dma_start3A_261 = tpu.memref_squeeze %dma_start3A_260 : memref<1x128x128xf32, #tpu.memory_space<vmem>> -> memref<128x128xf32, #tpu.memory_space<vmem>>
          %dma_start3A_262 = arith.constant 0 : i32
          %dma_start3A_263 = arith.constant 0 : i32
          %dma_start3A_264 = tpu.memref_slice %run_scoped3A[%rem3A_188, %dma_start3A_262, %dma_start3A_263] : memref<2x1x128xi32, #tpu.memory_space<vmem>> -> memref<1x1x128xi32, #tpu.memory_space<vmem>>
          %dma_start3A_265 = tpu.memref_squeeze %dma_start3A_264 : memref<1x1x128xi32, #tpu.memory_space<vmem>> -> memref<1x128xi32, #tpu.memory_space<vmem>>
          %dma_start3A_266 = arith.constant 0 : i32
          %dma_start3A_267 = tpu.memref_slice %dma_start3A_265[%run_scoped3A_191, %dma_start3A_266] : memref<1x128xi32, #tpu.memory_space<vmem>> -> memref<1x128xi32, #tpu.memory_space<vmem>>
          %dma_start3A_268 = tpu.memref_squeeze %dma_start3A_267 : memref<1x128xi32, #tpu.memory_space<vmem>> -> memref<128xi32, #tpu.memory_space<vmem>>
          %dma_start3A_269 = arith.constant 0 : i32
          %dma_start3A_270 = arith.constant 0 : i32
          %dma_start3A_271 = tpu.memref_slice %arg2[%dma_start3A_269, %dma_start3A_270] : memref<128x128xf32, #tpu.memory_space<hbm>> -> memref<128x128xf32, #tpu.memory_space<hbm>>
          tpu.enqueue_indirect_dma source(%dma_start3A_271 : memref<128x128xf32, #tpu.memory_space<hbm>>) target(%dma_start3A_261 : memref<128x128xf32, #tpu.memory_space<vmem>>) offsets(%dma_start3A_268 : memref<128xi32, #tpu.memory_space<vmem>>) semaphore(%run_scoped3A_257 : memref<!tpu.dma_semaphore, #tpu.memory_space<semaphore_mem>>)
          %dma_wait3A_272 = arith.constant 0 : i32
          %dma_wait3A_273 = arith.constant 0 : i32
          %dma_wait3A_274 = tpu.memref_slice %run_scoped3A_2[%rem3A_190, %dma_wait3A_272, %dma_wait3A_273] : memref<2x128x128xf32, #tpu.memory_space<vmem>> -> memref<1x128x128xf32, #tpu.memory_space<vmem>>
          %dma_wait3A_275 = tpu.memref_squeeze %dma_wait3A_274 : memref<1x128x128xf32, #tpu.memory_space<vmem>> -> memref<128x128xf32, #tpu.memory_space<vmem>>
          %dma_wait3A_276 = arith.constant 0 : i32
          %dma_wait3A_277 = arith.constant 0 : i32
          %dma_wait3A_278 = tpu.memref_slice %run_scoped3A[%rem3A_188, %dma_wait3A_276, %dma_wait3A_277] : memref<2x1x128xi32, #tpu.memory_space<vmem>> -> memref<1x1x128xi32, #tpu.memory_space<vmem>>
          %dma_wait3A_279 = tpu.memref_squeeze %dma_wait3A_278 : memref<1x1x128xi32, #tpu.memory_space<vmem>> -> memref<1x128xi32, #tpu.memory_space<vmem>>
          %dma_wait3A_280 = arith.constant 0 : i32
          %dma_wait3A_281 = tpu.memref_slice %dma_wait3A_279[%run_scoped3A_191, %dma_wait3A_280] : memref<1x128xi32, #tpu.memory_space<vmem>> -> memref<1x128xi32, #tpu.memory_space<vmem>>
          %dma_wait3A_282 = tpu.memref_squeeze %dma_wait3A_281 : memref<1x128xi32, #tpu.memory_space<vmem>> -> memref<128xi32, #tpu.memory_space<vmem>>
          %dma_wait3A_283 = arith.constant 0 : i32
          %dma_wait3A_284 = arith.constant 0 : i32
          %dma_wait3A_285 = tpu.memref_slice %arg2[%dma_wait3A_283, %dma_wait3A_284] : memref<128x128xf32, #tpu.memory_space<hbm>> -> memref<128x128xf32, #tpu.memory_space<hbm>>
          tpu.wait_indirect_dma semaphore(%run_scoped3A_257 : memref<!tpu.dma_semaphore, #tpu.memory_space<semaphore_mem>>) src(%dma_wait3A_285 : memref<128x128xf32, #tpu.memory_space<hbm>>) dst(%dma_wait3A_275 : memref<128x128xf32, #tpu.memory_space<vmem>>)
          tpu.yield
        }) : () -> ()
        "tpu.trace_stop"() : () -> ()
        %ne3A_192 = arith.cmpi ne, %add3A_124, %add3A_142 : i32
        %or3A_193 = arith.constant false
        %or3A_194 = arith.ori %or3A_193, %ne3A_192 : i1
        %or3A_195 = arith.ori %or3A_194, %eq3A_123 : i1
        %convert_element_type3A_196 = arith.extui %or3A_195 : i1 to i32
        %cond3A_197 = arith.constant 0 : i32
        %cond3A_198 = arith.cmpi ne, %convert_element_type3A_196, %cond3A_197 : i32
        scf.if %cond3A_198 {
        } else {
        }
        %and3A_199 = arith.constant false
        %and3A_200 = arith.andi %or3A_195, %and3A_199 : i1
        %ne3A_201 = arith.cmpi ne, %add3A_124, %add3A_142 : i32
        %or3A_202 = arith.constant false
        %or3A_203 = arith.ori %or3A_202, %ne3A_201 : i1
        %or3A_204 = arith.constant false
        %or3A_205 = arith.ori %or3A_203, %or3A_204 : i1
        %or3A_206 = arith.ori %or3A_205, %eq3A_123 : i1
        %convert_element_type3A_207 = arith.extui %or3A_206 : i1 to i32
        %cond3A_208 = arith.constant 0 : i32
        %cond3A_209 = arith.cmpi ne, %convert_element_type3A_207, %cond3A_208 : i32
        scf.if %cond3A_209 {
          "tpu.trace_start"() <{level = 10 : i32, message = "ep_copy_out"}> : () -> ()
          %rem3A_257 = arith.constant 2 : i32
          %rem3A_258 = arith.remui %scan3A_117, %rem3A_257 : i32
          %mul3A_259 = arith.constant 128 : i32
          %mul3A_260 = arith.muli %mul3A_259, %add3A_124 : i32
          %dma_start3A_261 = arith.constant 0 : i32
          %dma_start3A_262 = arith.constant 0 : i32
          %dma_start3A_263 = tpu.memref_slice %run_scoped3A_2[%rem3A_258, %dma_start3A_261, %dma_start3A_262] : memref<2x128x128xf32, #tpu.memory_space<vmem>> -> memref<1x128x128xf32, #tpu.memory_space<vmem>>
          %dma_start3A_264 = tpu.memref_squeeze %dma_start3A_263 : memref<1x128x128xf32, #tpu.memory_space<vmem>> -> memref<128x128xf32, #tpu.memory_space<vmem>>
          %dma_start3A_265 = arith.constant 0 : i32
          %dma_start3A_266 = tpu.memref_slice %arg4[%mul3A_260, %dma_start3A_265] : memref<10240x128xf32, #tpu.memory_space<hbm>> -> memref<128x128xf32, #tpu.memory_space<hbm>>
          %dma_start3A_267 = tpu.memref_slice %run_scoped3A_3[%rem3A_258] : memref<2x!tpu.dma_semaphore, #tpu.memory_space<semaphore_mem>> -> memref<1x!tpu.dma_semaphore, #tpu.memory_space<semaphore_mem>>
          %dma_start3A_268 = tpu.memref_squeeze %dma_start3A_267 : memref<1x!tpu.dma_semaphore, #tpu.memory_space<semaphore_mem>> -> memref<!tpu.dma_semaphore, #tpu.memory_space<semaphore_mem>>
          %dma_start3A_269 = arith.constant 0 : i32
          %dma_start3A_270 = tpu.memref_slice %arg4[%mul3A_260, %dma_start3A_269] : memref<10240x128xf32, #tpu.memory_space<hbm>> -> memref<128x128xf32, #tpu.memory_space<hbm>>
          %dma_start3A_271 = arith.constant 0 : i32
          %dma_start3A_272 = arith.constant 0 : i32
          %dma_start3A_273 = tpu.memref_slice %run_scoped3A_2[%rem3A_258, %dma_start3A_271, %dma_start3A_272] : memref<2x128x128xf32, #tpu.memory_space<vmem>> -> memref<1x128x128xf32, #tpu.memory_space<vmem>>
          %dma_start3A_274 = tpu.memref_squeeze %dma_start3A_273 : memref<1x128x128xf32, #tpu.memory_space<vmem>> -> memref<128x128xf32, #tpu.memory_space<vmem>>
          tpu.enqueue_dma source(%dma_start3A_274 : memref<128x128xf32, #tpu.memory_space<vmem>>) target(%dma_start3A_270 : memref<128x128xf32, #tpu.memory_space<hbm>>) target_semaphore(%dma_start3A_268 : memref<!tpu.dma_semaphore, #tpu.memory_space<semaphore_mem>>)
          "tpu.trace_stop"() : () -> ()
        } else {
        }
        %and3A_210 = arith.constant true
        %and3A_211 = arith.andi %or3A_206, %and3A_210 : i1
        %add3A_212 = arith.constant 1 : i32
        %add3A_213 = arith.addi %scan3A_117, %add3A_212 : i32
        %select_n3A_214 = arith.select %and3A_211, %add3A_213, %scan3A_117 : i32
        %ne3A_215 = arith.cmpi ne, %add3A_124, %add3A_133 : i32
        %or3A_216 = arith.constant false
        %or3A_217 = arith.ori %or3A_216, %ne3A_215 : i1
        %not3A_218 = arith.constant true
        %not3A_219 = arith.xori %eq3A_121, %not3A_218 : i1
        %and3A_220 = arith.andi %or3A_217, %not3A_219 : i1
        %convert_element_type3A_221 = arith.extui %and3A_220 : i1 to i32
        %cond3A_222 = arith.constant 0 : i32
        %cond3A_223 = arith.cmpi ne, %convert_element_type3A_221, %cond3A_222 : i32
        scf.if %cond3A_223 {
        } else {
        }
        %and3A_224 = arith.constant false
        %and3A_225 = arith.andi %and3A_220, %and3A_224 : i1
        %ne3A_226 = arith.cmpi ne, %add3A_124, %add3A_133 : i32
        %or3A_227 = arith.constant false
        %or3A_228 = arith.ori %or3A_227, %ne3A_226 : i1
        %or3A_229 = arith.constant false
        %or3A_230 = arith.ori %or3A_228, %or3A_229 : i1
        %not3A_231 = arith.constant true
        %not3A_232 = arith.xori %eq3A_121, %not3A_231 : i1
        %and3A_233 = arith.andi %or3A_230, %not3A_232 : i1
        %convert_element_type3A_234 = arith.extui %and3A_233 : i1 to i32
        %cond3A_235 = arith.constant 0 : i32
        %cond3A_236 = arith.cmpi ne, %convert_element_type3A_234, %cond3A_235 : i32
        scf.if %cond3A_236 {
          "tpu.trace_start"() <{level = 10 : i32, message = "ep_wait_out"}> : () -> ()
          %rem3A_257 = arith.constant 2 : i32
          %rem3A_258 = arith.remui %scan3A_118, %rem3A_257 : i32
          %mul3A_259 = arith.constant 128 : i32
          %mul3A_260 = arith.muli %mul3A_259, %add3A_133 : i32
          %dma_wait3A_261 = arith.constant 0 : i32
          %dma_wait3A_262 = arith.constant 0 : i32
          %dma_wait3A_263 = tpu.memref_slice %run_scoped3A_2[%rem3A_258, %dma_wait3A_261, %dma_wait3A_262] : memref<2x128x128xf32, #tpu.memory_space<vmem>> -> memref<1x128x128xf32, #tpu.memory_space<vmem>>
          %dma_wait3A_264 = tpu.memref_squeeze %dma_wait3A_263 : memref<1x128x128xf32, #tpu.memory_space<vmem>> -> memref<128x128xf32, #tpu.memory_space<vmem>>
          %dma_wait3A_265 = arith.constant 0 : i32
          %dma_wait3A_266 = tpu.memref_slice %arg4[%mul3A_260, %dma_wait3A_265] : memref<10240x128xf32, #tpu.memory_space<hbm>> -> memref<128x128xf32, #tpu.memory_space<hbm>>
          %dma_wait3A_267 = tpu.memref_slice %run_scoped3A_3[%rem3A_258] : memref<2x!tpu.dma_semaphore, #tpu.memory_space<semaphore_mem>> -> memref<1x!tpu.dma_semaphore, #tpu.memory_space<semaphore_mem>>
          %dma_wait3A_268 = tpu.memref_squeeze %dma_wait3A_267 : memref<1x!tpu.dma_semaphore, #tpu.memory_space<semaphore_mem>> -> memref<!tpu.dma_semaphore, #tpu.memory_space<semaphore_mem>>
          %dma_wait3A_269 = arith.constant 0 : i32
          %dma_wait3A_270 = tpu.memref_slice %arg4[%mul3A_260, %dma_wait3A_269] : memref<10240x128xf32, #tpu.memory_space<hbm>> -> memref<128x128xf32, #tpu.memory_space<hbm>>
          %dma_wait3A_271 = arith.constant 0 : i32
          %dma_wait3A_272 = arith.constant 0 : i32
          %dma_wait3A_273 = tpu.memref_slice %run_scoped3A_2[%rem3A_258, %dma_wait3A_271, %dma_wait3A_272] : memref<2x128x128xf32, #tpu.memory_space<vmem>> -> memref<1x128x128xf32, #tpu.memory_space<vmem>>
          %dma_wait3A_274 = tpu.memref_squeeze %dma_wait3A_273 : memref<1x128x128xf32, #tpu.memory_space<vmem>> -> memref<128x128xf32, #tpu.memory_space<vmem>>
          tpu.wait_dma2 semaphore(%dma_wait3A_268 : memref<!tpu.dma_semaphore, #tpu.memory_space<semaphore_mem>>) src(%dma_wait3A_274 : memref<128x128xf32, #tpu.memory_space<vmem>>) dst(%dma_wait3A_270 : memref<128x128xf32, #tpu.memory_space<hbm>>)
          "tpu.trace_stop"() : () -> ()
        } else {
        }
        %and3A_237 = arith.constant true
        %and3A_238 = arith.andi %and3A_233, %and3A_237 : i1
        %add3A_239 = arith.constant 1 : i32
        %add3A_240 = arith.addi %scan3A_118, %add3A_239 : i32
        %select_n3A_241 = arith.select %and3A_238, %add3A_240, %scan3A_118 : i32
        %ne3A_242 = arith.cmpi ne, %add3A_124, %add3A_142 : i32
        %or3A_243 = arith.constant false
        %or3A_244 = arith.ori %or3A_243, %ne3A_242 : i1
        %or3A_245 = arith.ori %or3A_244, %eq3A_123 : i1
        %add3A_246 = arith.constant 1 : i32
        %add3A_247 = arith.addi %scan3A_116, %add3A_246 : i32
        %select_n3A_248 = arith.select %or3A_245, %add3A_247, %scan3A_116 : i32
        %add3A_249 = arith.constant 1 : i32
        %add3A_250 = arith.addi %scan3A_119, %add3A_249 : i32
        %select_n3A_251 = arith.constant true
        %select_n3A_252 = arith.select %select_n3A_251, %add3A_250, %scan3A_119 : i32
        %eq3A_253 = arith.constant 5 : i32
        %eq3A_254 = arith.cmpi eq, %select_n3A_252, %eq3A_253 : i32
        %select_n3A_255 = arith.constant 0 : i32
        %select_n3A_256 = arith.select %eq3A_254, %select_n3A_255, %select_n3A_252 : i32
        scf.yield %select_n3A_160, %select_n3A_248, %select_n3A_214, %select_n3A_241, %select_n3A_256 : i32, i32, i32, i32, i32
      }
      %scan3A_61 = arith.constant 5 : i32
      %sub3A = arith.constant 1 : i32
      %sub3A_62 = arith.subi %scan3A_60#4, %sub3A : i32
      %select_n3A_63 = arith.constant true
      %select_n3A_64 = arith.select %select_n3A_63, %sub3A_62, %scan3A_60#4 : i32
      %eq3A_65 = arith.constant -1 : i32
      %eq3A_66 = arith.cmpi eq, %select_n3A_64, %eq3A_65 : i32
      %select_n3A_67 = arith.constant 4 : i32
      %select_n3A_68 = arith.select %eq3A_66, %select_n3A_67, %select_n3A_64 : i32
      %add3A_69 = arith.addi %select_n3A_68, %mul3A_0 : i32
      %sub3A_70 = arith.constant 1 : i32
      %sub3A_71 = arith.subi %select_n3A_68, %sub3A_70 : i32
      %select_n3A_72 = arith.constant true
      %select_n3A_73 = arith.select %select_n3A_72, %sub3A_71, %select_n3A_68 : i32
      %eq3A_74 = arith.constant -1 : i32
      %eq3A_75 = arith.cmpi eq, %select_n3A_73, %eq3A_74 : i32
      %select_n3A_76 = arith.constant 4 : i32
      %select_n3A_77 = arith.select %eq3A_75, %select_n3A_76, %select_n3A_73 : i32
      %add3A_78 = arith.addi %select_n3A_77, %mul3A_0 : i32
      %add3A_79 = arith.constant 1 : i32
      %add3A_80 = arith.addi %select_n3A_68, %add3A_79 : i32
      %select_n3A_81 = arith.constant true
      %select_n3A_82 = arith.select %select_n3A_81, %add3A_80, %select_n3A_68 : i32
      %eq3A_83 = arith.constant 5 : i32
      %eq3A_84 = arith.cmpi eq, %select_n3A_82, %eq3A_83 : i32
      %select_n3A_85 = arith.constant 0 : i32
      %select_n3A_86 = arith.select %eq3A_84, %select_n3A_85, %select_n3A_82 : i32
      %add3A_87 = arith.addi %select_n3A_86, %mul3A_0 : i32
      %add3A_88 = arith.constant 1 : i32
      %add3A_89 = arith.addi %select_n3A_86, %add3A_88 : i32
      %select_n3A_90 = arith.constant true
      %select_n3A_91 = arith.select %select_n3A_90, %add3A_89, %select_n3A_86 : i32
      %eq3A_92 = arith.constant 5 : i32
      %eq3A_93 = arith.cmpi eq, %select_n3A_91, %eq3A_92 : i32
      %select_n3A_94 = arith.constant 0 : i32
      %select_n3A_95 = arith.select %eq3A_93, %select_n3A_94, %select_n3A_91 : i32
      %add3A_96 = arith.addi %select_n3A_95, %mul3A_0 : i32
      "tpu.trace_start"() <{level = 10 : i32, message = "ep_finalize"}> : () -> ()
      %rem3A_97 = arith.constant 2 : i32
      %rem3A_98 = arith.remui %scan3A_60#3, %rem3A_97 : i32
      %mul3A_99 = arith.constant 128 : i32
      %mul3A_100 = arith.muli %mul3A_99, %add3A_69 : i32
      %dma_wait3A = arith.constant 0 : i32
      %dma_wait3A_101 = arith.constant 0 : i32
      %dma_wait3A_102 = tpu.memref_slice %run_scoped3A_2[%rem3A_98, %dma_wait3A, %dma_wait3A_101] : memref<2x128x128xf32, #tpu.memory_space<vmem>> -> memref<1x128x128xf32, #tpu.memory_space<vmem>>
      %dma_wait3A_103 = tpu.memref_squeeze %dma_wait3A_102 : memref<1x128x128xf32, #tpu.memory_space<vmem>> -> memref<128x128xf32, #tpu.memory_space<vmem>>
      %dma_wait3A_104 = arith.constant 0 : i32
      %dma_wait3A_105 = tpu.memref_slice %arg4[%mul3A_100, %dma_wait3A_104] : memref<10240x128xf32, #tpu.memory_space<hbm>> -> memref<128x128xf32, #tpu.memory_space<hbm>>
      %dma_wait3A_106 = tpu.memref_slice %run_scoped3A_3[%rem3A_98] : memref<2x!tpu.dma_semaphore, #tpu.memory_space<semaphore_mem>> -> memref<1x!tpu.dma_semaphore, #tpu.memory_space<semaphore_mem>>
      %dma_wait3A_107 = tpu.memref_squeeze %dma_wait3A_106 : memref<1x!tpu.dma_semaphore, #tpu.memory_space<semaphore_mem>> -> memref<!tpu.dma_semaphore, #tpu.memory_space<semaphore_mem>>
      %dma_wait3A_108 = arith.constant 0 : i32
      %dma_wait3A_109 = tpu.memref_slice %arg4[%mul3A_100, %dma_wait3A_108] : memref<10240x128xf32, #tpu.memory_space<hbm>> -> memref<128x128xf32, #tpu.memory_space<hbm>>
      %dma_wait3A_110 = arith.constant 0 : i32
      %dma_wait3A_111 = arith.constant 0 : i32
      %dma_wait3A_112 = tpu.memref_slice %run_scoped3A_2[%rem3A_98, %dma_wait3A_110, %dma_wait3A_111] : memref<2x128x128xf32, #tpu.memory_space<vmem>> -> memref<1x128x128xf32, #tpu.memory_space<vmem>>
      %dma_wait3A_113 = tpu.memref_squeeze %dma_wait3A_112 : memref<1x128x128xf32, #tpu.memory_space<vmem>> -> memref<128x128xf32, #tpu.memory_space<vmem>>
      tpu.wait_dma2 semaphore(%dma_wait3A_107 : memref<!tpu.dma_semaphore, #tpu.memory_space<semaphore_mem>>) src(%dma_wait3A_113 : memref<128x128xf32, #tpu.memory_space<vmem>>) dst(%dma_wait3A_109 : memref<128x128xf32, #tpu.memory_space<hbm>>)
      "tpu.trace_stop"() : () -> ()
      tpu.yield
    }) : () -> ()
    return
  }
}

module attributes {stable_mosaic.version = 14 : i64} {
  func.func @_prep_body(%arg0: i32, %arg1: memref<2560x128xf32, #tpu.memory_space<vmem>>, %arg2: memref<2560x128xf32, #tpu.memory_space<vmem>>, %arg3: memref<2560x128xf32, #tpu.memory_space<vmem>>, %arg4: memref<2560x128xf32, #tpu.memory_space<vmem>>) attributes {dimension_semantics = [#tpu.dimension_semantics<arbitrary>], iteration_bounds = array<i64: 1>, scalar_prefetch = 0 : i64, scratch_operands = 0 : i64, tpu.core_type = #tpu.core_type<tc>, window_params = [{pipeline_mode = #tpu.pipeline_mode<synchronous>, transform_indices = @transform_0, window_bounds = array<i64: 2560, 128>}, {pipeline_mode = #tpu.pipeline_mode<synchronous>, transform_indices = @transform_1, window_bounds = array<i64: 2560, 128>}, {pipeline_mode = #tpu.pipeline_mode<synchronous>, transform_indices = @transform_2, window_bounds = array<i64: 2560, 128>}, {pipeline_mode = #tpu.pipeline_mode<synchronous>, transform_indices = @transform_3, window_bounds = array<i64: 2560, 128>}]} {
    %get3A = arith.constant 0 : index
    %get3A_0 = arith.constant 0 : index
    %get3A_1 = vector.load %arg1[%get3A, %get3A_0] : memref<2560x128xf32, #tpu.memory_space<vmem>>, vector<2560x128xf32>
    %get3A_2 = arith.constant 0 : index
    %get3A_3 = arith.constant 0 : index
    %get3A_4 = vector.load %arg2[%get3A_2, %get3A_3] : memref<2560x128xf32, #tpu.memory_space<vmem>>, vector<2560x128xf32>
    %get3A_5 = arith.constant 0 : index
    %get3A_6 = arith.constant 0 : index
    %get3A_7 = vector.load %arg3[%get3A_5, %get3A_6] : memref<2560x128xf32, #tpu.memory_space<vmem>>, vector<2560x128xf32>
    %mul3A = arith.mulf %get3A_1, %get3A_1 : vector<2560x128xf32>
    %mul3A_8 = arith.mulf %get3A_4, %get3A_4 : vector<2560x128xf32>
    %add3A = arith.addf %mul3A, %mul3A_8 : vector<2560x128xf32>
    %mul3A_9 = arith.mulf %get3A_7, %get3A_7 : vector<2560x128xf32>
    %add3A_10 = arith.addf %add3A, %mul3A_9 : vector<2560x128xf32>
    %swap3A = arith.constant 0 : index
    %swap3A_11 = arith.constant 0 : index
    %swap3A_12 = vector.load %arg4[%swap3A, %swap3A_11] : memref<2560x128xf32, #tpu.memory_space<vmem>>, vector<2560x128xf32>
    tpu.vector_store %arg4[%swap3A, %swap3A_11], %add3A_10 {strides = array<i32>} : memref<2560x128xf32, #tpu.memory_space<vmem>>, vector<2560x128xf32>,
    return
  }
  func.func @transform_0(%arg0: i32) -> (i32, i32) {
    %c0_i32 = arith.constant 0 : i32
    %c0_i32_0 = arith.constant 0 : i32
    %c0_i32_1 = arith.constant 0 : i32
    return %c0_i32, %c0_i32_0 : i32, i32
  }
  func.func @transform_1(%arg0: i32) -> (i32, i32) {
    %c0_i32 = arith.constant 0 : i32
    %c0_i32_0 = arith.constant 0 : i32
    %c0_i32_1 = arith.constant 0 : i32
    return %c0_i32, %c0_i32_0 : i32, i32
  }
  func.func @transform_2(%arg0: i32) -> (i32, i32) {
    %c0_i32 = arith.constant 0 : i32
    %c0_i32_0 = arith.constant 0 : i32
    %c0_i32_1 = arith.constant 0 : i32
    return %c0_i32, %c0_i32_0 : i32, i32
  }
  func.func @transform_3(%arg0: i32) -> (i32, i32) {
    %c0_i32 = arith.constant 0 : i32
    %c0_i32_0 = arith.constant 0 : i32
    %c0_i32_1 = arith.constant 0 : i32
    return %c0_i32, %c0_i32_0 : i32, i32
  }
}

module attributes {stable_mosaic.version = 14 : i64} {
  func.func @_xl_body(%arg0: i32, %arg1: memref<128x128xf32, #tpu.memory_space<vmem>>, %arg2: memref<128x32xf32, #tpu.memory_space<vmem>>, %arg3: memref<128x32xf32, #tpu.memory_space<vmem>>) attributes {dimension_semantics = [#tpu.dimension_semantics<arbitrary>], iteration_bounds = array<i64: 80>, scalar_prefetch = 0 : i64, scratch_operands = 0 : i64, tpu.core_type = #tpu.core_type<tc>, window_params = [{transform_indices = @transform_0, window_bounds = array<i64: 128, 128>}, {pipeline_mode = #tpu.pipeline_mode<synchronous>, transform_indices = @transform_1, window_bounds = array<i64: 128, 32>}, {transform_indices = @transform_2, window_bounds = array<i64: 128, 32>}]} {
    %get3A = arith.constant 0 : index
    %get3A_0 = arith.constant 0 : index
    %get3A_1 = vector.load %arg1[%get3A, %get3A_0] : memref<128x128xf32, #tpu.memory_space<vmem>>, vector<128x128xf32>
    %get3A_2 = arith.constant 0 : index
    %get3A_3 = arith.constant 0 : index
    %get3A_4 = vector.load %arg2[%get3A_2, %get3A_3] : memref<128x32xf32, #tpu.memory_space<vmem>>, vector<128x32xf32>
    %dot_general3A = arith.constant dense<0.000000e+00> : vector<128x32xf32>
    %dot_general3A_5 = tpu.matmul %get3A_1, %get3A_4, %dot_general3A {dimension_numbers = #tpu.dot_dimension_numbers<[1], [0], [0], [1], [0, 0, 1, 1], [], []>, transpose_lhs_hint = false} : vector<128x128xf32>, vector<128x32xf32>, vector<128x32xf32> -> vector<128x32xf32>
    %swap3A = arith.constant 0 : index
    %swap3A_6 = arith.constant 0 : index
    %swap3A_7 = vector.load %arg3[%swap3A, %swap3A_6] : memref<128x32xf32, #tpu.memory_space<vmem>>, vector<128x32xf32>
    tpu.vector_store %arg3[%swap3A, %swap3A_6], %dot_general3A_5 {strides = array<i32>} : memref<128x32xf32, #tpu.memory_space<vmem>>, vector<128x32xf32>,
    return
  }
  func.func @transform_0(%arg0: i32) -> (i32, i32) {
    %c0_i32 = arith.constant 0 : i32
    %c0_i32_0 = arith.constant 0 : i32
    return %arg0, %c0_i32 : i32, i32
  }
  func.func @transform_1(%arg0: i32) -> (i32, i32) {
    %c0_i32 = arith.constant 0 : i32
    %c0_i32_0 = arith.constant 0 : i32
    %c0_i32_1 = arith.constant 0 : i32
    return %c0_i32, %c0_i32_0 : i32, i32
  }
  func.func @transform_2(%arg0: i32) -> (i32, i32) {
    %c0_i32 = arith.constant 0 : i32
    %c0_i32_0 = arith.constant 0 : i32
    return %arg0, %c0_i32 : i32, i32
  }
}

module attributes {stable_mosaic.version = 14 : i64} {
  func.func @_msg_body(%arg0: i32, %arg1: memref<160xi32, #tpu.memory_space<smem>>, %arg2: memref<160x320xi32, #tpu.memory_space<smem>>, %arg3: memref<64x8xf32, #tpu.memory_space<vmem>>, %arg4: memref<2560x128xf32, #tpu.memory_space<vmem>>, %arg5: memref<2560x128xf32, #tpu.memory_space<vmem>>, %arg6: memref<2560x128xf32, #tpu.memory_space<vmem>>, %arg7: memref<2560x128xf32, #tpu.memory_space<vmem>>, %arg8: memref<2560x128xi32, #tpu.memory_space<vmem>>, %arg9: memref<2560x128xf32, #tpu.memory_space<vmem>>, %arg10: memref<64x128xf32, #tpu.memory_space<vmem>>, %arg11: memref<8x128xf32, #tpu.memory_space<vmem>>, %arg12: memref<128x128xf32, #tpu.memory_space<vmem>>, %arg13: memref<8x128xf32, #tpu.memory_space<vmem>>, %arg14: memref<128x128xf32, #tpu.memory_space<vmem>>, %arg15: memref<8x128xf32, #tpu.memory_space<vmem>>, %arg16: memref<128x32xf32, #tpu.memory_space<vmem>>, %arg17: memref<32x128xf32, #tpu.memory_space<vmem>>, %arg18: memref<8x128xf32, #tpu.memory_space<vmem>>, %arg19: memref<128x128xf32, #tpu.memory_space<vmem>>, %arg20: memref<8x128xf32, #tpu.memory_space<vmem>>, %arg21: memref<64x128xf32, #tpu.memory_space<vmem>>) attributes {dimension_semantics = [#tpu.dimension_semantics<arbitrary>], iteration_bounds = array<i64: 160>, scalar_prefetch = 2 : i64, scratch_operands = 0 : i64, tpu.core_type = #tpu.core_type<tc>, window_params = [{transform_indices = @transform_0, window_bounds = array<i64: 64, 8>}, {pipeline_mode = #tpu.pipeline_mode<synchronous>, transform_indices = @transform_1, window_bounds = array<i64: 2560, 128>}, {pipeline_mode = #tpu.pipeline_mode<synchronous>, transform_indices = @transform_2, window_bounds = array<i64: 2560, 128>}, {pipeline_mode = #tpu.pipeline_mode<synchronous>, transform_indices = @transform_3, window_bounds = array<i64: 2560, 128>}, {pipeline_mode = #tpu.pipeline_mode<synchronous>, transform_indices = @transform_4, window_bounds = array<i64: 2560, 128>}, {pipeline_mode = #tpu.pipeline_mode<synchronous>, transform_indices = @transform_5, window_bounds = array<i64: 2560, 128>}, {pipeline_mode = #tpu.pipeline_mode<synchronous>, transform_indices = @transform_6, window_bounds = array<i64: 2560, 128>}, {transform_indices = @transform_7, window_bounds = array<i64: 64, 128>}, {pipeline_mode = #tpu.pipeline_mode<synchronous>, transform_indices = @transform_8, window_bounds = array<i64: 8, 128>}, {pipeline_mode = #tpu.pipeline_mode<synchronous>, transform_indices = @transform_9, window_bounds = array<i64: 128, 128>}, {pipeline_mode = #tpu.pipeline_mode<synchronous>, transform_indices = @transform_10, window_bounds = array<i64: 8, 128>}, {pipeline_mode = #tpu.pipeline_mode<synchronous>, transform_indices = @transform_11, window_bounds = array<i64: 128, 128>}, {pipeline_mode = #tpu.pipeline_mode<synchronous>, transform_indices = @transform_12, window_bounds = array<i64: 8, 128>}, {pipeline_mode = #tpu.pipeline_mode<synchronous>, transform_indices = @transform_13, window_bounds = array<i64: 128, 32>}, {pipeline_mode = #tpu.pipeline_mode<synchronous>, transform_indices = @transform_14, window_bounds = array<i64: 32, 128>}, {pipeline_mode = #tpu.pipeline_mode<synchronous>, transform_indices = @transform_15, window_bounds = array<i64: 8, 128>}, {pipeline_mode = #tpu.pipeline_mode<synchronous>, transform_indices = @transform_16, window_bounds = array<i64: 128, 128>}, {pipeline_mode = #tpu.pipeline_mode<synchronous>, transform_indices = @transform_17, window_bounds = array<i64: 8, 128>}, {transform_indices = @transform_18, window_bounds = array<i64: 64, 128>}]} {
    %get3A = arith.constant 0 : index
    %get3A_0 = arith.constant 0 : index
    %get3A_1 = vector.load %arg3[%get3A, %get3A_0] : memref<64x8xf32, #tpu.memory_space<vmem>>, vector<64x8xf32>
    %slice3A = vector.extract_strided_slice %get3A_1 {offsets = [0, 0], sizes = [64, 1], strides = [1, 1]} : vector<64x8xf32> to vector<64x1xf32>
    %reshape3A = vector.shape_cast %slice3A : vector<64x1xf32> to vector<64x1x1xf32>
    %slice3A_2 = vector.extract_strided_slice %get3A_1 {offsets = [0, 1], sizes = [64, 1], strides = [1, 1]} : vector<64x8xf32> to vector<64x1xf32>
    %reshape3A_3 = vector.shape_cast %slice3A_2 : vector<64x1xf32> to vector<64x1x1xf32>
    %slice3A_4 = vector.extract_strided_slice %get3A_1 {offsets = [0, 2], sizes = [64, 1], strides = [1, 1]} : vector<64x8xf32> to vector<64x1xf32>
    %reshape3A_5 = vector.shape_cast %slice3A_4 : vector<64x1xf32> to vector<64x1x1xf32>
    %mul3A = arith.mulf %reshape3A, %reshape3A : vector<64x1x1xf32>
    %mul3A_6 = arith.mulf %reshape3A_3, %reshape3A_3 : vector<64x1x1xf32>
    %add3A = arith.addf %mul3A, %mul3A_6 : vector<64x1x1xf32>
    %mul3A_7 = arith.mulf %reshape3A_5, %reshape3A_5 : vector<64x1x1xf32>
    %add3A_8 = arith.addf %add3A, %mul3A_7 : vector<64x1x1xf32>
    %iota3A = tpu.iota {dimensions = array<i32: 0>} : vector<64x1x1xi32>
    %mul3A_9 = arith.constant 64 : i32
    %mul3A_10 = arith.muli %arg0, %mul3A_9 : i32
    %add3A_11 = vector.broadcast %mul3A_10 : i32 to vector<64x1x1xi32>
    %add3A_12 = arith.addi %iota3A, %add3A_11 : vector<64x1x1xi32>
    %get3A_13 = arith.constant 0 : index
    %get3A_14 = arith.constant 0 : index
    %get3A_15 = vector.load %arg12[%get3A_13, %get3A_14] : memref<128x128xf32, #tpu.memory_space<vmem>>, vector<128x128xf32>
    %get3A_16 = arith.constant 0 : index
    %get3A_17 = arith.constant 0 : index
    %get3A_18 = vector.load %arg13[%get3A_16, %get3A_17] : memref<8x128xf32, #tpu.memory_space<vmem>>, vector<1x128xf32>
    %reshape3A_19 = vector.shape_cast %get3A_18 : vector<1x128xf32> to vector<1x1x128xf32>
    %get3A_20 = arith.constant 0 : index
    %get3A_21 = arith.constant 0 : index
    %get3A_22 = vector.load %arg14[%get3A_20, %get3A_21] : memref<128x128xf32, #tpu.memory_space<vmem>>, vector<128x128xf32>
    %get3A_23 = arith.constant 0 : index
    %get3A_24 = arith.constant 0 : index
    %get3A_25 = vector.load %arg15[%get3A_23, %get3A_24] : memref<8x128xf32, #tpu.memory_space<vmem>>, vector<1x128xf32>
    %reshape3A_26 = vector.shape_cast %get3A_25 : vector<1x128xf32> to vector<1x1x128xf32>
    %get3A_27 = arith.constant 0 : index
    %get3A_28 = arith.constant 0 : index
    %get3A_29 = vector.load %arg11[%get3A_27, %get3A_28] : memref<8x128xf32, #tpu.memory_space<vmem>>, vector<1x128xf32>
    %reshape3A_30 = vector.shape_cast %get3A_29 : vector<1x128xf32> to vector<1x1x128xf32>
    %get3A_31 = arith.index_cast %arg0 : i32 to index
    %get3A_32 = memref.load %arg1[%get3A_31] : memref<160xi32, #tpu.memory_space<smem>>
    %broadcast_in_dim3A = arith.constant 0.000000e+00 : f32
    %broadcast_in_dim3A_33 = vector.broadcast %broadcast_in_dim3A : f32 to vector<64x128xf32>
    %while3A = arith.constant 0 : i32
    %while3A_34 = arith.subi %get3A_32, %while3A : i32
    %while3A_35 = arith.addi %while3A, %while3A_34 : i32
    %while3A_36 = arith.constant 1 : i32
    %while3A_37 = arith.divsi %while3A_34, %while3A_36 : i32
    %while3A_38 = arith.muli %while3A_37, %while3A_36 : i32
    %while3A_39 = arith.addi %while3A, %while3A_38 : i32
    %while3A_40 = arith.constant 1 : i32
    %while3A_41 = scf.for %while3A_84 = %while3A to %while3A_39 step %while3A_40 iter_args(%while3A_85 = %broadcast_in_dim3A_33) -> (vector<64x128xf32>)  : i32 {
      %get3A_86 = arith.index_cast %arg0 : i32 to index
      %get3A_87 = arith.index_cast %while3A_84 : i32 to index
      %get3A_88 = memref.load %arg2[%get3A_86, %get3A_87] : memref<160x320xi32, #tpu.memory_space<smem>>
      %mul3A_89 = arith.constant 8 : i32
      %mul3A_90 = arith.muli %get3A_88, %mul3A_89 : i32
      %get3A_91 = arith.index_cast %mul3A_90 : i32 to index
      %get3A_92 = arith.constant 0 : index
      %get3A_93 = vector.load %arg4[%get3A_91, %get3A_92] : memref<2560x128xf32, #tpu.memory_space<vmem>>, vector<8x128xf32>
      %reshape3A_94 = vector.shape_cast %get3A_93 : vector<8x128xf32> to vector<1x8x128xf32>
      %get3A_95 = arith.index_cast %mul3A_90 : i32 to index
      %get3A_96 = arith.constant 0 : index
      %get3A_97 = vector.load %arg5[%get3A_95, %get3A_96] : memref<2560x128xf32, #tpu.memory_space<vmem>>, vector<8x128xf32>
      %reshape3A_98 = vector.shape_cast %get3A_97 : vector<8x128xf32> to vector<1x8x128xf32>
      %get3A_99 = arith.index_cast %mul3A_90 : i32 to index
      %get3A_100 = arith.constant 0 : index
      %get3A_101 = vector.load %arg6[%get3A_99, %get3A_100] : memref<2560x128xf32, #tpu.memory_space<vmem>>, vector<8x128xf32>
      %reshape3A_102 = vector.shape_cast %get3A_101 : vector<8x128xf32> to vector<1x8x128xf32>
      %get3A_103 = arith.index_cast %mul3A_90 : i32 to index
      %get3A_104 = arith.constant 0 : index
      %get3A_105 = vector.load %arg7[%get3A_103, %get3A_104] : memref<2560x128xf32, #tpu.memory_space<vmem>>, vector<8x128xf32>
      %reshape3A_106 = vector.shape_cast %get3A_105 : vector<8x128xf32> to vector<1x8x128xf32>
      %get3A_107 = arith.index_cast %mul3A_90 : i32 to index
      %get3A_108 = arith.constant 0 : index
      %get3A_109 = vector.load %arg8[%get3A_107, %get3A_108] : memref<2560x128xi32, #tpu.memory_space<vmem>>, vector<8x128xi32>
      %reshape3A_110 = vector.shape_cast %get3A_109 : vector<8x128xi32> to vector<1x8x128xi32>
      %mul3A_111 = vector.broadcast %reshape3A : vector<64x1x1xf32> to vector<64x8x128xf32>
      %mul3A_112 = vector.broadcast %reshape3A_94 : vector<1x8x128xf32> to vector<64x8x128xf32>
      %mul3A_113 = arith.mulf %mul3A_111, %mul3A_112 : vector<64x8x128xf32>
      %mul3A_114 = vector.broadcast %reshape3A_3 : vector<64x1x1xf32> to vector<64x8x128xf32>
      %mul3A_115 = vector.broadcast %reshape3A_98 : vector<1x8x128xf32> to vector<64x8x128xf32>
      %mul3A_116 = arith.mulf %mul3A_114, %mul3A_115 : vector<64x8x128xf32>
      %add3A_117 = arith.addf %mul3A_113, %mul3A_116 : vector<64x8x128xf32>
      %mul3A_118 = vector.broadcast %reshape3A_5 : vector<64x1x1xf32> to vector<64x8x128xf32>
      %mul3A_119 = vector.broadcast %reshape3A_102 : vector<1x8x128xf32> to vector<64x8x128xf32>
      %mul3A_120 = arith.mulf %mul3A_118, %mul3A_119 : vector<64x8x128xf32>
      %add3A_121 = arith.addf %add3A_117, %mul3A_120 : vector<64x8x128xf32>
      %add3A_122 = vector.broadcast %add3A_8 : vector<64x1x1xf32> to vector<64x8x128xf32>
      %add3A_123 = vector.broadcast %reshape3A_106 : vector<1x8x128xf32> to vector<64x8x128xf32>
      %add3A_124 = arith.addf %add3A_122, %add3A_123 : vector<64x8x128xf32>
      %mul3A_125 = arith.constant 2.000000e+00 : f32
      %mul3A_126 = vector.broadcast %mul3A_125 : f32 to vector<64x8x128xf32>
      %mul3A_127 = arith.mulf %mul3A_126, %add3A_121 : vector<64x8x128xf32>
      %sub3A_128 = arith.subf %add3A_124, %mul3A_127 : vector<64x8x128xf32>
      %lt3A = arith.constant 6.250000e+00 : f32
      %lt3A_129 = vector.broadcast %lt3A : f32 to vector<64x8x128xf32>
      %lt3A_130 = arith.cmpf olt, %sub3A_128, %lt3A_129 : vector<64x8x128xf32>
      %ne3A_131 = vector.broadcast %add3A_12 : vector<64x1x1xi32> to vector<64x8x128xi32>
      %ne3A_132 = vector.broadcast %reshape3A_110 : vector<1x8x128xi32> to vector<64x8x128xi32>
      %ne3A_133 = arith.cmpi ne, %ne3A_131, %ne3A_132 : vector<64x8x128xi32>
      %and3A = arith.andi %lt3A_130, %ne3A_133 : vector<64x8x128xi1>
      %max3A_134 = arith.constant 0.000000e+00 : f32
      %max3A_135 = vector.broadcast %max3A_134 : f32 to vector<64x8x128xf32>
      %max3A_136 = arith.maximumf %sub3A_128, %max3A_135 : vector<64x8x128xf32>
      %add3A_137 = arith.constant 9.99999996E-13 : f32
      %add3A_138 = vector.broadcast %add3A_137 : f32 to vector<64x8x128xf32>
      %add3A_139 = arith.addf %max3A_136, %add3A_138 : vector<64x8x128xf32>
      %sqrt3A = math.sqrt %add3A_139 : vector<64x8x128xf32>
      %sub3A_140 = vector.broadcast %reshape3A_30 : vector<1x1x128xf32> to vector<64x8x128xf32>
      %sub3A_141 = arith.subf %sqrt3A, %sub3A_140 : vector<64x8x128xf32>
      %mul3A_142 = arith.mulf %sub3A_141, %sub3A_141 : vector<64x8x128xf32>
      %mul3A_143 = arith.constant -2.888000e+01 : f32
      %mul3A_144 = vector.broadcast %mul3A_143 : f32 to vector<64x8x128xf32>
      %mul3A_145 = arith.mulf %mul3A_144, %mul3A_142 : vector<64x8x128xf32>
      %exp3A_146 = math.exp %mul3A_145 : vector<64x8x128xf32>
      %reshape3A_147 = vector.shape_cast %exp3A_146 : vector<64x8x128xf32> to vector<512x128xf32>
      %dot_general3A_148 = arith.constant dense<0.000000e+00> : vector<512x128xf32>
      %dot_general3A_149 = tpu.matmul %reshape3A_147, %get3A_15, %dot_general3A_148 {dimension_numbers = #tpu.dot_dimension_numbers<[1], [0], [0], [1], [0, 0, 1, 1], [], []>, transpose_lhs_hint = false} : vector<512x128xf32>, vector<128x128xf32>, vector<512x128xf32> -> vector<512x128xf32>
      %reshape3A_150 = vector.shape_cast %dot_general3A_149 : vector<512x128xf32> to vector<64x8x128xf32>
      %add3A_151 = vector.broadcast %reshape3A_19 : vector<1x1x128xf32> to vector<64x8x128xf32>
      %add3A_152 = arith.addf %reshape3A_150, %add3A_151 : vector<64x8x128xf32>
      %custom_jvp_call3A_153 = arith.constant 0.000000e+00 : f32
      %max3A_154 = vector.broadcast %custom_jvp_call3A_153 : f32 to vector<64x8x128xf32>
      %max3A_155 = arith.maximumf %add3A_152, %max3A_154 : vector<64x8x128xf32>
      %sub3A_156 = vector.broadcast %custom_jvp_call3A_153 : f32 to vector<64x8x128xf32>
      %sub3A_157 = arith.subf %add3A_152, %sub3A_156 : vector<64x8x128xf32>
      %ne3A_158 = arith.cmpf one, %sub3A_157, %sub3A_157 : vector<64x8x128xf32>
      %add3A_159 = vector.broadcast %custom_jvp_call3A_153 : f32 to vector<64x8x128xf32>
      %add3A_160 = arith.addf %add3A_152, %add3A_159 : vector<64x8x128xf32>
      %abs3A_161 = math.absf %sub3A_157 : vector<64x8x128xf32>
      %neg3A_162 = arith.constant 0.000000e+00 : f32
      %neg3A_163 = vector.broadcast %neg3A_162 : f32 to vector<64x8x128xf32>
      %neg3A_164 = arith.subf %neg3A_163, %abs3A_161 : vector<64x8x128xf32>
      %exp3A_165 = math.exp %neg3A_164 : vector<64x8x128xf32>
      %log1p3A_166 = math.log1p %exp3A_165 : vector<64x8x128xf32>
      %add3A_167 = arith.addf %max3A_155, %log1p3A_166 : vector<64x8x128xf32>
      %select_n3A_168 = arith.select %ne3A_158, %add3A_160, %add3A_167 : vector<64x8x128xi1>, vector<64x8x128xf32>
      %sub3A_169 = arith.constant 0.693147182 : f32
      %sub3A_170 = vector.broadcast %sub3A_169 : f32 to vector<64x8x128xf32>
      %sub3A_171 = arith.subf %select_n3A_168, %sub3A_170 : vector<64x8x128xf32>
      %reshape3A_172 = vector.shape_cast %sub3A_171 : vector<64x8x128xf32> to vector<512x128xf32>
      %dot_general3A_173 = arith.constant dense<0.000000e+00> : vector<512x128xf32>
      %dot_general3A_174 = tpu.matmul %reshape3A_172, %get3A_22, %dot_general3A_173 {dimension_numbers = #tpu.dot_dimension_numbers<[1], [0], [0], [1], [0, 0, 1, 1], [], []>, transpose_lhs_hint = false} : vector<512x128xf32>, vector<128x128xf32>, vector<512x128xf32> -> vector<512x128xf32>
      %reshape3A_175 = vector.shape_cast %dot_general3A_174 : vector<512x128xf32> to vector<64x8x128xf32>
      %add3A_176 = vector.broadcast %reshape3A_26 : vector<1x1x128xf32> to vector<64x8x128xf32>
      %add3A_177 = arith.addf %reshape3A_175, %add3A_176 : vector<64x8x128xf32>
      %broadcast_in_dim3A_178 = arith.constant 1.59673067E-12 : f32
      %broadcast_in_dim3A_179 = vector.broadcast %broadcast_in_dim3A_178 : f32 to vector<64x8x128xf32>
      %mul3A_180 = arith.mulf %broadcast_in_dim3A_179, %add3A_139 : vector<64x8x128xf32>
      %add3A_181 = arith.constant -2.77986467E-10 : f32
      %add3A_182 = vector.broadcast %add3A_181 : f32 to vector<64x8x128xf32>
      %add3A_183 = arith.addf %mul3A_180, %add3A_182 : vector<64x8x128xf32>
      %mul3A_184 = arith.mulf %add3A_183, %add3A_139 : vector<64x8x128xf32>
      %add3A_185 = arith.constant 3.23545422E-8 : f32
      %add3A_186 = vector.broadcast %add3A_185 : f32 to vector<64x8x128xf32>
      %add3A_187 = arith.addf %mul3A_184, %add3A_186 : vector<64x8x128xf32>
      %mul3A_188 = arith.mulf %add3A_187, %add3A_139 : vector<64x8x128xf32>
      %add3A_189 = arith.constant -2.70598025E-6 : f32
      %add3A_190 = vector.broadcast %add3A_189 : f32 to vector<64x8x128xf32>
      %add3A_191 = arith.addf %mul3A_188, %add3A_190 : vector<64x8x128xf32>
      %mul3A_192 = arith.mulf %add3A_191, %add3A_139 : vector<64x8x128xf32>
      %add3A_193 = arith.constant 1.54226131E-4 : f32
      %add3A_194 = vector.broadcast %add3A_193 : f32 to vector<64x8x128xf32>
      %add3A_195 = arith.addf %mul3A_192, %add3A_194 : vector<64x8x128xf32>
      %mul3A_196 = arith.mulf %add3A_195, %add3A_139 : vector<64x8x128xf32>
      %add3A_197 = arith.constant -0.00546923606 : f32
      %add3A_198 = vector.broadcast %add3A_197 : f32 to vector<64x8x128xf32>
      %add3A_199 = arith.addf %mul3A_196, %add3A_198 : vector<64x8x128xf32>
      %mul3A_200 = arith.mulf %add3A_199, %add3A_139 : vector<64x8x128xf32>
      %add3A_201 = arith.constant 0.103903033 : f32
      %add3A_202 = vector.broadcast %add3A_201 : f32 to vector<64x8x128xf32>
      %add3A_203 = arith.addf %mul3A_200, %add3A_202 : vector<64x8x128xf32>
      %mul3A_204 = arith.mulf %add3A_203, %add3A_139 : vector<64x8x128xf32>
      %add3A_205 = arith.constant -0.789568364 : f32
      %add3A_206 = vector.broadcast %add3A_205 : f32 to vector<64x8x128xf32>
      %add3A_207 = arith.addf %mul3A_204, %add3A_206 : vector<64x8x128xf32>
      %mul3A_208 = arith.mulf %add3A_207, %add3A_139 : vector<64x8x128xf32>
      %add3A_209 = arith.constant 1.000000e+00 : f32
      %add3A_210 = vector.broadcast %add3A_209 : f32 to vector<64x8x128xf32>
      %add3A_211 = arith.addf %mul3A_208, %add3A_210 : vector<64x8x128xf32>
      %add3A_212 = arith.constant 1.000000e+00 : f32
      %add3A_213 = vector.broadcast %add3A_212 : f32 to vector<64x8x128xf32>
      %add3A_214 = arith.addf %add3A_211, %add3A_213 : vector<64x8x128xf32>
      %mul3A_215 = arith.constant 5.000000e-01 : f32
      %mul3A_216 = vector.broadcast %mul3A_215 : f32 to vector<64x8x128xf32>
      %mul3A_217 = arith.mulf %mul3A_216, %add3A_214 : vector<64x8x128xf32>
      %jit3A = arith.constant 0.000000e+00 : f32
      %broadcast_in_dim3A_218 = vector.broadcast %jit3A : f32 to vector<64x8x128xf32>
      %select_n3A_219 = arith.select %and3A, %mul3A_217, %broadcast_in_dim3A_218 : vector<64x8x128xi1>, vector<64x8x128xf32>
      %get3A_220 = arith.index_cast %mul3A_90 : i32 to index
      %get3A_221 = arith.constant 0 : index
      %get3A_222 = vector.load %arg9[%get3A_220, %get3A_221] : memref<2560x128xf32, #tpu.memory_space<vmem>>, vector<8x128xf32>
      %reshape3A_223 = vector.shape_cast %get3A_222 : vector<8x128xf32> to vector<1x8x128xf32>
      %mul3A_224 = arith.mulf %add3A_177, %select_n3A_219 : vector<64x8x128xf32>
      %mul3A_225 = vector.broadcast %reshape3A_223 : vector<1x8x128xf32> to vector<64x8x128xf32>
      %mul3A_226 = arith.mulf %mul3A_224, %mul3A_225 : vector<64x8x128xf32>
      %reduce_sum3A = arith.constant dense<0.000000e+00> : vector<64x128xf32>
      %reduce_sum3A_227 = vector.multi_reduction <add>, %mul3A_226, %reduce_sum3A [1] : vector<64x8x128xf32> to vector<64x128xf32>
      %add3A_228 = arith.addf %while3A_85, %reduce_sum3A_227 : vector<64x128xf32>
      scf.yield %add3A_228 : vector<64x128xf32>
    }
    %while3A_42 = arith.constant 1 : i32
    %while3A_43 = scf.for %while3A_84 = %while3A_39 to %while3A_35 step %while3A_42 iter_args(%while3A_85 = %while3A_41) -> (vector<64x128xf32>)  : i32 {
      %get3A_86 = arith.index_cast %arg0 : i32 to index
      %get3A_87 = arith.index_cast %while3A_84 : i32 to index
      %get3A_88 = memref.load %arg2[%get3A_86, %get3A_87] : memref<160x320xi32, #tpu.memory_space<smem>>
      %mul3A_89 = arith.constant 8 : i32
      %mul3A_90 = arith.muli %get3A_88, %mul3A_89 : i32
      %get3A_91 = arith.index_cast %mul3A_90 : i32 to index
      %get3A_92 = arith.constant 0 : index
      %get3A_93 = vector.load %arg4[%get3A_91, %get3A_92] : memref<2560x128xf32, #tpu.memory_space<vmem>>, vector<8x128xf32>
      %reshape3A_94 = vector.shape_cast %get3A_93 : vector<8x128xf32> to vector<1x8x128xf32>
      %get3A_95 = arith.index_cast %mul3A_90 : i32 to index
      %get3A_96 = arith.constant 0 : index
      %get3A_97 = vector.load %arg5[%get3A_95, %get3A_96] : memref<2560x128xf32, #tpu.memory_space<vmem>>, vector<8x128xf32>
      %reshape3A_98 = vector.shape_cast %get3A_97 : vector<8x128xf32> to vector<1x8x128xf32>
      %get3A_99 = arith.index_cast %mul3A_90 : i32 to index
      %get3A_100 = arith.constant 0 : index
      %get3A_101 = vector.load %arg6[%get3A_99, %get3A_100] : memref<2560x128xf32, #tpu.memory_space<vmem>>, vector<8x128xf32>
      %reshape3A_102 = vector.shape_cast %get3A_101 : vector<8x128xf32> to vector<1x8x128xf32>
      %get3A_103 = arith.index_cast %mul3A_90 : i32 to index
      %get3A_104 = arith.constant 0 : index
      %get3A_105 = vector.load %arg7[%get3A_103, %get3A_104] : memref<2560x128xf32, #tpu.memory_space<vmem>>, vector<8x128xf32>
      %reshape3A_106 = vector.shape_cast %get3A_105 : vector<8x128xf32> to vector<1x8x128xf32>
      %get3A_107 = arith.index_cast %mul3A_90 : i32 to index
      %get3A_108 = arith.constant 0 : index
      %get3A_109 = vector.load %arg8[%get3A_107, %get3A_108] : memref<2560x128xi32, #tpu.memory_space<vmem>>, vector<8x128xi32>
      %reshape3A_110 = vector.shape_cast %get3A_109 : vector<8x128xi32> to vector<1x8x128xi32>
      %mul3A_111 = vector.broadcast %reshape3A : vector<64x1x1xf32> to vector<64x8x128xf32>
      %mul3A_112 = vector.broadcast %reshape3A_94 : vector<1x8x128xf32> to vector<64x8x128xf32>
      %mul3A_113 = arith.mulf %mul3A_111, %mul3A_112 : vector<64x8x128xf32>
      %mul3A_114 = vector.broadcast %reshape3A_3 : vector<64x1x1xf32> to vector<64x8x128xf32>
      %mul3A_115 = vector.broadcast %reshape3A_98 : vector<1x8x128xf32> to vector<64x8x128xf32>
      %mul3A_116 = arith.mulf %mul3A_114, %mul3A_115 : vector<64x8x128xf32>
      %add3A_117 = arith.addf %mul3A_113, %mul3A_116 : vector<64x8x128xf32>
      %mul3A_118 = vector.broadcast %reshape3A_5 : vector<64x1x1xf32> to vector<64x8x128xf32>
      %mul3A_119 = vector.broadcast %reshape3A_102 : vector<1x8x128xf32> to vector<64x8x128xf32>
      %mul3A_120 = arith.mulf %mul3A_118, %mul3A_119 : vector<64x8x128xf32>
      %add3A_121 = arith.addf %add3A_117, %mul3A_120 : vector<64x8x128xf32>
      %add3A_122 = vector.broadcast %add3A_8 : vector<64x1x1xf32> to vector<64x8x128xf32>
      %add3A_123 = vector.broadcast %reshape3A_106 : vector<1x8x128xf32> to vector<64x8x128xf32>
      %add3A_124 = arith.addf %add3A_122, %add3A_123 : vector<64x8x128xf32>
      %mul3A_125 = arith.constant 2.000000e+00 : f32
      %mul3A_126 = vector.broadcast %mul3A_125 : f32 to vector<64x8x128xf32>
      %mul3A_127 = arith.mulf %mul3A_126, %add3A_121 : vector<64x8x128xf32>
      %sub3A_128 = arith.subf %add3A_124, %mul3A_127 : vector<64x8x128xf32>
      %lt3A = arith.constant 6.250000e+00 : f32
      %lt3A_129 = vector.broadcast %lt3A : f32 to vector<64x8x128xf32>
      %lt3A_130 = arith.cmpf olt, %sub3A_128, %lt3A_129 : vector<64x8x128xf32>
      %ne3A_131 = vector.broadcast %add3A_12 : vector<64x1x1xi32> to vector<64x8x128xi32>
      %ne3A_132 = vector.broadcast %reshape3A_110 : vector<1x8x128xi32> to vector<64x8x128xi32>
      %ne3A_133 = arith.cmpi ne, %ne3A_131, %ne3A_132 : vector<64x8x128xi32>
      %and3A = arith.andi %lt3A_130, %ne3A_133 : vector<64x8x128xi1>
      %max3A_134 = arith.constant 0.000000e+00 : f32
      %max3A_135 = vector.broadcast %max3A_134 : f32 to vector<64x8x128xf32>
      %max3A_136 = arith.maximumf %sub3A_128, %max3A_135 : vector<64x8x128xf32>
      %add3A_137 = arith.constant 9.99999996E-13 : f32
      %add3A_138 = vector.broadcast %add3A_137 : f32 to vector<64x8x128xf32>
      %add3A_139 = arith.addf %max3A_136, %add3A_138 : vector<64x8x128xf32>
      %sqrt3A = math.sqrt %add3A_139 : vector<64x8x128xf32>
      %sub3A_140 = vector.broadcast %reshape3A_30 : vector<1x1x128xf32> to vector<64x8x128xf32>
      %sub3A_141 = arith.subf %sqrt3A, %sub3A_140 : vector<64x8x128xf32>
      %mul3A_142 = arith.mulf %sub3A_141, %sub3A_141 : vector<64x8x128xf32>
      %mul3A_143 = arith.constant -2.888000e+01 : f32
      %mul3A_144 = vector.broadcast %mul3A_143 : f32 to vector<64x8x128xf32>
      %mul3A_145 = arith.mulf %mul3A_144, %mul3A_142 : vector<64x8x128xf32>
      %exp3A_146 = math.exp %mul3A_145 : vector<64x8x128xf32>
      %reshape3A_147 = vector.shape_cast %exp3A_146 : vector<64x8x128xf32> to vector<512x128xf32>
      %dot_general3A_148 = arith.constant dense<0.000000e+00> : vector<512x128xf32>
      %dot_general3A_149 = tpu.matmul %reshape3A_147, %get3A_15, %dot_general3A_148 {dimension_numbers = #tpu.dot_dimension_numbers<[1], [0], [0], [1], [0, 0, 1, 1], [], []>, transpose_lhs_hint = false} : vector<512x128xf32>, vector<128x128xf32>, vector<512x128xf32> -> vector<512x128xf32>
      %reshape3A_150 = vector.shape_cast %dot_general3A_149 : vector<512x128xf32> to vector<64x8x128xf32>
      %add3A_151 = vector.broadcast %reshape3A_19 : vector<1x1x128xf32> to vector<64x8x128xf32>
      %add3A_152 = arith.addf %reshape3A_150, %add3A_151 : vector<64x8x128xf32>
      %custom_jvp_call3A_153 = arith.constant 0.000000e+00 : f32
      %max3A_154 = vector.broadcast %custom_jvp_call3A_153 : f32 to vector<64x8x128xf32>
      %max3A_155 = arith.maximumf %add3A_152, %max3A_154 : vector<64x8x128xf32>
      %sub3A_156 = vector.broadcast %custom_jvp_call3A_153 : f32 to vector<64x8x128xf32>
      %sub3A_157 = arith.subf %add3A_152, %sub3A_156 : vector<64x8x128xf32>
      %ne3A_158 = arith.cmpf one, %sub3A_157, %sub3A_157 : vector<64x8x128xf32>
      %add3A_159 = vector.broadcast %custom_jvp_call3A_153 : f32 to vector<64x8x128xf32>
      %add3A_160 = arith.addf %add3A_152, %add3A_159 : vector<64x8x128xf32>
      %abs3A_161 = math.absf %sub3A_157 : vector<64x8x128xf32>
      %neg3A_162 = arith.constant 0.000000e+00 : f32
      %neg3A_163 = vector.broadcast %neg3A_162 : f32 to vector<64x8x128xf32>
      %neg3A_164 = arith.subf %neg3A_163, %abs3A_161 : vector<64x8x128xf32>
      %exp3A_165 = math.exp %neg3A_164 : vector<64x8x128xf32>
      %log1p3A_166 = math.log1p %exp3A_165 : vector<64x8x128xf32>
      %add3A_167 = arith.addf %max3A_155, %log1p3A_166 : vector<64x8x128xf32>
      %select_n3A_168 = arith.select %ne3A_158, %add3A_160, %add3A_167 : vector<64x8x128xi1>, vector<64x8x128xf32>
      %sub3A_169 = arith.constant 0.693147182 : f32
      %sub3A_170 = vector.broadcast %sub3A_169 : f32 to vector<64x8x128xf32>
      %sub3A_171 = arith.subf %select_n3A_168, %sub3A_170 : vector<64x8x128xf32>
      %reshape3A_172 = vector.shape_cast %sub3A_171 : vector<64x8x128xf32> to vector<512x128xf32>
      %dot_general3A_173 = arith.constant dense<0.000000e+00> : vector<512x128xf32>
      %dot_general3A_174 = tpu.matmul %reshape3A_172, %get3A_22, %dot_general3A_173 {dimension_numbers = #tpu.dot_dimension_numbers<[1], [0], [0], [1], [0, 0, 1, 1], [], []>, transpose_lhs_hint = false} : vector<512x128xf32>, vector<128x128xf32>, vector<512x128xf32> -> vector<512x128xf32>
      %reshape3A_175 = vector.shape_cast %dot_general3A_174 : vector<512x128xf32> to vector<64x8x128xf32>
      %add3A_176 = vector.broadcast %reshape3A_26 : vector<1x1x128xf32> to vector<64x8x128xf32>
      %add3A_177 = arith.addf %reshape3A_175, %add3A_176 : vector<64x8x128xf32>
      %broadcast_in_dim3A_178 = arith.constant 1.59673067E-12 : f32
      %broadcast_in_dim3A_179 = vector.broadcast %broadcast_in_dim3A_178 : f32 to vector<64x8x128xf32>
      %mul3A_180 = arith.mulf %broadcast_in_dim3A_179, %add3A_139 : vector<64x8x128xf32>
      %add3A_181 = arith.constant -2.77986467E-10 : f32
      %add3A_182 = vector.broadcast %add3A_181 : f32 to vector<64x8x128xf32>
      %add3A_183 = arith.addf %mul3A_180, %add3A_182 : vector<64x8x128xf32>
      %mul3A_184 = arith.mulf %add3A_183, %add3A_139 : vector<64x8x128xf32>
      %add3A_185 = arith.constant 3.23545422E-8 : f32
      %add3A_186 = vector.broadcast %add3A_185 : f32 to vector<64x8x128xf32>
      %add3A_187 = arith.addf %mul3A_184, %add3A_186 : vector<64x8x128xf32>
      %mul3A_188 = arith.mulf %add3A_187, %add3A_139 : vector<64x8x128xf32>
      %add3A_189 = arith.constant -2.70598025E-6 : f32
      %add3A_190 = vector.broadcast %add3A_189 : f32 to vector<64x8x128xf32>
      %add3A_191 = arith.addf %mul3A_188, %add3A_190 : vector<64x8x128xf32>
      %mul3A_192 = arith.mulf %add3A_191, %add3A_139 : vector<64x8x128xf32>
      %add3A_193 = arith.constant 1.54226131E-4 : f32
      %add3A_194 = vector.broadcast %add3A_193 : f32 to vector<64x8x128xf32>
      %add3A_195 = arith.addf %mul3A_192, %add3A_194 : vector<64x8x128xf32>
      %mul3A_196 = arith.mulf %add3A_195, %add3A_139 : vector<64x8x128xf32>
      %add3A_197 = arith.constant -0.00546923606 : f32
      %add3A_198 = vector.broadcast %add3A_197 : f32 to vector<64x8x128xf32>
      %add3A_199 = arith.addf %mul3A_196, %add3A_198 : vector<64x8x128xf32>
      %mul3A_200 = arith.mulf %add3A_199, %add3A_139 : vector<64x8x128xf32>
      %add3A_201 = arith.constant 0.103903033 : f32
      %add3A_202 = vector.broadcast %add3A_201 : f32 to vector<64x8x128xf32>
      %add3A_203 = arith.addf %mul3A_200, %add3A_202 : vector<64x8x128xf32>
      %mul3A_204 = arith.mulf %add3A_203, %add3A_139 : vector<64x8x128xf32>
      %add3A_205 = arith.constant -0.789568364 : f32
      %add3A_206 = vector.broadcast %add3A_205 : f32 to vector<64x8x128xf32>
      %add3A_207 = arith.addf %mul3A_204, %add3A_206 : vector<64x8x128xf32>
      %mul3A_208 = arith.mulf %add3A_207, %add3A_139 : vector<64x8x128xf32>
      %add3A_209 = arith.constant 1.000000e+00 : f32
      %add3A_210 = vector.broadcast %add3A_209 : f32 to vector<64x8x128xf32>
      %add3A_211 = arith.addf %mul3A_208, %add3A_210 : vector<64x8x128xf32>
      %add3A_212 = arith.constant 1.000000e+00 : f32
      %add3A_213 = vector.broadcast %add3A_212 : f32 to vector<64x8x128xf32>
      %add3A_214 = arith.addf %add3A_211, %add3A_213 : vector<64x8x128xf32>
      %mul3A_215 = arith.constant 5.000000e-01 : f32
      %mul3A_216 = vector.broadcast %mul3A_215 : f32 to vector<64x8x128xf32>
      %mul3A_217 = arith.mulf %mul3A_216, %add3A_214 : vector<64x8x128xf32>
      %jit3A = arith.constant 0.000000e+00 : f32
      %broadcast_in_dim3A_218 = vector.broadcast %jit3A : f32 to vector<64x8x128xf32>
      %select_n3A_219 = arith.select %and3A, %mul3A_217, %broadcast_in_dim3A_218 : vector<64x8x128xi1>, vector<64x8x128xf32>
      %get3A_220 = arith.index_cast %mul3A_90 : i32 to index
      %get3A_221 = arith.constant 0 : index
      %get3A_222 = vector.load %arg9[%get3A_220, %get3A_221] : memref<2560x128xf32, #tpu.memory_space<vmem>>, vector<8x128xf32>
      %reshape3A_223 = vector.shape_cast %get3A_222 : vector<8x128xf32> to vector<1x8x128xf32>
      %mul3A_224 = arith.mulf %add3A_177, %select_n3A_219 : vector<64x8x128xf32>
      %mul3A_225 = vector.broadcast %reshape3A_223 : vector<1x8x128xf32> to vector<64x8x128xf32>
      %mul3A_226 = arith.mulf %mul3A_224, %mul3A_225 : vector<64x8x128xf32>
      %reduce_sum3A = arith.constant dense<0.000000e+00> : vector<64x128xf32>
      %reduce_sum3A_227 = vector.multi_reduction <add>, %mul3A_226, %reduce_sum3A [1] : vector<64x8x128xf32> to vector<64x128xf32>
      %add3A_228 = arith.addf %while3A_85, %reduce_sum3A_227 : vector<64x128xf32>
      scf.yield %add3A_228 : vector<64x128xf32>
    }
    %get3A_44 = arith.constant 0 : index
    %get3A_45 = arith.constant 0 : index
    %get3A_46 = vector.load %arg16[%get3A_44, %get3A_45] : memref<128x32xf32, #tpu.memory_space<vmem>>, vector<128x32xf32>
    %dot_general3A = arith.constant dense<0.000000e+00> : vector<64x32xf32>
    %dot_general3A_47 = tpu.matmul %while3A_43, %get3A_46, %dot_general3A {dimension_numbers = #tpu.dot_dimension_numbers<[1], [0], [0], [1], [0, 0, 1, 1], [], []>, transpose_lhs_hint = false} : vector<64x128xf32>, vector<128x32xf32>, vector<64x32xf32> -> vector<64x32xf32>
    %get3A_48 = arith.constant 0 : index
    %get3A_49 = arith.constant 0 : index
    %get3A_50 = vector.load %arg17[%get3A_48, %get3A_49] : memref<32x128xf32, #tpu.memory_space<vmem>>, vector<32x128xf32>
    %dot_general3A_51 = arith.constant dense<0.000000e+00> : vector<64x128xf32>
    %dot_general3A_52 = tpu.matmul %dot_general3A_47, %get3A_50, %dot_general3A_51 {dimension_numbers = #tpu.dot_dimension_numbers<[1], [0], [0], [1], [0, 0, 1, 1], [], []>, transpose_lhs_hint = false} : vector<64x32xf32>, vector<32x128xf32>, vector<64x128xf32> -> vector<64x128xf32>
    %get3A_53 = arith.constant 0 : index
    %get3A_54 = arith.constant 0 : index
    %get3A_55 = vector.load %arg18[%get3A_53, %get3A_54] : memref<8x128xf32, #tpu.memory_space<vmem>>, vector<1x128xf32>
    %add3A_56 = vector.broadcast %get3A_55 : vector<1x128xf32> to vector<64x128xf32>
    %add3A_57 = arith.addf %dot_general3A_52, %add3A_56 : vector<64x128xf32>
    %custom_jvp_call3A = arith.constant 0.000000e+00 : f32
    %max3A = vector.broadcast %custom_jvp_call3A : f32 to vector<64x128xf32>
    %max3A_58 = arith.maximumf %add3A_57, %max3A : vector<64x128xf32>
    %sub3A = vector.broadcast %custom_jvp_call3A : f32 to vector<64x128xf32>
    %sub3A_59 = arith.subf %add3A_57, %sub3A : vector<64x128xf32>
    %ne3A = arith.cmpf one, %sub3A_59, %sub3A_59 : vector<64x128xf32>
    %add3A_60 = vector.broadcast %custom_jvp_call3A : f32 to vector<64x128xf32>
    %add3A_61 = arith.addf %add3A_57, %add3A_60 : vector<64x128xf32>
    %abs3A = math.absf %sub3A_59 : vector<64x128xf32>
    %neg3A = arith.constant 0.000000e+00 : f32
    %neg3A_62 = vector.broadcast %neg3A : f32 to vector<64x128xf32>
    %neg3A_63 = arith.subf %neg3A_62, %abs3A : vector<64x128xf32>
    %exp3A = math.exp %neg3A_63 : vector<64x128xf32>
    %log1p3A = math.log1p %exp3A : vector<64x128xf32>
    %add3A_64 = arith.addf %max3A_58, %log1p3A : vector<64x128xf32>
    %select_n3A = arith.select %ne3A, %add3A_61, %add3A_64 : vector<64x128xi1>, vector<64x128xf32>
    %sub3A_65 = arith.constant 0.693147182 : f32
    %sub3A_66 = vector.broadcast %sub3A_65 : f32 to vector<64x128xf32>
    %sub3A_67 = arith.subf %select_n3A, %sub3A_66 : vector<64x128xf32>
    %get3A_68 = arith.constant 0 : index
    %get3A_69 = arith.constant 0 : index
    %get3A_70 = vector.load %arg19[%get3A_68, %get3A_69] : memref<128x128xf32, #tpu.memory_space<vmem>>, vector<128x128xf32>
    %dot_general3A_71 = arith.constant dense<0.000000e+00> : vector<64x128xf32>
    %dot_general3A_72 = tpu.matmul %sub3A_67, %get3A_70, %dot_general3A_71 {dimension_numbers = #tpu.dot_dimension_numbers<[1], [0], [0], [1], [0, 0, 1, 1], [], []>, transpose_lhs_hint = false} : vector<64x128xf32>, vector<128x128xf32>, vector<64x128xf32> -> vector<64x128xf32>
    %get3A_73 = arith.constant 0 : index
    %get3A_74 = arith.constant 0 : index
    %get3A_75 = vector.load %arg20[%get3A_73, %get3A_74] : memref<8x128xf32, #tpu.memory_space<vmem>>, vector<1x128xf32>
    %add3A_76 = vector.broadcast %get3A_75 : vector<1x128xf32> to vector<64x128xf32>
    %add3A_77 = arith.addf %dot_general3A_72, %add3A_76 : vector<64x128xf32>
    %get3A_78 = arith.constant 0 : index
    %get3A_79 = arith.constant 0 : index
    %get3A_80 = vector.load %arg10[%get3A_78, %get3A_79] : memref<64x128xf32, #tpu.memory_space<vmem>>, vector<64x128xf32>
    %add3A_81 = arith.addf %get3A_80, %add3A_77 : vector<64x128xf32>
    %swap3A = arith.constant 0 : index
    %swap3A_82 = arith.constant 0 : index
    %swap3A_83 = vector.load %arg21[%swap3A, %swap3A_82] : memref<64x128xf32, #tpu.memory_space<vmem>>, vector<64x128xf32>
    tpu.vector_store %arg21[%swap3A, %swap3A_82], %add3A_81 {strides = array<i32>} : memref<64x128xf32, #tpu.memory_space<vmem>>, vector<64x128xf32>,
    return
  }
  func.func @transform_0(%arg0: i32, %arg1: memref<160xi32, #tpu.memory_space<smem>>, %arg2: memref<160x320xi32, #tpu.memory_space<smem>>) -> (i32, i32) {
    %c0_i32 = arith.constant 0 : i32
    %c0_i32_0 = arith.constant 0 : i32
    return %arg0, %c0_i32 : i32, i32
  }
  func.func @transform_1(%arg0: i32, %arg1: memref<160xi32, #tpu.memory_space<smem>>, %arg2: memref<160x320xi32, #tpu.memory_space<smem>>) -> (i32, i32) {
    %c0_i32 = arith.constant 0 : i32
    %c0_i32_0 = arith.constant 0 : i32
    %c0_i32_1 = arith.constant 0 : i32
    return %c0_i32, %c0_i32_0 : i32, i32
  }
  func.func @transform_2(%arg0: i32, %arg1: memref<160xi32, #tpu.memory_space<smem>>, %arg2: memref<160x320xi32, #tpu.memory_space<smem>>) -> (i32, i32) {
    %c0_i32 = arith.constant 0 : i32
    %c0_i32_0 = arith.constant 0 : i32
    %c0_i32_1 = arith.constant 0 : i32
    return %c0_i32, %c0_i32_0 : i32, i32
  }
  func.func @transform_3(%arg0: i32, %arg1: memref<160xi32, #tpu.memory_space<smem>>, %arg2: memref<160x320xi32, #tpu.memory_space<smem>>) -> (i32, i32) {
    %c0_i32 = arith.constant 0 : i32
    %c0_i32_0 = arith.constant 0 : i32
    %c0_i32_1 = arith.constant 0 : i32
    return %c0_i32, %c0_i32_0 : i32, i32
  }
  func.func @transform_4(%arg0: i32, %arg1: memref<160xi32, #tpu.memory_space<smem>>, %arg2: memref<160x320xi32, #tpu.memory_space<smem>>) -> (i32, i32) {
    %c0_i32 = arith.constant 0 : i32
    %c0_i32_0 = arith.constant 0 : i32
    %c0_i32_1 = arith.constant 0 : i32
    return %c0_i32, %c0_i32_0 : i32, i32
  }
  func.func @transform_5(%arg0: i32, %arg1: memref<160xi32, #tpu.memory_space<smem>>, %arg2: memref<160x320xi32, #tpu.memory_space<smem>>) -> (i32, i32) {
    %c0_i32 = arith.constant 0 : i32
    %c0_i32_0 = arith.constant 0 : i32
    %c0_i32_1 = arith.constant 0 : i32
    return %c0_i32, %c0_i32_0 : i32, i32
  }
  func.func @transform_6(%arg0: i32, %arg1: memref<160xi32, #tpu.memory_space<smem>>, %arg2: memref<160x320xi32, #tpu.memory_space<smem>>) -> (i32, i32) {
    %c0_i32 = arith.constant 0 : i32
    %c0_i32_0 = arith.constant 0 : i32
    %c0_i32_1 = arith.constant 0 : i32
    return %c0_i32, %c0_i32_0 : i32, i32
  }
  func.func @transform_7(%arg0: i32, %arg1: memref<160xi32, #tpu.memory_space<smem>>, %arg2: memref<160x320xi32, #tpu.memory_space<smem>>) -> (i32, i32) {
    %c0_i32 = arith.constant 0 : i32
    %c0_i32_0 = arith.constant 0 : i32
    return %arg0, %c0_i32 : i32, i32
  }
  func.func @transform_8(%arg0: i32, %arg1: memref<160xi32, #tpu.memory_space<smem>>, %arg2: memref<160x320xi32, #tpu.memory_space<smem>>) -> (i32, i32) {
    %c0_i32 = arith.constant 0 : i32
    %c0_i32_0 = arith.constant 0 : i32
    %c0_i32_1 = arith.constant 0 : i32
    return %c0_i32, %c0_i32_0 : i32, i32
  }
  func.func @transform_9(%arg0: i32, %arg1: memref<160xi32, #tpu.memory_space<smem>>, %arg2: memref<160x320xi32, #tpu.memory_space<smem>>) -> (i32, i32) {
    %c0_i32 = arith.constant 0 : i32
    %c0_i32_0 = arith.constant 0 : i32
    %c0_i32_1 = arith.constant 0 : i32
    return %c0_i32, %c0_i32_0 : i32, i32
  }
  func.func @transform_10(%arg0: i32, %arg1: memref<160xi32, #tpu.memory_space<smem>>, %arg2: memref<160x320xi32, #tpu.memory_space<smem>>) -> (i32, i32) {
    %c0_i32 = arith.constant 0 : i32
    %c0_i32_0 = arith.constant 0 : i32
    %c0_i32_1 = arith.constant 0 : i32
    return %c0_i32, %c0_i32_0 : i32, i32
  }
  func.func @transform_11(%arg0: i32, %arg1: memref<160xi32, #tpu.memory_space<smem>>, %arg2: memref<160x320xi32, #tpu.memory_space<smem>>) -> (i32, i32) {
    %c0_i32 = arith.constant 0 : i32
    %c0_i32_0 = arith.constant 0 : i32
    %c0_i32_1 = arith.constant 0 : i32
    return %c0_i32, %c0_i32_0 : i32, i32
  }
  func.func @transform_12(%arg0: i32, %arg1: memref<160xi32, #tpu.memory_space<smem>>, %arg2: memref<160x320xi32, #tpu.memory_space<smem>>) -> (i32, i32) {
    %c0_i32 = arith.constant 0 : i32
    %c0_i32_0 = arith.constant 0 : i32
    %c0_i32_1 = arith.constant 0 : i32
    return %c0_i32, %c0_i32_0 : i32, i32
  }
  func.func @transform_13(%arg0: i32, %arg1: memref<160xi32, #tpu.memory_space<smem>>, %arg2: memref<160x320xi32, #tpu.memory_space<smem>>) -> (i32, i32) {
    %c0_i32 = arith.constant 0 : i32
    %c0_i32_0 = arith.constant 0 : i32
    %c0_i32_1 = arith.constant 0 : i32
    return %c0_i32, %c0_i32_0 : i32, i32
  }
  func.func @transform_14(%arg0: i32, %arg1: memref<160xi32, #tpu.memory_space<smem>>, %arg2: memref<160x320xi32, #tpu.memory_space<smem>>) -> (i32, i32) {
    %c0_i32 = arith.constant 0 : i32
    %c0_i32_0 = arith.constant 0 : i32
    %c0_i32_1 = arith.constant 0 : i32
    return %c0_i32, %c0_i32_0 : i32, i32
  }
  func.func @transform_15(%arg0: i32, %arg1: memref<160xi32, #tpu.memory_space<smem>>, %arg2: memref<160x320xi32, #tpu.memory_space<smem>>) -> (i32, i32) {
    %c0_i32 = arith.constant 0 : i32
    %c0_i32_0 = arith.constant 0 : i32
    %c0_i32_1 = arith.constant 0 : i32
    return %c0_i32, %c0_i32_0 : i32, i32
  }
  func.func @transform_16(%arg0: i32, %arg1: memref<160xi32, #tpu.memory_space<smem>>, %arg2: memref<160x320xi32, #tpu.memory_space<smem>>) -> (i32, i32) {
    %c0_i32 = arith.constant 0 : i32
    %c0_i32_0 = arith.constant 0 : i32
    %c0_i32_1 = arith.constant 0 : i32
    return %c0_i32, %c0_i32_0 : i32, i32
  }
  func.func @transform_17(%arg0: i32, %arg1: memref<160xi32, #tpu.memory_space<smem>>, %arg2: memref<160x320xi32, #tpu.memory_space<smem>>) -> (i32, i32) {
    %c0_i32 = arith.constant 0 : i32
    %c0_i32_0 = arith.constant 0 : i32
    %c0_i32_1 = arith.constant 0 : i32
    return %c0_i32, %c0_i32_0 : i32, i32
  }
  func.func @transform_18(%arg0: i32, %arg1: memref<160xi32, #tpu.memory_space<smem>>, %arg2: memref<160x320xi32, #tpu.memory_space<smem>>) -> (i32, i32) {
    %c0_i32 = arith.constant 0 : i32
    %c0_i32_0 = arith.constant 0 : i32
    return %arg0, %c0_i32 : i32, i32
  }
}

module attributes {stable_mosaic.version = 14 : i64} {
  func.func @_head_body(%arg0: i32, %arg1: memref<128x128xf32, #tpu.memory_space<vmem>>, %arg2: memref<128x64xf32, #tpu.memory_space<vmem>>, %arg3: memref<8x64xf32, #tpu.memory_space<vmem>>, %arg4: memref<64x32xf32, #tpu.memory_space<vmem>>, %arg5: memref<8x32xf32, #tpu.memory_space<vmem>>, %arg6: memref<8x32xf32, #tpu.memory_space<vmem>>) attributes {dimension_semantics = [#tpu.dimension_semantics<arbitrary>], iteration_bounds = array<i64: 80>, scalar_prefetch = 0 : i64, scratch_operands = 0 : i64, tpu.core_type = #tpu.core_type<tc>, window_params = [{transform_indices = @transform_0, window_bounds = array<i64: 128, 128>}, {pipeline_mode = #tpu.pipeline_mode<synchronous>, transform_indices = @transform_1, window_bounds = array<i64: 128, 64>}, {pipeline_mode = #tpu.pipeline_mode<synchronous>, transform_indices = @transform_2, window_bounds = array<i64: 8, 64>}, {pipeline_mode = #tpu.pipeline_mode<synchronous>, transform_indices = @transform_3, window_bounds = array<i64: 64, 32>}, {pipeline_mode = #tpu.pipeline_mode<synchronous>, transform_indices = @transform_4, window_bounds = array<i64: 8, 32>}, {pipeline_mode = #tpu.pipeline_mode<synchronous>, transform_indices = @transform_5, window_bounds = array<i64: 8, 32>}]} {
    %eq3A = arith.constant 0 : i32
    %eq3A_0 = arith.cmpi eq, %arg0, %eq3A : i32
    %convert_element_type3A = arith.extui %eq3A_0 : i1 to i32
    %cond3A = arith.constant 0 : i32
    %cond3A_1 = arith.cmpi ne, %convert_element_type3A, %cond3A : i32
    scf.if %cond3A_1 {
      %broadcast_in_dim3A_53 = arith.constant 0.000000e+00 : f32
      %broadcast_in_dim3A_54 = vector.broadcast %broadcast_in_dim3A_53 : f32 to vector<8x32xf32>
      %swap3A_55 = arith.constant 0 : index
      %swap3A_56 = arith.constant 0 : index
      %swap3A_57 = vector.load %arg6[%swap3A_55, %swap3A_56] : memref<8x32xf32, #tpu.memory_space<vmem>>, vector<8x32xf32>
      tpu.vector_store %arg6[%swap3A_55, %swap3A_56], %broadcast_in_dim3A_54 {strides = array<i32>} : memref<8x32xf32, #tpu.memory_space<vmem>>, vector<8x32xf32>,
    } else {
    }
    %get3A = arith.constant 0 : index
    %get3A_2 = arith.constant 0 : index
    %get3A_3 = vector.load %arg1[%get3A, %get3A_2] : memref<128x128xf32, #tpu.memory_space<vmem>>, vector<128x128xf32>
    %get3A_4 = arith.constant 0 : index
    %get3A_5 = arith.constant 0 : index
    %get3A_6 = vector.load %arg2[%get3A_4, %get3A_5] : memref<128x64xf32, #tpu.memory_space<vmem>>, vector<128x64xf32>
    %dot_general3A = arith.constant dense<0.000000e+00> : vector<128x64xf32>
    %dot_general3A_7 = tpu.matmul %get3A_3, %get3A_6, %dot_general3A {dimension_numbers = #tpu.dot_dimension_numbers<[1], [0], [0], [1], [0, 0, 1, 1], [], []>, transpose_lhs_hint = false} : vector<128x128xf32>, vector<128x64xf32>, vector<128x64xf32> -> vector<128x64xf32>
    %get3A_8 = arith.constant 0 : index
    %get3A_9 = arith.constant 0 : index
    %get3A_10 = vector.load %arg3[%get3A_8, %get3A_9] : memref<8x64xf32, #tpu.memory_space<vmem>>, vector<1x64xf32>
    %add3A = vector.broadcast %get3A_10 : vector<1x64xf32> to vector<128x64xf32>
    %add3A_11 = arith.addf %dot_general3A_7, %add3A : vector<128x64xf32>
    %custom_jvp_call3A = arith.constant 0.000000e+00 : f32
    %max3A = vector.broadcast %custom_jvp_call3A : f32 to vector<128x64xf32>
    %max3A_12 = arith.maximumf %add3A_11, %max3A : vector<128x64xf32>
    %sub3A = vector.broadcast %custom_jvp_call3A : f32 to vector<128x64xf32>
    %sub3A_13 = arith.subf %add3A_11, %sub3A : vector<128x64xf32>
    %ne3A = arith.cmpf one, %sub3A_13, %sub3A_13 : vector<128x64xf32>
    %add3A_14 = vector.broadcast %custom_jvp_call3A : f32 to vector<128x64xf32>
    %add3A_15 = arith.addf %add3A_11, %add3A_14 : vector<128x64xf32>
    %abs3A = math.absf %sub3A_13 : vector<128x64xf32>
    %neg3A = arith.constant 0.000000e+00 : f32
    %neg3A_16 = vector.broadcast %neg3A : f32 to vector<128x64xf32>
    %neg3A_17 = arith.subf %neg3A_16, %abs3A : vector<128x64xf32>
    %exp3A = math.exp %neg3A_17 : vector<128x64xf32>
    %log1p3A = math.log1p %exp3A : vector<128x64xf32>
    %add3A_18 = arith.addf %max3A_12, %log1p3A : vector<128x64xf32>
    %select_n3A = arith.select %ne3A, %add3A_15, %add3A_18 : vector<128x64xi1>, vector<128x64xf32>
    %sub3A_19 = arith.constant 0.693147182 : f32
    %sub3A_20 = vector.broadcast %sub3A_19 : f32 to vector<128x64xf32>
    %sub3A_21 = arith.subf %select_n3A, %sub3A_20 : vector<128x64xf32>
    %get3A_22 = arith.constant 0 : index
    %get3A_23 = arith.constant 0 : index
    %get3A_24 = vector.load %arg4[%get3A_22, %get3A_23] : memref<64x32xf32, #tpu.memory_space<vmem>>, vector<64x32xf32>
    %dot_general3A_25 = arith.constant dense<0.000000e+00> : vector<128x32xf32>
    %dot_general3A_26 = tpu.matmul %sub3A_21, %get3A_24, %dot_general3A_25 {dimension_numbers = #tpu.dot_dimension_numbers<[1], [0], [0], [1], [0, 0, 1, 1], [], []>, transpose_lhs_hint = false} : vector<128x64xf32>, vector<64x32xf32>, vector<128x32xf32> -> vector<128x32xf32>
    %get3A_27 = arith.constant 0 : index
    %get3A_28 = arith.constant 0 : index
    %get3A_29 = vector.load %arg5[%get3A_27, %get3A_28] : memref<8x32xf32, #tpu.memory_space<vmem>>, vector<1x32xf32>
    %add3A_30 = vector.broadcast %get3A_29 : vector<1x32xf32> to vector<128x32xf32>
    %add3A_31 = arith.addf %dot_general3A_26, %add3A_30 : vector<128x32xf32>
    %iota3A = tpu.iota {dimensions = array<i32: 0>} : vector<128x1xi32>
    %mul3A = arith.constant 128 : i32
    %mul3A_32 = arith.muli %arg0, %mul3A : i32
    %add3A_33 = vector.broadcast %mul3A_32 : i32 to vector<128x1xi32>
    %add3A_34 = arith.addi %iota3A, %add3A_33 : vector<128x1xi32>
    %lt3A = arith.constant 10000 : i32
    %lt3A_35 = vector.broadcast %lt3A : i32 to vector<128x1xi32>
    %lt3A_36 = arith.cmpi slt, %add3A_34, %lt3A_35 : vector<128x1xi32>
    %jit3A = arith.constant 0.000000e+00 : f32
    %broadcast_in_dim3A = vector.shape_cast %lt3A_36 : vector<128x1xi1> to vector<128x1xi1>
    %broadcast_in_dim3A_37 = vector.broadcast %broadcast_in_dim3A : vector<128x1xi1> to vector<128x32xi1>
    %broadcast_in_dim3A_38 = vector.broadcast %jit3A : f32 to vector<128x32xf32>
    %select_n3A_39 = arith.select %broadcast_in_dim3A_37, %add3A_31, %broadcast_in_dim3A_38 : vector<128x32xi1>, vector<128x32xf32>
    %get3A_40 = arith.constant 0 : index
    %get3A_41 = arith.constant 0 : index
    %get3A_42 = vector.load %arg6[%get3A_40, %get3A_41] : memref<8x32xf32, #tpu.memory_space<vmem>>, vector<1x32xf32>
    %reduce_sum3A = arith.constant dense<0.000000e+00> : vector<32xf32>
    %reduce_sum3A_43 = vector.multi_reduction <add>, %select_n3A_39, %reduce_sum3A [0] : vector<128x32xf32> to vector<32xf32>
    %broadcast_in_dim3A_44 = vector.shape_cast %reduce_sum3A_43 : vector<32xf32> to vector<1x32xf32>
    %add3A_45 = arith.addf %get3A_42, %broadcast_in_dim3A_44 : vector<1x32xf32>
    %swap3A = arith.constant 0 : index
    %swap3A_46 = arith.constant 0 : index
    %swap3A_47 = vector.load %arg6[%swap3A, %swap3A_46] : memref<8x32xf32, #tpu.memory_space<vmem>>, vector<1x32xf32>
    tpu.vector_store %arg6[%swap3A, %swap3A_46], %add3A_45 {strides = array<i32>} : memref<8x32xf32, #tpu.memory_space<vmem>>, vector<1x32xf32>,
    %eq3A_48 = arith.constant 79 : i32
    %eq3A_49 = arith.cmpi eq, %arg0, %eq3A_48 : i32
    %convert_element_type3A_50 = arith.extui %eq3A_49 : i1 to i32
    %cond3A_51 = arith.constant 0 : i32
    %cond3A_52 = arith.cmpi ne, %convert_element_type3A_50, %cond3A_51 : i32
    scf.if %cond3A_52 {
      %get3A_53 = arith.constant 0 : index
      %get3A_54 = arith.constant 0 : index
      %get3A_55 = vector.load %arg6[%get3A_53, %get3A_54] : memref<8x32xf32, #tpu.memory_space<vmem>>, vector<8x32xf32>
      %max3A_56 = arith.constant 0.000000e+00 : f32
      %max3A_57 = vector.broadcast %max3A_56 : f32 to vector<8x32xf32>
      %max3A_58 = arith.maximumf %get3A_55, %max3A_57 : vector<8x32xf32>
      %swap3A_59 = arith.constant 0 : index
      %swap3A_60 = arith.constant 0 : index
      %swap3A_61 = vector.load %arg6[%swap3A_59, %swap3A_60] : memref<8x32xf32, #tpu.memory_space<vmem>>, vector<8x32xf32>
      tpu.vector_store %arg6[%swap3A_59, %swap3A_60], %max3A_58 {strides = array<i32>} : memref<8x32xf32, #tpu.memory_space<vmem>>, vector<8x32xf32>,
    } else {
    }
    return
  }
  func.func @transform_0(%arg0: i32) -> (i32, i32) {
    %c0_i32 = arith.constant 0 : i32
    %c0_i32_0 = arith.constant 0 : i32
    return %arg0, %c0_i32 : i32, i32
  }
  func.func @transform_1(%arg0: i32) -> (i32, i32) {
    %c0_i32 = arith.constant 0 : i32
    %c0_i32_0 = arith.constant 0 : i32
    %c0_i32_1 = arith.constant 0 : i32
    return %c0_i32, %c0_i32_0 : i32, i32
  }
  func.func @transform_2(%arg0: i32) -> (i32, i32) {
    %c0_i32 = arith.constant 0 : i32
    %c0_i32_0 = arith.constant 0 : i32
    %c0_i32_1 = arith.constant 0 : i32
    return %c0_i32, %c0_i32_0 : i32, i32
  }
  func.func @transform_3(%arg0: i32) -> (i32, i32) {
    %c0_i32 = arith.constant 0 : i32
    %c0_i32_0 = arith.constant 0 : i32
    %c0_i32_1 = arith.constant 0 : i32
    return %c0_i32, %c0_i32_0 : i32, i32
  }
  func.func @transform_4(%arg0: i32) -> (i32, i32) {
    %c0_i32 = arith.constant 0 : i32
    %c0_i32_0 = arith.constant 0 : i32
    %c0_i32_1 = arith.constant 0 : i32
    return %c0_i32, %c0_i32_0 : i32, i32
  }
  func.func @transform_5(%arg0: i32) -> (i32, i32) {
    %c0_i32 = arith.constant 0 : i32
    %c0_i32_0 = arith.constant 0 : i32
    %c0_i32_1 = arith.constant 0 : i32
    return %c0_i32, %c0_i32_0 : i32, i32
  }
}

</mosaic_0001>

<sc_bundles>
// kernel: gather_offload_async_start.1
scs
__scs_entry_jumppad:
0x0: {  	(pc) =	sbr.rel $0x88, $3  }
0x1: {  	(tag) =	ssettag $0x0;
	lr =	simm.s32 $0x1  }
0x2: {  	[smem:$0x3F91] =	sst lr;
	_ =	strace $0xD0000000  }
0x3: {  	_ = 	snop  }
0x4: {  	_ = 	snop  }
0x5: {  	_ = 	snop  }
0x6: {  	_ = 	snop  }
0x7: {  	_ = 	snop  }
__scs_overlays_trampoline_lowered:
0x8: {  	[smem:$0x3FA0] =	sst s0  }
0x9: {  	[smem:$0x3FA1] =	sst s1  }
0xa: {  	[smem:$0x3FA2] =	sst s2  }
0xb: {  	[smem:$0x3FA3] =	sst s3  }
0xc: {  	[smem:$0x3FA4] =	sst s4  }
0xd: {  	[smem:$0x3FA5] =	sst s5  }
0xe: {  	[smem:$0x3FA6] =	sst s6  }
0xf: {  	[smem:$0x3FA7] =	sst s7  }
0x10: {  	[smem:$0x3FA8] =	sst s8  }
0x11: {  	[smem:$0x3FA9] =	sst s9;
	s0 =	simm.s32 @!p0 $0x0  }
0x12: {  	s1 =	sld [smem:$0x3F8F];
	s0 =	simm.s32 @p0 $0x1  }
0x13: {  	[smem:$0x3FAA] =	sst s0;
	s0 =	simm.s32 @!p1 $0x0  }
0x14: {  	s2 =	sld [smem:$0x3F8E];
	s0 =	simm.s32 @p1 $0x1  }
0x15: {  	[smem:$0x3FAB] =	sst s0;
	s0 =	simm.s32 @!p2 $0x0  }
0x16: {  	s3 =	sld [smem:$0x3FDB];
	s0 =	simm.s32 @p2 $0x1  }
0x17: {  	s4 =	simm.s32 $0x1BF5;
	[smem:$0x3FAD] =	sst s0  }
0x18: {  	s0 =	sld [smem:$0x3F90];
	_ =	swait.ge [sflag:s4], $0x0  }
0x19: {  	s7 =	sld [smem:$0x3F91]  }
0x1a: {  	s8 =	sadd.s32 $0xFFFFE003, lr  }
0x1b: {  	s9 =	sadd.s32 $0xFFFFFEF7, lr;
	s5 =	simm.s32 $0xFFFFFFFF;
	p2 =	slt.u32 s8, $0xFFFFF086  }
0x1c: {  	p1 =	slt.u32 s9, $0xF7A;
	s5 =	simm.s32 @!p2 $0x0  }
0x1d: {  	s5 =	simm.s32 @p1 $0x1;
	p0 =	seq.s32 s7, s2  }
0x1e: {  	s7 =	smul.u32 @!p0 $0xF7A, s2;
	p2 =	seq.s32 @!p0 s5, $0x0  }
0x1f: {  	s9 =	smul.u32 $0xF7A, s1;
	s8 =	simm.s32 @!p0 $0x1BF5;
	p2 =	por !p2, p0  }
0x20: {  	[sflag:s8] =	ssyncset.s32 @!p0 $0xFFFFF086;
	s6 =	sadd.s32 @!p0 s3, s7;
	s7 =	simm.s32 @!p0 $0x108  }
0x21: {  	s3 =	sadd.s32 s3, s9;
	s6 =	sadd.s32 @!p0 $0x88, s6;
	s7 =	simm.s32 @p2 $0x1082  }
0x22: {  	[simem:s7], [sflag:s8] =	dma.local @!p0 [hbm:s6], $0xF7A  }
0x23: {  	s9 =	sor.u32 $0xD0000000, s2;
	s6 =	simm.s32 $0x108;
	_ =	swait.ge @!p0 [sflag:s8], $0x0  }
0x24: {  	s3 =	sadd.s32 $0x88, s3;
	s6 =	simm.s32 @!p1 $0x1082;
	[sflag:s4] =	ssyncset.s32 $0xFFFFF086  }
0x25: {  	[simem:s6], [sflag:s4] =	dma.local [hbm:s3], $0xF7A  }
0x26: {  	[smem:$0x3F91] =	sst s1;
	(tag) =	ssettag s2;
	_ =	strace s9  }
0x27: {  	s1 =	sld [smem:$0x3FA1]  }
0x28: {  	s2 =	sld [smem:$0x3FA2]  }
0x29: {  	s4 =	sld [smem:$0x3FA4]  }
0x2a: {  	p0 =	seq.s32 s5, $0x0;
	s5 =	sld [smem:$0x3FA5]  }
0x2b: {  	s6 =	sld [smem:$0x3FA6]  }
0x2c: {  	s7 =	sld [smem:$0x3FA7]  }
0x2d: {  	s3 =	simm.s32 $0x108;
	s8 =	sld [smem:$0x3FA8]  }
0x2e: {  	s3 =	simm.s32 @!p0 $0x1082;
	s9 =	sld [smem:$0x3FA9]  }
0x2f: {  	lr =	sadd.s32 s0, s3;
	s0 =	sld [smem:$0x3FA0]  }
0x30: {  	s3 =	sld [smem:$0x3FA3]  }
0x31: {  	[smem:$0x3FAC] =	sst s10  }
0x32: {  	s10 =	sld [smem:$0x3FAA];
	_ =	sdelay $0x3  }
0x33: {  	p0 =	seq.s32 s10, $0x1;
	s10 =	sld [smem:$0x3FAC];
	_ =	sdelay $0x3  }
0x34: {  	[smem:$0x3FAC] =	sst s10  }
0x35: {  	s10 =	sld [smem:$0x3FAB];
	_ =	sdelay $0x3  }
0x36: {  	p1 =	seq.s32 s10, $0x1;
	s10 =	sld [smem:$0x3FAC];
	_ =	sdelay $0x3  }
0x37: {  	[smem:$0x3FAC] =	sst s10  }
0x38: {  	s10 =	sld [smem:$0x3FAD]  }
0x39: {  	_ = 	snop;
	(pc) =	sbr.ind lr, $3  }
0x3a: {  	_ = 	snop  }
0x3b: {  	_ = 	snop  }
0x3c: {  	p2 =	seq.s32 s10, $0x1;
	s10 =	sld [smem:$0x3FAC]  }
0x3d: {  	_ =	shalt  }
0x3e: {  	_ =	shalt  }
0x3f: {  	_ =	shalt  }
0x40: {  	_ =	shalt  }
0x41: {  	_ =	shalt  }
0x42: {  	_ =	shalt  }
0x43: {  	_ =	shalt  }
0x44: {  	_ =	shalt  }
0x45: {  	_ =	shalt  }
0x46: {  	_ =	shalt  }
0x47: {  	_ =	shalt  }
0x48: {  	_ =	shalt  }
0x49: {  	_ =	shalt  }
0x4a: {  	_ =	shalt  }
0x4b: {  	_ =	shalt  }
0x4c: {  	_ =	shalt  }
0x4d: {  	_ =	shalt  }
0x4e: {  	_ =	shalt  }
0x4f: {  	_ =	shalt  }
0x50: {  	_ =	shalt  }
0x51: {  	_ =	shalt  }
0x52: {  	_ =	shalt  }
0x53: {  	_ =	shalt  }
0x54: {  	_ =	shalt  }
0x55: {  	_ =	shalt  }
0x56: {  	_ =	shalt  }
0x57: {  	_ =	shalt  }
0x58: {  	_ =	shalt  }
0x59: {  	_ =	shalt  }
0x5a: {  	_ =	shalt  }
0x5b: {  	_ =	shalt  }
0x5c: {  	_ =	shalt  }
0x5d: {  	_ =	shalt  }
0x5e: {  	_ =	shalt  }
0x5f: {  	_ =	shalt  }
0x60: {  	_ =	shalt  }
0x61: {  	_ =	shalt  }
0x62: {  	_ =	shalt  }
0x63: {  	_ =	shalt  }
0x64: {  	_ =	shalt  }
0x65: {  	_ =	shalt  }
0x66: {  	_ =	shalt  }
0x67: {  	_ =	shalt  }
0x68: {  	_ =	shalt  }
0x69: {  	_ =	shalt  }
0x6a: {  	_ =	shalt  }
0x6b: {  	_ =	shalt  }
0x6c: {  	_ =	shalt  }
0x6d: {  	_ =	shalt  }
0x6e: {  	_ =	shalt  }
0x6f: {  	_ =	shalt  }
0x70: {  	_ =	shalt  }
0x71: {  	_ =	shalt  }
0x72: {  	_ =	shalt  }
0x73: {  	_ =	shalt  }
0x74: {  	_ =	shalt  }
0x75: {  	_ =	shalt  }
0x76: {  	_ =	shalt  }
0x77: {  	_ =	shalt  }
0x78: {  	_ =	shalt  }
0x79: {  	_ =	shalt  }
0x7a: {  	_ =	shalt  }
0x7b: {  	_ =	shalt  }
0x7c: {  	_ =	shalt  }
0x7d: {  	_ =	shalt  }
0x7e: {  	_ =	shalt  }
0x7f: {  	_ =	shalt  }
0x80: {  	_ =	shalt  }
0x81: {  	_ =	shalt  }
0x82: {  	_ =	shalt  }
0x83: {  	_ =	shalt  }
0x84: {  	_ =	shalt  }
0x85: {  	_ =	shalt  }
0x86: {  	_ =	shalt  }
0x87: {  	_ =	shalt  }
.Lfunc_end0:
.L_simem_size_0:
called_computation.1_lowered:
.L_overlay_start_0:
0x88: {  	s2 =	sld [smem:$0x3FD9]  }
0x89: {  	s3 =	sld [smem:$0x3FFE];
	_ =	sdelay $0x1  }
0x8a: {  	s1 =	srdreg.scid  }
0x8b: {  	s0 =	sand.u32 $0x1, s1  }
0x8c: {  	s16 =	sshll.u32 s0, $0xA;
	s2 =	sadd.s32 s3, s2  }
0x8d: {  	s2 =	sadd.s32 s2, s16  }
0x8e: {  	[smem:$0x3FB8] =	sst s2  }
0x8f: {  	_ = 	snop  }
0x90: {  	(tm) =	ssettm $0x1  }
0x91: {  	s17 =	sld [smem:$0x3FFB];
	_ =	sdelay $0x3  }
0x92: {  	_ =	strace s17  }
0x93: {  	s2 =	sld [smem:$0x3FFC];
	_ =	sdelay $0x3  }
0x94: {  	_ =	strace s2  }
0x95: {  	s2 =	sld [smem:$0x3FFD];
	_ =	sdelay $0x3  }
0x96: {  	_ =	strace s2  }
0x97: {  	_ =	strace $0x8FFFFFFF  }
0x98: {  	s18 =	sld [smem:$0x3FDB];
	_ =	sdelay $0x1  }
0x99: {  	s19 =	simm.s32 $_scs_section_size  }
0x9a: {  	s4 =	simm.s32 $_size__tile_overlayer_lowered;
	s5 =	simm.s32 $_tile_overlayer_lowered  }
0x9b: {  	s22 =	simm.s32 $0x1BFF;
	s21 =	sshll.u32 s5, $0x1;
	s2 =	sadd.s32 s19, s18  }
0x9c: {  	s6 =	simm.s32 $0x0;
	s20 =	sshll.u32 s4, $0x1;
	s4 =	sadd.s32 s21, s2  }
0x9d: {  	[timem:s6], [sflag:s22] =	dma.local [hbm:s4], s20  }
0x9e: {  	_ =	swait.ge [sflag:s22], s20  }
0x9f: {  	s3 =	ssub.s32 $0x0, s20;
	[sflag:s22] =	ssyncset.done $0x0  }
0xa0: {  	[sflag:s22] =	ssyncadd.s32 s3;
	_ =	sdelay $0x1  }
0xa1: {  	s23 =	simm.s32 $0x1B8B  }
0xa2: {  	_ =	swait.ge [sflag:s23], $0x1  }
0xa3: {  	[sflag:s23] =	ssyncset.done $0x0  }
0xa4: {  	s25 =	simm.s32 $0x1B8E;
	s24 =	sld [smem:$0x3FFE];
	[sflag:s23] =	ssyncadd.s32 $0xFFFFFFFF  }
0xa5: {  	s26 =	simm.s32 $execute0_lowered;
	[smem:$0x3FD2] =	sst s25  }
0xa6: {  	s4 =	sshll.u32 s26, $0x1;
	_ =	strace $0x8000004C;
	[dreg:$0x1] =	wrdreg $0xFFFFFFFF  }
0xa7: {  	s28 =	simm.s32 $_size_execute0_lowered;
	s2 =	sadd.s32 s2, s4;
	[dreg:$0x0] =	wrdreg $0x0  }
0xa8: {  	s4 =	sshll.u32 s28, $0x1;
	[dreg:$0x2] =	wrdreg s2  }
0xa9: {  	[dreg:$0x3] =	wrdreg s4  }
0xaa: {  	[dreg:$0x4] =	wrdreg $0xC0  }
0xab: {  	_ =	task [dreg:s6], $0x5FFFF  }
0xac: {  	[dreg:$0x1] =	wrdreg $0xFFFFFFFF  }
0xad: {  	[dreg:$0x0] =	wrdreg $0x60  }
0xae: {  	[dreg:$0x2] =	wrdreg s24  }
0xaf: {  	[dreg:$0x3] =	wrdreg $0x9  }
0xb0: {  	_ =	task.clear_ibuf [dreg:s6], $0x4FFFF;
	_ =	strace $0x9000004C  }
0xb1: {  	s29 =	simm.s32 $0x9;
	_ =	strace $0x8000004E  }
0xb2: {  	_ =	swait.ge [sflag:s29], $0x1  }
0xb3: {  	[sflag:s29] =	ssyncadd.s32 $0xFFFFFFFF  }
0xb4: {  	_ =	strace $0x9000004E  }
0xb5: {  	_ =	sfence  }
0xb6: {  	s30 =	sld [smem:$0x0];
	_ =	sdelay $0x2  }
0xb7: {  	s31 =	sshll.u32 s1, $0xD;
	s1 =	sshrl.u32 s1, $0x2  }
0xb8: {  	s3 =	sand.u32 $0x4000, s31;
	s1 =	sadd.s32 s1, s30  }
0xb9: {  	s0 =	sor.u32 s3, s0;
	s1 =	sshll.u32 s1, $0x11  }
0xba: {  	s0 =	sor.u32 s1, s0  }
0xbb: {  	s0 =	sadd.s32 $0x8F2B, s0  }
0xbc: {  	[sflag:s0] =	ssyncadd.remote.s32 $0x1  }
0xbd: {  	_ =	sfence.sel $0xFFFF  }
0xbe: {  	[dreg:$0x0] =	wrdreg $0xFFFFFFFF;
	(pc) =	sbr.abs _section_cstart, $3  }
0xbf: {  	[dreg:$0x1] =	wrdreg $0xFFFFFFFF  }
0xc0: {  	_ =	task.clear_ibuf [dreg:s6], $0x2FFFF;
	_ =	strace $0x9FFFFFFF  }
0xc1: {  	(tm) =	ssettm $0x7FFFFFFF  }
tec
execute0_lowered:
.L_overlay_start_1:
0x0: {  	(tag) =	ssettag $0x1  }
0x1: {  	s1 =	srdreg.scid  }
0x2: {  	s0 =	stileid.u32;
	s2 =	rddreg [dreg:$0x0];
	s6 =	simm.s32 $0x1  }
0x3: {  	s9 =	simm.s32 $0x1;
	s10 =	simm.s32 $0x3;
	s1 =	sshll.u32 s1, $0x8  }
0x4: {  	s13 =	simm.s32 $0x0;
	s3 =	sshll.u32 s0, $0x9;
	s4 =	sand.u32 $0x100, s1  }
0x5: {  	s12 =	simm.s32 $0x0;
	s5 =	sadd.s32 $0x600, s2;
	s3 =	sor.u32 s3, s4  }
0x6: {  	s1 =	rddreg [dreg:$0x1];
	_ =	strace $0x8000004D;
	s8 =	ssub.s32 $0x2800, s3  }
.Ltmp0:
0x7: {  	s4 =	sadd.s32 $0xC00, s2;
	s7 =	sand.u32 $0x1F00, s8;
	(pc) =	sbr.rel .LBB2_1-.Ltmp0, $4  }
0x8: {  	[sflag:s6] =	ssyncpa.u1 $0x0;
	s11 =	smov.u32 s3;
	p0 =	sne.s32 s7, $0x0  }
0x9: {  	s8 =	sshrl.u32 s8, $0xD;
	s7 =	simm.s32 $0x2;
	s9 =	simm.s32 @!p0 $0x0  }
0xa: {  	[sflag:s7] =	ssyncpa.u1 $0x0;
	p0 =	por $0x0, $0x0;
	s8 =	sadd.s32 s9, s8  }
0xb: {  	vm0 =	vmmov $0xffff;
	[sflag:s10] =	ssyncpa.u1 $0x0;
	s10 =	simm.s32 $0x0;
	s9 =	sadd.s32 $0x1, s8  }
.LBB2_4:
0xc: {  	v5 =	vshrl.u32 v1, $0xE;
	v6 =	vshll.u32 v1, $0x7  }
0xd: {  	vm1 =	veq.s32 v1, $0x80000000;
	v58 =	vand.u32 $0x3, v5;
	v59 =	vand.u32 $0x1FFF80, v6  }
0xe: {  	v1 =	vsel vm1, $0xFFFFFFFF, v58;
	v5 =	vsel vm1, $0xFFFFFF80, v59  }
0xf: {  	v3 =	vor.u32 v4, v3;
	v60 =	vand.u32 $0xFFFFFC00, v5;
	v61 =	vand.u32 $0xFFFFFC00, v1  }
0x10: {  	v2 =	vor.u32 v2, v3;
	v63 =	vand.u32 $0x380, v5;
	v62 =	vadd.s32 v61, v60  }
0x11: {  	v1 =	vand.u32 $0x7F, v1;
	v3 =	vor.u32 v63, v62  }
0x12: {  	v1 =	vor.u32 v1, v3  }
0x13: {  	[tilespmem:s15], [sflag:$0x1] =	stream.indirect_vreg.gather [hbm4b:s4+s10], $0x1, v0, vm0, $0x4038;
	[tilespmem:$0x400] =	vst v63  }
0x14: {  	(ifvalue) =	ssetifvalue $0x7FFFFFFF  }
0x15: {  	[tilespmem:s16], [sflag:$0x1] =	stream.indirect_vreg.gather [hbm4b:s4+s10], $0x1, v2, vm0, $0x4038;
	[tilespmem:$0x400] =	vst v63  }
0x16: {  	s29 =	sadd.s32 $0x10, s16;
	(ifvalue) =	ssetifvalue $0x7FFFFFFF  }
0x17: {  	[tilespmem:s29], [sflag:$0x1] =	stream.indirect_vreg.gather [hbm4b:s4+s10], $0x1, v1, vm0, $0x4038;
	[tilespmem:$0x400] =	vst v63  }
0x18: {  	_ =	swait.ge [sflag:s6], $0x100  }
0x19: {  	s30 =	sshrl.u32 s13, $0x3;
	[sflag:s6] =	ssyncset.done $0x0  }
0x1a: {  	s31 =	sand.u32 $0x7, s13;
	s15 =	sadd.s32 s5, s30;
	[sflag:s6] =	ssyncadd.s32 $0xFFFFFF00  }
0x1b: {  	[hbm4b:s15+s31] =	stream.linear.scatter [tilespmem:s14], [sflag:$0x3], $0x100, $0x38;
	[tilespmem:$0x400] =	vst v63  }
.LBB2_5:
0x1c: {  	s15 =	sadd.s32 $0x2000, s11  }
0x1d: {  	p2 =	sgt.s32 s15, $0x27FF  }
0x1e: {  	s15 =	smov.u32 @p2 s3;
	p2 =	sne.s32 s12, s9  }
.Ltmp1:
0x1f: {  	p1 =	slt.u32 s12, $0x2;
	(pc) =	sbr.rel @!p2 .LBB2_6-.Ltmp1, $4  }
0x20: {  	s14 =	simm.s32 @!p1 $0x3  }
0x21: {  	s16 =	sadd.s32 $0x1, s12;
	_ =	swait.ge @!p1 [sflag:s14], $0x100  }
0x22: {  	s13 =	smov.u32 s11;
	p0 =	por !p0, !p0;
	[sflag:s14] =	ssyncset.done @!p1 $0x0  }
0x23: {  	s12 =	smov.u32 s16;
	s11 =	smov.u32 s15;
	[sflag:s14] =	ssyncadd.s32 @!p1 $0xFFFFFF00  }
.LBB2_1:
0x24: {  	p1 =	sge.u32 s12, s8  }
0x25: {  	s14 =	sxor.u32 @!p1 $0xFFFFFFFF, s12  }
0x26: {  	s31 =	sadd.s32 $0xFFFFFFFF, s12;
	s15 =	sshrl.u32 @!p1 s11, $0x3;
	s14 =	sshll.u32 @!p1 s14, $0x8  }
0x27: {  	s16 =	sand.u32 @!p1 $0x7, s11;
	s15 =	sadd.s32 @!p1 s2, s15;
	s14 =	sand.u32 @!p1 $0x100, s14  }
0x28: {  	[tilespmem:s14], [sflag:$0x2] =	stream.linear.gather @!p1 [hbm4b:s15+s16], $0x100, $0x38;
	[tilespmem:$0x400] =	vst v63  }
0x29: {  	p1 =	sge.u32 s31, s8  }
.Ltmp2:
0x2a: {  	_ = 	snop;
	(pc) =	sbr.rel @p1 .LBB2_5-.Ltmp2, $1  }
0x2b: {  	_ =	sdelay $0x3  }
0x2c: {  	s14 =	simm.s32 $0x1  }
0x2d: {  	_ =	swait.ge [sflag:s7], $0x100;
	s14 =	simm.s32 @!p0 $0x0  }
0x2e: {  	[sflag:s7] =	ssyncset.done $0x0;
	s14 =	sshll.u32 s14, $0x8  }
0x2f: {  	[sflag:s7] =	ssyncadd.s32 $0xFFFFFF00;
	(ifvalue) =	ssetifvalue $0x7FFFFFFF;
	v0 =	vld.msk [tilespmem:s14+$0x0 ss:$0x1], $0xffff;
	_ =	sdelay $0x4  }
0x30: {  	s15 =	sadd.s32 $0x10, s14;
	v2 =	vshrl.u32 v0, $0xE;
	v3 =	vshll.u32 v0, $0x7  }
0x31: {  	v1 =	vld.msk [tilespmem:s15+$0x0 ss:$0x1], $0xffff;
	vm1 =	veq.s32 v0, $0x80000000;
	v0 =	vand.u32 $0x3, v2;
	v2 =	vand.u32 $0x1FFF80, v3  }
0x32: {  	v0 =	vsel vm1, $0xFFFFFFFF, v0;
	v2 =	vsel vm1, $0xFFFFFF80, v2  }
0x33: {  	v3 =	vand.u32 $0xFFFFFC00, v2;
	v4 =	vand.u32 $0xFFFFFC00, v0  }
0x34: {  	v2 =	vand.u32 $0x380, v2;
	v3 =	vadd.s32 v4, v3  }
0x35: {  	v0 =	vand.u32 $0x7F, v0;
	v2 =	vor.u32 v2, v3  }
0x36: {  	v5 =	vshll.u32 v1, $0x7;
	v4 =	vshrl.u32 v1, $0xE;
	v0 =	vor.u32 v0, v2  }
0x37: {  	s16 =	sshll.u32 s12, $0x8;
	vm1 =	veq.s32 v1, $0x80000000;
	v1 =	vand.u32 $0x3, v4;
	v4 =	vand.u32 $0x1FFF80, v5  }
0x38: {  	s16 =	sand.u32 $0x100, s16;
	s18 =	sadd.s32 $0x10, s15;
	v3 =	vsel vm1, $0xFFFFFFFF, v1;
	v4 =	vsel vm1, $0xFFFFFF80, v4  }
0x39: {  	s17 =	simm.s32 $0x20;
	s15 =	sor.u32 $0x200, s14;
	s14 =	sor.u32 $0x200, s16;
	v1 =	vld.msk [tilespmem:s18+$0x0 ss:$0x1], $0xffff;
	v5 =	vand.u32 $0xFFFFFC00, v4;
	v6 =	vand.u32 $0xFFFFFC00, v3  }
0x3a: {  	s16 =	sadd.s32 $0x10, s15;
	s18 =	sadd.s32 $0x10, s18;
	(ifvalue) =	ssetifvalue $0x7FFFFFFF;
	v2 =	vand.u32 $0x7F, v3;
	v4 =	vand.u32 $0x380, v4;
	v3 =	vadd.s32 v6, v5  }
.LBB2_3:
0x3b: {  	[tilespmem:s15], [sflag:$0x1] =	stream.indirect_vreg.gather [hbm4b:s4+s10], $0x1, v0, vm0, $0x4038;
	[tilespmem:$0x400] =	vst v63  }
0x3c: {  	s17 =	sadd.s32 $0x10, s17  }
0x3d: {  	v3 =	vor.u32 v4, v3;
	p1 =	slt.u32 s17, $0xF0  }
.Ltmp3:
0x3e: {  	v4 =	vshrl.u32 v1, $0xE;
	v5 =	vshll.u32 v1, $0x7;
	s15 =	smov.u32 s16;
	v0 =	vor.u32 v2, v3;
	v2 =	vmovc v1;
	v1 =	vld.msk [tilespmem:s18+$0x0 ss:$0x1], $0xffff;
	(pc) =	sbr.rel @p1 .LBB2_3-.Ltmp3, $4  }
0x3f: {  	v3 =	vand.u32 $0x1FFF80, v5;
	vm1 =	veq.s32 v2, $0x80000000;
	v2 =	vand.u32 $0x3, v4  }
0x40: {  	v4 =	vsel vm1, $0xFFFFFFFF, v2;
	v5 =	vsel vm1, $0xFFFFFF80, v3  }
0x41: {  	v2 =	vand.u32 $0x7F, v4;
	v3 =	vand.u32 $0xFFFFFC00, v5;
	v4 =	vand.u32 $0xFFFFFC00, v4  }
0x42: {  	s16 =	sadd.s32 $0x10, s16;
	s18 =	sadd.s32 $0x10, s18;
	v3 =	vadd.s32 v4, v3;
	v4 =	vand.u32 $0x380, v5;
	(ifvalue) =	ssetifvalue $0x7FFFFFFF  }
.Ltmp4:
0x43: {  	_ = 	snop;
	(pc) =	sbr.rel .LBB2_4-.Ltmp4, $1  }
0x44: {  	_ =	sdelay $0x3  }
.LBB2_6:
0x45: {  	_ =	sfence.sel $0x180000  }
0x46: {  	s2 =	simm.s32 $0x2;
	[bflag:$0x0] =	sbarrier.arrive $0xFFFF  }
0x47: {  	s30 =	simm.s32 $0x3;
	[sflag:s2] =	ssyncpa.u1 $0x1  }
0x48: {  	s31 =	simm.s32 $0x1;
	[sflag:s30] =	ssyncpa.u1 $0x1  }
0x49: {  	[sflag:s31] =	ssyncpa.u1 $0x1  }
0x4a: {  	p0 =	sne.s32 s0, $0x0;
	_ =	strace $0x9000004D  }
0x4b: {  	s0 =	sadd.s32 @!p0 $0x100000, s1;
	[bflag:$0x2] =	sbarrier.arrive $0xFFFF  }
0x4c: {  	[sflag:s0] =	ssyncadd.tile.s32 @!p0 $0x1;
	_ =	shalt  }
.Lfunc_end2:
_tile_overlayer_lowered:
.L_overlay_start_2:
0x4d: {  	(tag) =	ssettag $0x2  }
0x4e: {  	s0 =	rddreg [dreg:$0x0];
	s2 =	stileid.u32  }
0x4f: {  	s1 =	rddreg [dreg:$0x1];
	p0 =	sne.s32 s2, $0x0  }
0x50: {  	s3 =	rddreg [dreg:$0x2];
	[bflag:$0x3] =	sbarrier.arrive $0xFFFF;
	s2 =	simm.s32 @!p0 $0x1C01  }
0x51: {  	[timem:s3], [sflag:s2] =	dma.local @!p0 [hbm:s0], s1  }
0x52: {  	s0 =	simm.s32 @!p0 $0x1  }
0x53: {  	_ =	swait.ge @!p0 [sflag:s0], s1  }
0x54: {  	s1 =	ssub.s32 @!p0 $0x0, s1;
	[sflag:s0] =	ssyncset.done @!p0 $0x0  }
0x55: {  	[sflag:s0] =	ssyncadd.s32 @!p0 s1  }
0x56: {  	[bflag:$0x3] =	sbarrier.arrive $0xFFFF  }
0x57: {  	_ =	shalt  }

// kernel: gather_offload_async_start.2
scs
__scs_entry_jumppad:
0x0: {  	(pc) =	sbr.rel $0x88, $3  }
0x1: {  	(tag) =	ssettag $0x0;
	lr =	simm.s32 $0x1  }
0x2: {  	[smem:$0x3F91] =	sst lr;
	_ =	strace $0xD0000000  }
0x3: {  	_ = 	snop  }
0x4: {  	_ = 	snop  }
0x5: {  	_ = 	snop  }
0x6: {  	_ = 	snop  }
0x7: {  	_ = 	snop  }
__scs_overlays_trampoline_lowered:
0x8: {  	[smem:$0x3FA0] =	sst s0  }
0x9: {  	[smem:$0x3FA1] =	sst s1  }
0xa: {  	[smem:$0x3FA2] =	sst s2  }
0xb: {  	[smem:$0x3FA3] =	sst s3  }
0xc: {  	[smem:$0x3FA4] =	sst s4  }
0xd: {  	[smem:$0x3FA5] =	sst s5  }
0xe: {  	[smem:$0x3FA6] =	sst s6  }
0xf: {  	[smem:$0x3FA7] =	sst s7  }
0x10: {  	[smem:$0x3FA8] =	sst s8  }
0x11: {  	[smem:$0x3FA9] =	sst s9;
	s0 =	simm.s32 @!p0 $0x0  }
0x12: {  	s1 =	sld [smem:$0x3F8F];
	s0 =	simm.s32 @p0 $0x1  }
0x13: {  	[smem:$0x3FAA] =	sst s0;
	s0 =	simm.s32 @!p1 $0x0  }
0x14: {  	s2 =	sld [smem:$0x3F8E];
	s0 =	simm.s32 @p1 $0x1  }
0x15: {  	[smem:$0x3FAB] =	sst s0;
	s0 =	simm.s32 @!p2 $0x0  }
0x16: {  	s3 =	sld [smem:$0x3FDB];
	s0 =	simm.s32 @p2 $0x1  }
0x17: {  	s4 =	simm.s32 $0x1BF5;
	[smem:$0x3FAD] =	sst s0  }
0x18: {  	s0 =	sld [smem:$0x3F90];
	_ =	swait.ge [sflag:s4], $0x0  }
0x19: {  	s7 =	sld [smem:$0x3F91]  }
0x1a: {  	s8 =	sadd.s32 $0xFFFFE003, lr  }
0x1b: {  	s9 =	sadd.s32 $0xFFFFFEF7, lr;
	s5 =	simm.s32 $0xFFFFFFFF;
	p2 =	slt.u32 s8, $0xFFFFF086  }
0x1c: {  	p1 =	slt.u32 s9, $0xF7A;
	s5 =	simm.s32 @!p2 $0x0  }
0x1d: {  	s5 =	simm.s32 @p1 $0x1;
	p0 =	seq.s32 s7, s2  }
0x1e: {  	s7 =	smul.u32 @!p0 $0xF7A, s2;
	p2 =	seq.s32 @!p0 s5, $0x0  }
0x1f: {  	s9 =	smul.u32 $0xF7A, s1;
	s8 =	simm.s32 @!p0 $0x1BF5;
	p2 =	por !p2, p0  }
0x20: {  	[sflag:s8] =	ssyncset.s32 @!p0 $0xFFFFF086;
	s6 =	sadd.s32 @!p0 s3, s7;
	s7 =	simm.s32 @!p0 $0x108  }
0x21: {  	s3 =	sadd.s32 s3, s9;
	s6 =	sadd.s32 @!p0 $0x88, s6;
	s7 =	simm.s32 @p2 $0x1082  }
0x22: {  	[simem:s7], [sflag:s8] =	dma.local @!p0 [hbm:s6], $0xF7A  }
0x23: {  	s9 =	sor.u32 $0xD0000000, s2;
	s6 =	simm.s32 $0x108;
	_ =	swait.ge @!p0 [sflag:s8], $0x0  }
0x24: {  	s3 =	sadd.s32 $0x88, s3;
	s6 =	simm.s32 @!p1 $0x1082;
	[sflag:s4] =	ssyncset.s32 $0xFFFFF086  }
0x25: {  	[simem:s6], [sflag:s4] =	dma.local [hbm:s3], $0xF7A  }
0x26: {  	[smem:$0x3F91] =	sst s1;
	(tag) =	ssettag s2;
	_ =	strace s9  }
0x27: {  	s1 =	sld [smem:$0x3FA1]  }
0x28: {  	s2 =	sld [smem:$0x3FA2]  }
0x29: {  	s4 =	sld [smem:$0x3FA4]  }
0x2a: {  	p0 =	seq.s32 s5, $0x0;
	s5 =	sld [smem:$0x3FA5]  }
0x2b: {  	s6 =	sld [smem:$0x3FA6]  }
0x2c: {  	s7 =	sld [smem:$0x3FA7]  }
0x2d: {  	s3 =	simm.s32 $0x108;
	s8 =	sld [smem:$0x3FA8]  }
0x2e: {  	s3 =	simm.s32 @!p0 $0x1082;
	s9 =	sld [smem:$0x3FA9]  }
0x2f: {  	lr =	sadd.s32 s0, s3;
	s0 =	sld [smem:$0x3FA0]  }
0x30: {  	s3 =	sld [smem:$0x3FA3]  }
0x31: {  	[smem:$0x3FAC] =	sst s10  }
0x32: {  	s10 =	sld [smem:$0x3FAA];
	_ =	sdelay $0x3  }
0x33: {  	p0 =	seq.s32 s10, $0x1;
	s10 =	sld [smem:$0x3FAC];
	_ =	sdelay $0x3  }
0x34: {  	[smem:$0x3FAC] =	sst s10  }
0x35: {  	s10 =	sld [smem:$0x3FAB];
	_ =	sdelay $0x3  }
0x36: {  	p1 =	seq.s32 s10, $0x1;
	s10 =	sld [smem:$0x3FAC];
	_ =	sdelay $0x3  }
0x37: {  	[smem:$0x3FAC] =	sst s10  }
0x38: {  	s10 =	sld [smem:$0x3FAD]  }
0x39: {  	_ = 	snop;
	(pc) =	sbr.ind lr, $3  }
0x3a: {  	_ = 	snop  }
0x3b: {  	_ = 	snop  }
0x3c: {  	p2 =	seq.s32 s10, $0x1;
	s10 =	sld [smem:$0x3FAC]  }
0x3d: {  	_ =	shalt  }
0x3e: {  	_ =	shalt  }
0x3f: {  	_ =	shalt  }
0x40: {  	_ =	shalt  }
0x41: {  	_ =	shalt  }
0x42: {  	_ =	shalt  }
0x43: {  	_ =	shalt  }
0x44: {  	_ =	shalt  }
0x45: {  	_ =	shalt  }
0x46: {  	_ =	shalt  }
0x47: {  	_ =	shalt  }
0x48: {  	_ =	shalt  }
0x49: {  	_ =	shalt  }
0x4a: {  	_ =	shalt  }
0x4b: {  	_ =	shalt  }
0x4c: {  	_ =	shalt  }
0x4d: {  	_ =	shalt  }
0x4e: {  	_ =	shalt  }
0x4f: {  	_ =	shalt  }
0x50: {  	_ =	shalt  }
0x51: {  	_ =	shalt  }
0x52: {  	_ =	shalt  }
0x53: {  	_ =	shalt  }
0x54: {  	_ =	shalt  }
0x55: {  	_ =	shalt  }
0x56: {  	_ =	shalt  }
0x57: {  	_ =	shalt  }
0x58: {  	_ =	shalt  }
0x59: {  	_ =	shalt  }
0x5a: {  	_ =	shalt  }
0x5b: {  	_ =	shalt  }
0x5c: {  	_ =	shalt  }
0x5d: {  	_ =	shalt  }
0x5e: {  	_ =	shalt  }
0x5f: {  	_ =	shalt  }
0x60: {  	_ =	shalt  }
0x61: {  	_ =	shalt  }
0x62: {  	_ =	shalt  }
0x63: {  	_ =	shalt  }
0x64: {  	_ =	shalt  }
0x65: {  	_ =	shalt  }
0x66: {  	_ =	shalt  }
0x67: {  	_ =	shalt  }
0x68: {  	_ =	shalt  }
0x69: {  	_ =	shalt  }
0x6a: {  	_ =	shalt  }
0x6b: {  	_ =	shalt  }
0x6c: {  	_ =	shalt  }
0x6d: {  	_ =	shalt  }
0x6e: {  	_ =	shalt  }
0x6f: {  	_ =	shalt  }
0x70: {  	_ =	shalt  }
0x71: {  	_ =	shalt  }
0x72: {  	_ =	shalt  }
0x73: {  	_ =	shalt  }
0x74: {  	_ =	shalt  }
0x75: {  	_ =	shalt  }
0x76: {  	_ =	shalt  }
0x77: {  	_ =	shalt  }
0x78: {  	_ =	shalt  }
0x79: {  	_ =	shalt  }
0x7a: {  	_ =	shalt  }
0x7b: {  	_ =	shalt  }
0x7c: {  	_ =	shalt  }
0x7d: {  	_ =	shalt  }
0x7e: {  	_ =	shalt  }
0x7f: {  	_ =	shalt  }
0x80: {  	_ =	shalt  }
0x81: {  	_ =	shalt  }
0x82: {  	_ =	shalt  }
0x83: {  	_ =	shalt  }
0x84: {  	_ =	shalt  }
0x85: {  	_ =	shalt  }
0x86: {  	_ =	shalt  }
0x87: {  	_ =	shalt  }
.Lfunc_end0:
.L_simem_size_0:
called_computation.2_lowered:
.L_overlay_start_0:
0x88: {  	s2 =	sld [smem:$0x3FD9]  }
0x89: {  	s3 =	sld [smem:$0x3FFE];
	_ =	sdelay $0x1  }
0x8a: {  	s1 =	srdreg.scid  }
0x8b: {  	s0 =	sand.u32 $0x1, s1  }
0x8c: {  	s17 =	sshll.u32 s0, $0xA;
	s2 =	sadd.s32 s3, s2  }
0x8d: {  	s2 =	sadd.s32 s2, s17  }
0x8e: {  	[smem:$0x3FB8] =	sst s2  }
0x8f: {  	_ = 	snop  }
0x90: {  	(tm) =	ssettm $0x1  }
0x91: {  	s18 =	sld [smem:$0x3FFB];
	_ =	sdelay $0x3  }
0x92: {  	_ =	strace s18  }
0x93: {  	s2 =	sld [smem:$0x3FFC];
	_ =	sdelay $0x3  }
0x94: {  	_ =	strace s2  }
0x95: {  	s2 =	sld [smem:$0x3FFD];
	_ =	sdelay $0x3  }
0x96: {  	_ =	strace s2  }
0x97: {  	_ =	strace $0x8FFFFFFF  }
0x98: {  	s19 =	sld [smem:$0x3FDB];
	_ =	sdelay $0x1  }
0x99: {  	s20 =	simm.s32 $_scs_section_size  }
0x9a: {  	s4 =	simm.s32 $_size__tile_overlayer_lowered;
	s5 =	simm.s32 $_tile_overlayer_lowered  }
0x9b: {  	s6 =	simm.s32 $0x1BFF;
	s21 =	sshll.u32 s5, $0x1;
	s3 =	sadd.s32 s20, s19  }
0x9c: {  	s22 =	simm.s32 $0x0;
	s4 =	sshll.u32 s4, $0x1;
	s5 =	sadd.s32 s21, s3  }
0x9d: {  	[timem:s22], [sflag:s6] =	dma.local [hbm:s5], s4  }
0x9e: {  	_ =	swait.ge [sflag:s6], s4  }
0x9f: {  	s4 =	ssub.s32 $0x0, s4;
	[sflag:s6] =	ssyncset.done $0x0  }
0xa0: {  	[sflag:s6] =	ssyncadd.s32 s4;
	_ =	sdelay $0x1  }
0xa1: {  	s23 =	simm.s32 $0x1B8B  }
0xa2: {  	_ =	swait.ge [sflag:s23], $0x1  }
0xa3: {  	[sflag:s23] =	ssyncset.done $0x0  }
0xa4: {  	[sflag:s23] =	ssyncadd.s32 $0xFFFFFFFF  }
0xa5: {  	s4 =	sld [smem:$0x0]  }
0xa6: {  	s5 =	sand.u32 $0xFFFFFFFE, s1  }
0xa7: {  	p0 =	sne.s32 s1, s5  }
0xa8: {  	s5 =	sshll.u32 @p0 s5, $0xE  }
0xa9: {  	s5 =	sadd.s32 @p0 $0x11B8D, s5;
	s6 =	sshll.u32 @p0 s4, $0x11  }
0xaa: {  	s5 =	sor.u32 @p0 s6, s5  }
0xab: {  	[sflag:s5] =	ssyncadd.remote.s32 @p0 $0x1;
	_ =	sdelay $0x1  }
0xac: {  	s5 =	simm.s32 @p0 $0x1B8D  }
0xad: {  	_ =	swait.eq @p0 [sflag:s5], $0x1  }
0xae: {  	[sflag:s5] =	ssyncadd.s32 @p0 $0xFFFFFFFF  }
0xaf: {  	s6 =	sshll.u32 @!p0 s1, $0xE  }
0xb0: {  	s6 =	sor.u32 @!p0 $0x4000, s6;
	s5 =	simm.s32 @!p0 $0x1B8D  }
0xb1: {  	s4 =	sshll.u32 @!p0 s4, $0x11;
	s6 =	sadd.s32 @!p0 $0x11B8D, s6;
	_ =	swait.eq @!p0 [sflag:s5], $0x1  }
0xb2: {  	s4 =	sor.u32 @!p0 s4, s6;
	[sflag:s5] =	ssyncadd.s32 @!p0 $0xFFFFFFFF  }
0xb3: {  	s25 =	simm.s32 $0x1B8E;
	s24 =	sld [smem:$0x3FFE];
	[sflag:s4] =	ssyncadd.remote.s32 @!p0 $0x1  }
0xb4: {  	s26 =	simm.s32 $execute0_lowered;
	[smem:$0x3FD2] =	sst s25  }
0xb5: {  	s5 =	sshll.u32 s26, $0x1;
	_ =	strace $0x80000055;
	[dreg:$0x1] =	wrdreg $0xFFFFFFFF  }
0xb6: {  	s28 =	simm.s32 $_size_execute0_lowered;
	s3 =	sadd.s32 s3, s5;
	[dreg:$0x0] =	wrdreg $0x0  }
0xb7: {  	s5 =	sshll.u32 s28, $0x1;
	[dreg:$0x2] =	wrdreg s3  }
0xb8: {  	[dreg:$0x3] =	wrdreg s5  }
0xb9: {  	[dreg:$0x4] =	wrdreg $0xC0  }
0xba: {  	_ =	task [dreg:s22], $0x5FFFF  }
0xbb: {  	[dreg:$0x1] =	wrdreg $0xFFFFFFFF  }
0xbc: {  	[dreg:$0x0] =	wrdreg $0x60  }
0xbd: {  	[dreg:$0x2] =	wrdreg s24  }
0xbe: {  	[dreg:$0x3] =	wrdreg $0x9  }
0xbf: {  	_ =	task.clear_ibuf [dreg:s22], $0x4FFFF;
	_ =	strace $0x90000055  }
0xc0: {  	s29 =	simm.s32 $0x9;
	_ =	strace $0x80000057  }
0xc1: {  	_ =	swait.ge [sflag:s29], $0x1  }
0xc2: {  	[sflag:s29] =	ssyncadd.s32 $0xFFFFFFFF  }
0xc3: {  	_ =	strace $0x90000057  }
0xc4: {  	_ =	sfence  }
0xc5: {  	s30 =	sld [smem:$0x0];
	_ =	sdelay $0x2  }
0xc6: {  	s31 =	sshll.u32 s1, $0xD;
	s1 =	sshrl.u32 s1, $0x2  }
0xc7: {  	s4 =	sand.u32 $0x4000, s31;
	s1 =	sadd.s32 s1, s30  }
0xc8: {  	s0 =	sor.u32 s4, s0;
	s1 =	sshll.u32 s1, $0x11  }
0xc9: {  	s0 =	sor.u32 s1, s0  }
0xca: {  	s0 =	sadd.s32 $0x8F2B, s0  }
0xcb: {  	[sflag:s0] =	ssyncadd.remote.s32 $0x1  }
0xcc: {  	_ =	sfence.sel $0xFFFF  }
0xcd: {  	[dreg:$0x0] =	wrdreg $0xFFFFFFFF;
	(pc) =	sbr.abs _section_cstart, $3  }
0xce: {  	[dreg:$0x1] =	wrdreg $0xFFFFFFFF  }
0xcf: {  	_ =	task.clear_ibuf [dreg:s22], $0x2FFFF;
	_ =	strace $0x9FFFFFFF  }
0xd0: {  	(tm) =	ssettm $0x7FFFFFFF  }
0xd1: {  	_ =	shalt  }
tec
execute0_lowered:
.L_overlay_start_1:
0x0: {  	(tag) =	ssettag $0x1  }
0x1: {  	s0 =	srdreg.scid  }
0x2: {  	s1 =	sshll.u32 s0, $0x4  }
0x3: {  	s0 =	stileid.u32;
	s1 =	sand.u32 $0x10, s1  }
0x4: {  	s1 =	sor.u32 s0, s1  }
0x5: {  	s9 =	rddreg [dreg:$0x0];
	s6 =	simm.s32 $0x1;
	s2 =	smin.u32 s1, $0x8  }
0x6: {  	p0 =	slt.u32 s1, $0x8;
	s2 =	sadd.s32 s1, s2;
	s1 =	simm.s32 $0x200  }
0x7: {  	s7 =	simm.s32 $0x2;
	s2 =	sshll.u32 s2, $0x8;
	s1 =	simm.s32 @!p0 $0x100  }
0x8: {  	s10 =	simm.s32 $0x3;
	s13 =	simm.s32 $0x0;
	s3 =	sadd.s32 s1, s2  }
0x9: {  	s12 =	simm.s32 $0x0;
	s4 =	sadd.s32 $0xC00, s9;
	s3 =	smin.u32 s3, $0x2800  }
.Ltmp0:
0xa: {  	s5 =	sadd.s32 $0x28C00, s9;
	s8 =	ssub.s32 s3, s2;
	(pc) =	sbr.rel .LBB2_1-.Ltmp0, $4  }
0xb: {  	s1 =	rddreg [dreg:$0x1];
	_ =	strace $0x80000056;
	p0 =	sgt.s32 s8, $0x0  }
0xc: {  	s9 =	sadd.s32 $0x29800, s9;
	[sflag:s6] =	ssyncpa.u1 $0x0;
	s8 =	simm.s32 @!p0 $0x0  }
0xd: {  	s11 =	smov.u32 s2;
	[sflag:s7] =	ssyncpa.u1 $0x0;
	s8 =	sshrl.u32 s8, $0x8  }
0xe: {  	vm0 =	vmmov $0xff;
	vm1 =	vcmask $0x3F20;
	[sflag:s10] =	ssyncpa.u1 $0x0;
	p0 =	por $0x0, $0x0;
	s10 =	sadd.s32 $0x1, s8  }
.LBB2_6:
0xf: {  	[hbm:s17] =	stream.linear.scatter [tilespmem:s14], [sflag:$0x3], $0x400, $0x38;
	[tilespmem:$0x10200] =	vst v63  }
.LBB2_7:
0x10: {  	s13 =	sadd.s32 $0x100, s11  }
0x11: {  	s15 =	smov.u32 s2;
	p2 =	slt.s32 s13, s3  }
0x12: {  	s15 =	smov.u32 @p2 s13;
	p2 =	sne.s32 s12, s10  }
.Ltmp1:
0x13: {  	p1 =	slt.u32 s12, $0x2;
	(pc) =	sbr.rel @!p2 .LBB2_8-.Ltmp1, $4  }
0x14: {  	s14 =	simm.s32 @!p1 $0x3  }
0x15: {  	s16 =	sadd.s32 $0x1, s12;
	_ =	swait.ge @!p1 [sflag:s14], $0x8000  }
0x16: {  	p0 =	por !p0, !p0;
	s13 =	smov.u32 s11;
	[sflag:s14] =	ssyncset.done @!p1 $0x0  }
0x17: {  	s12 =	smov.u32 s16;
	s11 =	smov.u32 s15;
	[sflag:s14] =	ssyncadd.s32 @!p1 $0xFFFF8000  }
.LBB2_1:
0x18: {  	p1 =	sge.u32 s12, s8  }
0x19: {  	s14 =	sxor.u32 @!p1 $0xFFFFFFFF, s12  }
0x1a: {  	s31 =	sadd.s32 $0xFFFFFFFF, s12;
	s15 =	sshrl.u32 @!p1 s11, $0x3;
	s14 =	sshll.u32 @!p1 s14, $0x8  }
0x1b: {  	s16 =	sand.u32 @!p1 $0x7, s11;
	s15 =	sadd.s32 @!p1 s5, s15;
	s14 =	sand.u32 @!p1 $0x100, s14  }
0x1c: {  	[tilespmem:s14], [sflag:$0x2] =	stream.linear.gather @!p1 [hbm4b:s15+s16], $0x100, $0x38;
	[tilespmem:$0x10200] =	vst v63  }
0x1d: {  	p1 =	sge.u32 s31, s8  }
.Ltmp2:
0x1e: {  	_ = 	snop;
	(pc) =	sbr.rel @p1 .LBB2_7-.Ltmp2, $1  }
0x1f: {  	_ =	sdelay $0x3  }
0x20: {  	s14 =	simm.s32 $0x1  }
0x21: {  	_ =	swait.ge [sflag:s7], $0x100;
	s14 =	simm.s32 @!p0 $0x0  }
0x22: {  	[sflag:s7] =	ssyncset.done $0x0;
	s16 =	sshll.u32 s14, $0x8  }
0x23: {  	[sflag:s7] =	ssyncadd.s32 $0xFFFFFF00;
	s15 =	sadd.s32 $0x0, s16  }
0x24: {  	v0 =	vld.msk [tilespmem:s15+$0x0 ss:$0x1], $0xffff;
	_ =	sdelay $0x4  }
0x25: {  	vm2 =	vgt.s32 v0, $0x0  }
0x26: {  	v0 =	vnsel vm2, $0x0, v0  }
0x27: {  	v0 =	vmin.u32 v0, $0x27FF  }
0x28: {  	v0 =	vshll.u32 v0, $0x4;
	_ =	sdelay $0x2  }
0x29: {  	s14 =	sshll.u32 s14, $0xF  }
0x2a: {  	s14 =	sor.u32 $0x200, s14  }
0x2b: {  	[tilespmem:s14], [sflag:$0x1] =	stream.indirect_vreg.gather [hbm:s4], $0x80, v0, vm0, $0x38;
	[tilespmem:$0x10200] =	vst v63  }
0x2c: {  	s17 =	sadd.s32 $0x10, s16;
	s15 =	sadd.s32 $0x400, s14  }
0x2d: {  	[tilespmem:s15], [sflag:$0x1] =	stream.indirect_vreg.gather [hbm:s4], $0x80, v0, vm1, $0x38;
	[tilespmem:$0x10200] =	vst v63  }
0x2e: {  	s18 =	simm.s32 $0x80;
	v0 =	vld.msk [tilespmem:s17+$0x0 ss:$0x1], $0xffff;
	s17 =	smov.u32 s14  }
.LBB2_3:
0x2f: {  	p1 =	sne.s32 s18, $0x3C0;
	_ =	sdelay $0x4  }
0x30: {  	vm2 =	vgt.s32 v0, $0x0  }
0x31: {  	v0 =	vnsel vm2, $0x0, v0  }
0x32: {  	v0 =	vmin.u32 v0, $0x27FF  }
0x33: {  	v0 =	vshll.u32 v0, $0x4;
	_ =	sdelay $0x3  }
.Ltmp3:
0x34: {  	s19 =	sshra.s32 s18, $0x2;
	s17 =	sadd.s32 $0x800, s17;
	(pc) =	sbr.rel @p1 .LBB2_3-.Ltmp3, $4  }
0x35: {  	[tilespmem:s17], [sflag:$0x1] =	stream.indirect_vreg.gather [hbm:s4], $0x80, v0, vm0, $0x38;
	[tilespmem:$0x10200] =	vst v63  }
0x36: {  	s19 =	sadd.s32 s19, s16;
	s20 =	sadd.s32 $0x400, s17  }
0x37: {  	[tilespmem:s20], [sflag:$0x1] =	stream.indirect_vreg.gather [hbm:s4], $0x80, v0, vm1, $0x38;
	[tilespmem:$0x10200] =	vst v63  }
0x38: {  	s18 =	sadd.s32 $0x40, s18;
	v0 =	vld.msk [tilespmem:s19+$0x0 ss:$0x1], $0xffff  }
0x39: {  	_ =	sdelay $0x3  }
0x3a: {  	vm2 =	vgt.s32 v0, $0x0  }
0x3b: {  	v0 =	vnsel vm2, $0x0, v0  }
0x3c: {  	v0 =	vmin.u32 v0, $0x27FF  }
0x3d: {  	v0 =	vshll.u32 v0, $0x4;
	_ =	sdelay $0x3  }
0x3e: {  	s16 =	sadd.s32 $0x800, s17  }
0x3f: {  	[tilespmem:s16], [sflag:$0x1] =	stream.indirect_vreg.gather [hbm:s4], $0x80, v0, vm0, $0x38;
	[tilespmem:$0x10200] =	vst v63  }
0x40: {  	s16 =	sadd.s32 $0x400, s16  }
0x41: {  	[tilespmem:s16], [sflag:$0x1] =	stream.indirect_vreg.gather [hbm:s4], $0x80, v0, vm1, $0x38;
	[tilespmem:$0x10200] =	vst v63  }
0x42: {  	s13 =	sshll.u32 s13, $0x4;
	_ =	swait.ge [sflag:s6], $0x8000  }
0x43: {  	s13 =	sadd.s32 s13, s9;
	[sflag:s6] =	ssyncset.done $0x0  }
0x44: {  	s17 =	sadd.s32 $0x0, s13;
	s16 =	simm.s32 $0x80;
	[sflag:s6] =	ssyncadd.s32 $0xFFFF8000  }
.LBB2_5:
0x45: {  	[hbm:s17] =	stream.linear.scatter [tilespmem:s14], [sflag:$0x3], $0x400, $0x38;
	[tilespmem:$0x10200] =	vst v63  }
0x46: {  	s17 =	smov.u32 s16;
	s14 =	smov.u32 s15;
	p1 =	sne.s32 s16, $0xF80  }
.Ltmp4:
0x47: {  	s16 =	sadd.s32 $0x80, s16;
	(pc) =	sbr.rel @p1 .LBB2_5-.Ltmp4, $2  }
0x48: {  	_ =	sdelay $0x2  }
0x49: {  	s15 =	sadd.s32 $0x400, s15;
	s17 =	sadd.s32 s17, s13  }
.Ltmp5:
0x4a: {  	_ = 	snop;
	(pc) =	sbr.rel .LBB2_6-.Ltmp5, $1  }
0x4b: {  	_ =	sdelay $0x3  }
.LBB2_8:
0x4c: {  	_ =	sfence.sel $0x180000  }
0x4d: {  	s2 =	simm.s32 $0x2;
	[bflag:$0x0] =	sbarrier.arrive $0xFFFF  }
0x4e: {  	s30 =	simm.s32 $0x3;
	[sflag:s2] =	ssyncpa.u1 $0x1  }
0x4f: {  	s31 =	simm.s32 $0x1;
	[sflag:s30] =	ssyncpa.u1 $0x1  }
0x50: {  	[sflag:s31] =	ssyncpa.u1 $0x1  }
0x51: {  	p0 =	sne.s32 s0, $0x0;
	_ =	strace $0x90000056  }
0x52: {  	s0 =	sadd.s32 @!p0 $0x100000, s1;
	[bflag:$0x2] =	sbarrier.arrive $0xFFFF  }
0x53: {  	[sflag:s0] =	ssyncadd.tile.s32 @!p0 $0x1;
	_ =	shalt  }
.Lfunc_end2:
_tile_overlayer_lowered:
.L_overlay_start_2:
0x54: {  	(tag) =	ssettag $0x2  }
0x55: {  	s0 =	rddreg [dreg:$0x0];
	s2 =	stileid.u32  }
0x56: {  	s1 =	rddreg [dreg:$0x1];
	p0 =	sne.s32 s2, $0x0  }
0x57: {  	s3 =	rddreg [dreg:$0x2];
	[bflag:$0x3] =	sbarrier.arrive $0xFFFF;
	s2 =	simm.s32 @!p0 $0x1C01  }
0x58: {  	[timem:s3], [sflag:s2] =	dma.local @!p0 [hbm:s0], s1  }
0x59: {  	s0 =	simm.s32 @!p0 $0x1  }
0x5a: {  	_ =	swait.ge @!p0 [sflag:s0], s1  }
0x5b: {  	s1 =	ssub.s32 @!p0 $0x0, s1;
	[sflag:s0] =	ssyncset.done @!p0 $0x0  }
0x5c: {  	[sflag:s0] =	ssyncadd.s32 @!p0 s1  }
0x5d: {  	[bflag:$0x3] =	sbarrier.arrive $0xFFFF  }
0x5e: {  	_ =	shalt  }

// kernel: gather_offload_async_start.3
scs
__scs_entry_jumppad:
0x0: {  	(pc) =	sbr.rel $0x88, $3  }
0x1: {  	(tag) =	ssettag $0x0;
	lr =	simm.s32 $0x1  }
0x2: {  	[smem:$0x3F91] =	sst lr;
	_ =	strace $0xD0000000  }
0x3: {  	_ = 	snop  }
0x4: {  	_ = 	snop  }
0x5: {  	_ = 	snop  }
0x6: {  	_ = 	snop  }
0x7: {  	_ = 	snop  }
__scs_overlays_trampoline_lowered:
0x8: {  	[smem:$0x3FA0] =	sst s0  }
0x9: {  	[smem:$0x3FA1] =	sst s1  }
0xa: {  	[smem:$0x3FA2] =	sst s2  }
0xb: {  	[smem:$0x3FA3] =	sst s3  }
0xc: {  	[smem:$0x3FA4] =	sst s4  }
0xd: {  	[smem:$0x3FA5] =	sst s5  }
0xe: {  	[smem:$0x3FA6] =	sst s6  }
0xf: {  	[smem:$0x3FA7] =	sst s7  }
0x10: {  	[smem:$0x3FA8] =	sst s8  }
0x11: {  	[smem:$0x3FA9] =	sst s9;
	s0 =	simm.s32 @!p0 $0x0  }
0x12: {  	s1 =	sld [smem:$0x3F8F];
	s0 =	simm.s32 @p0 $0x1  }
0x13: {  	[smem:$0x3FAA] =	sst s0;
	s0 =	simm.s32 @!p1 $0x0  }
0x14: {  	s2 =	sld [smem:$0x3F8E];
	s0 =	simm.s32 @p1 $0x1  }
0x15: {  	[smem:$0x3FAB] =	sst s0;
	s0 =	simm.s32 @!p2 $0x0  }
0x16: {  	s3 =	sld [smem:$0x3FDB];
	s0 =	simm.s32 @p2 $0x1  }
0x17: {  	s4 =	simm.s32 $0x1BF5;
	[smem:$0x3FAD] =	sst s0  }
0x18: {  	s0 =	sld [smem:$0x3F90];
	_ =	swait.ge [sflag:s4], $0x0  }
0x19: {  	s7 =	sld [smem:$0x3F91]  }
0x1a: {  	s8 =	sadd.s32 $0xFFFFE003, lr  }
0x1b: {  	s9 =	sadd.s32 $0xFFFFFEF7, lr;
	s5 =	simm.s32 $0xFFFFFFFF;
	p2 =	slt.u32 s8, $0xFFFFF086  }
0x1c: {  	p1 =	slt.u32 s9, $0xF7A;
	s5 =	simm.s32 @!p2 $0x0  }
0x1d: {  	s5 =	simm.s32 @p1 $0x1;
	p0 =	seq.s32 s7, s2  }
0x1e: {  	s7 =	smul.u32 @!p0 $0xF7A, s2;
	p2 =	seq.s32 @!p0 s5, $0x0  }
0x1f: {  	s9 =	smul.u32 $0xF7A, s1;
	s8 =	simm.s32 @!p0 $0x1BF5;
	p2 =	por !p2, p0  }
0x20: {  	[sflag:s8] =	ssyncset.s32 @!p0 $0xFFFFF086;
	s6 =	sadd.s32 @!p0 s3, s7;
	s7 =	simm.s32 @!p0 $0x108  }
0x21: {  	s3 =	sadd.s32 s3, s9;
	s6 =	sadd.s32 @!p0 $0x88, s6;
	s7 =	simm.s32 @p2 $0x1082  }
0x22: {  	[simem:s7], [sflag:s8] =	dma.local @!p0 [hbm:s6], $0xF7A  }
0x23: {  	s9 =	sor.u32 $0xD0000000, s2;
	s6 =	simm.s32 $0x108;
	_ =	swait.ge @!p0 [sflag:s8], $0x0  }
0x24: {  	s3 =	sadd.s32 $0x88, s3;
	s6 =	simm.s32 @!p1 $0x1082;
	[sflag:s4] =	ssyncset.s32 $0xFFFFF086  }
0x25: {  	[simem:s6], [sflag:s4] =	dma.local [hbm:s3], $0xF7A  }
0x26: {  	[smem:$0x3F91] =	sst s1;
	(tag) =	ssettag s2;
	_ =	strace s9  }
0x27: {  	s1 =	sld [smem:$0x3FA1]  }
0x28: {  	s2 =	sld [smem:$0x3FA2]  }
0x29: {  	s4 =	sld [smem:$0x3FA4]  }
0x2a: {  	p0 =	seq.s32 s5, $0x0;
	s5 =	sld [smem:$0x3FA5]  }
0x2b: {  	s6 =	sld [smem:$0x3FA6]  }
0x2c: {  	s7 =	sld [smem:$0x3FA7]  }
0x2d: {  	s3 =	simm.s32 $0x108;
	s8 =	sld [smem:$0x3FA8]  }
0x2e: {  	s3 =	simm.s32 @!p0 $0x1082;
	s9 =	sld [smem:$0x3FA9]  }
0x2f: {  	lr =	sadd.s32 s0, s3;
	s0 =	sld [smem:$0x3FA0]  }
0x30: {  	s3 =	sld [smem:$0x3FA3]  }
0x31: {  	[smem:$0x3FAC] =	sst s10  }
0x32: {  	s10 =	sld [smem:$0x3FAA];
	_ =	sdelay $0x3  }
0x33: {  	p0 =	seq.s32 s10, $0x1;
	s10 =	sld [smem:$0x3FAC];
	_ =	sdelay $0x3  }
0x34: {  	[smem:$0x3FAC] =	sst s10  }
0x35: {  	s10 =	sld [smem:$0x3FAB];
	_ =	sdelay $0x3  }
0x36: {  	p1 =	seq.s32 s10, $0x1;
	s10 =	sld [smem:$0x3FAC];
	_ =	sdelay $0x3  }
0x37: {  	[smem:$0x3FAC] =	sst s10  }
0x38: {  	s10 =	sld [smem:$0x3FAD]  }
0x39: {  	_ = 	snop;
	(pc) =	sbr.ind lr, $3  }
0x3a: {  	_ = 	snop  }
0x3b: {  	_ = 	snop  }
0x3c: {  	p2 =	seq.s32 s10, $0x1;
	s10 =	sld [smem:$0x3FAC]  }
0x3d: {  	_ =	shalt  }
0x3e: {  	_ =	shalt  }
0x3f: {  	_ =	shalt  }
0x40: {  	_ =	shalt  }
0x41: {  	_ =	shalt  }
0x42: {  	_ =	shalt  }
0x43: {  	_ =	shalt  }
0x44: {  	_ =	shalt  }
0x45: {  	_ =	shalt  }
0x46: {  	_ =	shalt  }
0x47: {  	_ =	shalt  }
0x48: {  	_ =	shalt  }
0x49: {  	_ =	shalt  }
0x4a: {  	_ =	shalt  }
0x4b: {  	_ =	shalt  }
0x4c: {  	_ =	shalt  }
0x4d: {  	_ =	shalt  }
0x4e: {  	_ =	shalt  }
0x4f: {  	_ =	shalt  }
0x50: {  	_ =	shalt  }
0x51: {  	_ =	shalt  }
0x52: {  	_ =	shalt  }
0x53: {  	_ =	shalt  }
0x54: {  	_ =	shalt  }
0x55: {  	_ =	shalt  }
0x56: {  	_ =	shalt  }
0x57: {  	_ =	shalt  }
0x58: {  	_ =	shalt  }
0x59: {  	_ =	shalt  }
0x5a: {  	_ =	shalt  }
0x5b: {  	_ =	shalt  }
0x5c: {  	_ =	shalt  }
0x5d: {  	_ =	shalt  }
0x5e: {  	_ =	shalt  }
0x5f: {  	_ =	shalt  }
0x60: {  	_ =	shalt  }
0x61: {  	_ =	shalt  }
0x62: {  	_ =	shalt  }
0x63: {  	_ =	shalt  }
0x64: {  	_ =	shalt  }
0x65: {  	_ =	shalt  }
0x66: {  	_ =	shalt  }
0x67: {  	_ =	shalt  }
0x68: {  	_ =	shalt  }
0x69: {  	_ =	shalt  }
0x6a: {  	_ =	shalt  }
0x6b: {  	_ =	shalt  }
0x6c: {  	_ =	shalt  }
0x6d: {  	_ =	shalt  }
0x6e: {  	_ =	shalt  }
0x6f: {  	_ =	shalt  }
0x70: {  	_ =	shalt  }
0x71: {  	_ =	shalt  }
0x72: {  	_ =	shalt  }
0x73: {  	_ =	shalt  }
0x74: {  	_ =	shalt  }
0x75: {  	_ =	shalt  }
0x76: {  	_ =	shalt  }
0x77: {  	_ =	shalt  }
0x78: {  	_ =	shalt  }
0x79: {  	_ =	shalt  }
0x7a: {  	_ =	shalt  }
0x7b: {  	_ =	shalt  }
0x7c: {  	_ =	shalt  }
0x7d: {  	_ =	shalt  }
0x7e: {  	_ =	shalt  }
0x7f: {  	_ =	shalt  }
0x80: {  	_ =	shalt  }
0x81: {  	_ =	shalt  }
0x82: {  	_ =	shalt  }
0x83: {  	_ =	shalt  }
0x84: {  	_ =	shalt  }
0x85: {  	_ =	shalt  }
0x86: {  	_ =	shalt  }
0x87: {  	_ =	shalt  }
.Lfunc_end0:
.L_simem_size_0:
called_computation.3_lowered:
.L_overlay_start_0:
0x88: {  	s2 =	sld [smem:$0x3FD9]  }
0x89: {  	s3 =	sld [smem:$0x3FFE];
	_ =	sdelay $0x1  }
0x8a: {  	s1 =	srdreg.scid  }
0x8b: {  	s0 =	sand.u32 $0x1, s1  }
0x8c: {  	s16 =	sshll.u32 s0, $0xA;
	s2 =	sadd.s32 s3, s2  }
0x8d: {  	s2 =	sadd.s32 s2, s16  }
0x8e: {  	[smem:$0x3FB8] =	sst s2  }
0x8f: {  	_ = 	snop  }
0x90: {  	(tm) =	ssettm $0x1  }
0x91: {  	s17 =	sld [smem:$0x3FFB];
	_ =	sdelay $0x3  }
0x92: {  	_ =	strace s17  }
0x93: {  	s2 =	sld [smem:$0x3FFC];
	_ =	sdelay $0x3  }
0x94: {  	_ =	strace s2  }
0x95: {  	s2 =	sld [smem:$0x3FFD];
	_ =	sdelay $0x3  }
0x96: {  	_ =	strace s2  }
0x97: {  	_ =	strace $0x8FFFFFFF  }
0x98: {  	s18 =	sld [smem:$0x3FDB];
	_ =	sdelay $0x1  }
0x99: {  	s19 =	simm.s32 $_scs_section_size  }
0x9a: {  	s4 =	simm.s32 $_size__tile_overlayer_lowered;
	s5 =	simm.s32 $_tile_overlayer_lowered  }
0x9b: {  	s22 =	simm.s32 $0x1BFF;
	s21 =	sshll.u32 s5, $0x1;
	s2 =	sadd.s32 s19, s18  }
0x9c: {  	s6 =	simm.s32 $0x0;
	s20 =	sshll.u32 s4, $0x1;
	s4 =	sadd.s32 s21, s2  }
0x9d: {  	[timem:s6], [sflag:s22] =	dma.local [hbm:s4], s20  }
0x9e: {  	_ =	swait.ge [sflag:s22], s20  }
0x9f: {  	s3 =	ssub.s32 $0x0, s20;
	[sflag:s22] =	ssyncset.done $0x0  }
0xa0: {  	[sflag:s22] =	ssyncadd.s32 s3;
	_ =	sdelay $0x1  }
0xa1: {  	s23 =	simm.s32 $0x1B8B  }
0xa2: {  	_ =	swait.ge [sflag:s23], $0x1  }
0xa3: {  	[sflag:s23] =	ssyncset.done $0x0  }
0xa4: {  	s25 =	simm.s32 $0x1B8E;
	s24 =	sld [smem:$0x3FFE];
	[sflag:s23] =	ssyncadd.s32 $0xFFFFFFFF  }
0xa5: {  	s26 =	simm.s32 $execute0_lowered;
	[smem:$0x3FD2] =	sst s25  }
0xa6: {  	s4 =	sshll.u32 s26, $0x1;
	_ =	strace $0x80000052;
	[dreg:$0x1] =	wrdreg $0xFFFFFFFF  }
0xa7: {  	s28 =	simm.s32 $_size_execute0_lowered;
	s2 =	sadd.s32 s2, s4;
	[dreg:$0x0] =	wrdreg $0x0  }
0xa8: {  	s4 =	sshll.u32 s28, $0x1;
	[dreg:$0x2] =	wrdreg s2  }
0xa9: {  	[dreg:$0x3] =	wrdreg s4  }
0xaa: {  	[dreg:$0x4] =	wrdreg $0xC0  }
0xab: {  	_ =	task [dreg:s6], $0x5FFFF  }
0xac: {  	[dreg:$0x1] =	wrdreg $0xFFFFFFFF  }
0xad: {  	[dreg:$0x0] =	wrdreg $0x60  }
0xae: {  	[dreg:$0x2] =	wrdreg s24  }
0xaf: {  	[dreg:$0x3] =	wrdreg $0xA  }
0xb0: {  	_ =	task.clear_ibuf [dreg:s6], $0x4FFFF;
	_ =	strace $0x90000052  }
0xb1: {  	s29 =	simm.s32 $0xA;
	_ =	strace $0x80000054  }
0xb2: {  	_ =	swait.ge [sflag:s29], $0x1  }
0xb3: {  	[sflag:s29] =	ssyncadd.s32 $0xFFFFFFFF  }
0xb4: {  	_ =	strace $0x90000054  }
0xb5: {  	_ =	sfence  }
0xb6: {  	s30 =	sld [smem:$0x0];
	_ =	sdelay $0x2  }
0xb7: {  	s31 =	sshll.u32 s1, $0xD;
	s1 =	sshrl.u32 s1, $0x2  }
0xb8: {  	s3 =	sand.u32 $0x4000, s31;
	s1 =	sadd.s32 s1, s30  }
0xb9: {  	s0 =	sor.u32 s3, s0;
	s1 =	sshll.u32 s1, $0x11  }
0xba: {  	s0 =	sor.u32 s1, s0  }
0xbb: {  	s0 =	sadd.s32 $0x8F2B, s0  }
0xbc: {  	[sflag:s0] =	ssyncadd.remote.s32 $0x1  }
0xbd: {  	_ =	sfence.sel $0xFFFF  }
0xbe: {  	[dreg:$0x0] =	wrdreg $0xFFFFFFFF;
	(pc) =	sbr.abs _section_cstart, $3  }
0xbf: {  	[dreg:$0x1] =	wrdreg $0xFFFFFFFF  }
0xc0: {  	_ =	task.clear_ibuf [dreg:s6], $0x2FFFF;
	_ =	strace $0x9FFFFFFF  }
0xc1: {  	(tm) =	ssettm $0x7FFFFFFF  }
tec
execute0_lowered:
.L_overlay_start_1:
0x0: {  	(tag) =	ssettag $0x1  }
0x1: {  	s1 =	srdreg.scid  }
0x2: {  	s0 =	stileid.u32;
	s2 =	rddreg [dreg:$0x0];
	s6 =	simm.s32 $0x1  }
0x3: {  	s9 =	simm.s32 $0x1;
	s10 =	simm.s32 $0x3;
	s1 =	sshll.u32 s1, $0x8  }
0x4: {  	s13 =	simm.s32 $0x0;
	s3 =	sshll.u32 s0, $0x9;
	s4 =	sand.u32 $0x100, s1  }
0x5: {  	s12 =	simm.s32 $0x0;
	s5 =	sadd.s32 $0x28C00, s2;
	s3 =	sor.u32 s3, s4  }
0x6: {  	s1 =	rddreg [dreg:$0x1];
	_ =	strace $0x80000053;
	s8 =	ssub.s32 $0x2800, s3  }
.Ltmp0:
0x7: {  	s4 =	sadd.s32 $0x29200, s2;
	s7 =	sand.u32 $0x1F00, s8;
	(pc) =	sbr.rel .LBB2_1-.Ltmp0, $4  }
0x8: {  	[sflag:s6] =	ssyncpa.u1 $0x0;
	s11 =	smov.u32 s3;
	p0 =	sne.s32 s7, $0x0  }
0x9: {  	s8 =	sshrl.u32 s8, $0xD;
	s7 =	simm.s32 $0x2;
	s9 =	simm.s32 @!p0 $0x0  }
0xa: {  	[sflag:s7] =	ssyncpa.u1 $0x0;
	p0 =	por $0x0, $0x0;
	s8 =	sadd.s32 s9, s8  }
0xb: {  	vm0 =	vmmov $0xffff;
	[sflag:s10] =	ssyncpa.u1 $0x0;
	s10 =	simm.s32 $0x0;
	s9 =	sadd.s32 $0x1, s8  }
.LBB2_4:
0xc: {  	v2 =	vnsel vm1, $0x0, v2  }
0xd: {  	vm1 =	vgt.s32 v0, $0x0;
	v2 =	vmin.u32 v2, $0x27FF  }
0xe: {  	v0 =	vnsel vm1, $0x0, v0  }
0xf: {  	v0 =	vmin.u32 v0, $0x27FF  }
0x10: {  	[tilespmem:s15], [sflag:$0x1] =	stream.indirect_vreg.gather [hbm4b:s4+s10], $0x1, v1, vm0, $0x4038;
	[tilespmem:$0x400] =	vst v63  }
0x11: {  	(ifvalue) =	ssetifvalue $0x7FFFFFFF  }
0x12: {  	[tilespmem:s16], [sflag:$0x1] =	stream.indirect_vreg.gather [hbm4b:s4+s10], $0x1, v2, vm0, $0x4038;
	[tilespmem:$0x400] =	vst v63  }
0x13: {  	s29 =	sadd.s32 $0x10, s16;
	(ifvalue) =	ssetifvalue $0x7FFFFFFF  }
0x14: {  	[tilespmem:s29], [sflag:$0x1] =	stream.indirect_vreg.gather [hbm4b:s4+s10], $0x1, v0, vm0, $0x4038;
	[tilespmem:$0x400] =	vst v63  }
0x15: {  	_ =	swait.ge [sflag:s6], $0x100  }
0x16: {  	s30 =	sshrl.u32 s13, $0x3;
	[sflag:s6] =	ssyncset.done $0x0  }
0x17: {  	s31 =	sand.u32 $0x7, s13;
	s15 =	sadd.s32 s2, s30;
	[sflag:s6] =	ssyncadd.s32 $0xFFFFFF00  }
0x18: {  	[hbm4b:s15+s31] =	stream.linear.scatter [tilespmem:s14], [sflag:$0x3], $0x100, $0x38;
	[tilespmem:$0x400] =	vst v63  }
.LBB2_5:
0x19: {  	s15 =	sadd.s32 $0x2000, s11  }
0x1a: {  	p2 =	sgt.s32 s15, $0x27FF  }
0x1b: {  	s15 =	smov.u32 @p2 s3;
	p2 =	sne.s32 s12, s9  }
.Ltmp1:
0x1c: {  	p1 =	slt.u32 s12, $0x2;
	(pc) =	sbr.rel @!p2 .LBB2_6-.Ltmp1, $4  }
0x1d: {  	s14 =	simm.s32 @!p1 $0x3  }
0x1e: {  	s16 =	sadd.s32 $0x1, s12;
	_ =	swait.ge @!p1 [sflag:s14], $0x100  }
0x1f: {  	s13 =	smov.u32 s11;
	p0 =	por !p0, !p0;
	[sflag:s14] =	ssyncset.done @!p1 $0x0  }
0x20: {  	s12 =	smov.u32 s16;
	s11 =	smov.u32 s15;
	[sflag:s14] =	ssyncadd.s32 @!p1 $0xFFFFFF00  }
.LBB2_1:
0x21: {  	p1 =	sge.u32 s12, s8  }
0x22: {  	s14 =	sxor.u32 @!p1 $0xFFFFFFFF, s12  }
0x23: {  	s31 =	sadd.s32 $0xFFFFFFFF, s12;
	s15 =	sshrl.u32 @!p1 s11, $0x3;
	s14 =	sshll.u32 @!p1 s14, $0x8  }
0x24: {  	s16 =	sand.u32 @!p1 $0x7, s11;
	s15 =	sadd.s32 @!p1 s5, s15;
	s14 =	sand.u32 @!p1 $0x100, s14  }
0x25: {  	[tilespmem:s14], [sflag:$0x2] =	stream.linear.gather @!p1 [hbm4b:s15+s16], $0x100, $0x38;
	[tilespmem:$0x400] =	vst v63  }
0x26: {  	p1 =	sge.u32 s31, s8  }
.Ltmp2:
0x27: {  	_ = 	snop;
	(pc) =	sbr.rel @p1 .LBB2_5-.Ltmp2, $1  }
0x28: {  	_ =	sdelay $0x3  }
0x29: {  	s14 =	simm.s32 $0x1  }
0x2a: {  	_ =	swait.ge [sflag:s7], $0x100;
	s14 =	simm.s32 @!p0 $0x0  }
0x2b: {  	[sflag:s7] =	ssyncset.done $0x0;
	s14 =	sshll.u32 s14, $0x8  }
0x2c: {  	[sflag:s7] =	ssyncadd.s32 $0xFFFFFF00;
	(ifvalue) =	ssetifvalue $0x7FFFFFFF;
	v0 =	vld.msk [tilespmem:s14+$0x0 ss:$0x1], $0xffff;
	_ =	sdelay $0x4  }
0x2d: {  	s15 =	sadd.s32 $0x10, s14;
	vm1 =	vgt.s32 v0, $0x0  }
0x2e: {  	v2 =	vld.msk [tilespmem:s15+$0x0 ss:$0x1], $0xffff;
	v1 =	vnsel vm1, $0x0, v0  }
0x2f: {  	v1 =	vmin.u32 v1, $0x27FF;
	_ =	sdelay $0x1  }
0x30: {  	s16 =	sshll.u32 s12, $0x8;
	s18 =	simm.s32 $0x20  }
0x31: {  	s16 =	sand.u32 $0x100, s16;
	s17 =	sadd.s32 $0x10, s15;
	s15 =	sor.u32 $0x200, s14  }
0x32: {  	s14 =	sor.u32 $0x200, s16;
	s16 =	sadd.s32 $0x10, s15;
	v0 =	vld.msk [tilespmem:s17+$0x0 ss:$0x1], $0xffff;
	vm1 =	vgt.s32 v2, $0x0;
	(ifvalue) =	ssetifvalue $0x7FFFFFFF  }
.LBB2_3:
0x33: {  	[tilespmem:s15], [sflag:$0x1] =	stream.indirect_vreg.gather [hbm4b:s4+s10], $0x1, v1, vm0, $0x4038;
	[tilespmem:$0x400] =	vst v63  }
0x34: {  	s18 =	sadd.s32 $0x10, s18  }
0x35: {  	v2 =	vnsel vm1, $0x0, v2;
	p1 =	slt.u32 s18, $0xF0  }
.Ltmp3:
0x36: {  	s15 =	smov.u32 s16;
	v1 =	vmin.u32 v2, $0x27FF;
	(pc) =	sbr.rel @p1 .LBB2_3-.Ltmp3, $3  }
0x37: {  	_ =	sdelay $0x1  }
0x38: {  	s17 =	sadd.s32 $0x10, s17  }
0x39: {  	vm1 =	vgt.s32 v0, $0x0;
	s16 =	sadd.s32 $0x10, s16;
	v2 =	vmov v0;
	(ifvalue) =	ssetifvalue $0x7FFFFFFF;
	v0 =	vld.msk [tilespmem:s17+$0x0 ss:$0x1], $0xffff  }
.Ltmp4:
0x3a: {  	_ = 	snop;
	(pc) =	sbr.rel .LBB2_4-.Ltmp4, $1  }
0x3b: {  	_ =	sdelay $0x3  }
.LBB2_6:
0x3c: {  	_ =	sfence.sel $0x180000  }
0x3d: {  	s2 =	simm.s32 $0x2;
	[bflag:$0x0] =	sbarrier.arrive $0xFFFF  }
0x3e: {  	s30 =	simm.s32 $0x3;
	[sflag:s2] =	ssyncpa.u1 $0x1  }
0x3f: {  	s31 =	simm.s32 $0x1;
	[sflag:s30] =	ssyncpa.u1 $0x1  }
0x40: {  	[sflag:s31] =	ssyncpa.u1 $0x1  }
0x41: {  	p0 =	sne.s32 s0, $0x0;
	_ =	strace $0x90000053  }
0x42: {  	s0 =	sadd.s32 @!p0 $0x100000, s1;
	[bflag:$0x2] =	sbarrier.arrive $0xFFFF  }
0x43: {  	[sflag:s0] =	ssyncadd.tile.s32 @!p0 $0x1;
	_ =	shalt  }
.Lfunc_end2:
_tile_overlayer_lowered:
.L_overlay_start_2:
0x44: {  	(tag) =	ssettag $0x2  }
0x45: {  	s0 =	rddreg [dreg:$0x0];
	s2 =	stileid.u32  }
0x46: {  	s1 =	rddreg [dreg:$0x1];
	p0 =	sne.s32 s2, $0x0  }
0x47: {  	s3 =	rddreg [dreg:$0x2];
	[bflag:$0x3] =	sbarrier.arrive $0xFFFF;
	s2 =	simm.s32 @!p0 $0x1C01  }
0x48: {  	[timem:s3], [sflag:s2] =	dma.local @!p0 [hbm:s0], s1  }
0x49: {  	s0 =	simm.s32 @!p0 $0x1  }
0x4a: {  	_ =	swait.ge @!p0 [sflag:s0], s1  }
0x4b: {  	s1 =	ssub.s32 @!p0 $0x0, s1;
	[sflag:s0] =	ssyncset.done @!p0 $0x0  }
0x4c: {  	[sflag:s0] =	ssyncadd.s32 @!p0 s1  }
0x4d: {  	[bflag:$0x3] =	sbarrier.arrive $0xFFFF  }
0x4e: {  	_ =	shalt  }

// kernel: gather_offload_async_start.4
scs
__scs_entry_jumppad:
0x0: {  	(pc) =	sbr.rel $0x88, $3  }
0x1: {  	(tag) =	ssettag $0x0;
	lr =	simm.s32 $0x1  }
0x2: {  	[smem:$0x3F91] =	sst lr;
	_ =	strace $0xD0000000  }
0x3: {  	_ = 	snop  }
0x4: {  	_ = 	snop  }
0x5: {  	_ = 	snop  }
0x6: {  	_ = 	snop  }
0x7: {  	_ = 	snop  }
__scs_overlays_trampoline_lowered:
0x8: {  	[smem:$0x3FA0] =	sst s0  }
0x9: {  	[smem:$0x3FA1] =	sst s1  }
0xa: {  	[smem:$0x3FA2] =	sst s2  }
0xb: {  	[smem:$0x3FA3] =	sst s3  }
0xc: {  	[smem:$0x3FA4] =	sst s4  }
0xd: {  	[smem:$0x3FA5] =	sst s5  }
0xe: {  	[smem:$0x3FA6] =	sst s6  }
0xf: {  	[smem:$0x3FA7] =	sst s7  }
0x10: {  	[smem:$0x3FA8] =	sst s8  }
0x11: {  	[smem:$0x3FA9] =	sst s9;
	s0 =	simm.s32 @!p0 $0x0  }
0x12: {  	s1 =	sld [smem:$0x3F8F];
	s0 =	simm.s32 @p0 $0x1  }
0x13: {  	[smem:$0x3FAA] =	sst s0;
	s0 =	simm.s32 @!p1 $0x0  }
0x14: {  	s2 =	sld [smem:$0x3F8E];
	s0 =	simm.s32 @p1 $0x1  }
0x15: {  	[smem:$0x3FAB] =	sst s0;
	s0 =	simm.s32 @!p2 $0x0  }
0x16: {  	s3 =	sld [smem:$0x3FDB];
	s0 =	simm.s32 @p2 $0x1  }
0x17: {  	s4 =	simm.s32 $0x1BF5;
	[smem:$0x3FAD] =	sst s0  }
0x18: {  	s0 =	sld [smem:$0x3F90];
	_ =	swait.ge [sflag:s4], $0x0  }
0x19: {  	s7 =	sld [smem:$0x3F91]  }
0x1a: {  	s8 =	sadd.s32 $0xFFFFE003, lr  }
0x1b: {  	s9 =	sadd.s32 $0xFFFFFEF7, lr;
	s5 =	simm.s32 $0xFFFFFFFF;
	p2 =	slt.u32 s8, $0xFFFFF086  }
0x1c: {  	p1 =	slt.u32 s9, $0xF7A;
	s5 =	simm.s32 @!p2 $0x0  }
0x1d: {  	s5 =	simm.s32 @p1 $0x1;
	p0 =	seq.s32 s7, s2  }
0x1e: {  	s7 =	smul.u32 @!p0 $0xF7A, s2;
	p2 =	seq.s32 @!p0 s5, $0x0  }
0x1f: {  	s9 =	smul.u32 $0xF7A, s1;
	s8 =	simm.s32 @!p0 $0x1BF5;
	p2 =	por !p2, p0  }
0x20: {  	[sflag:s8] =	ssyncset.s32 @!p0 $0xFFFFF086;
	s6 =	sadd.s32 @!p0 s3, s7;
	s7 =	simm.s32 @!p0 $0x108  }
0x21: {  	s3 =	sadd.s32 s3, s9;
	s6 =	sadd.s32 @!p0 $0x88, s6;
	s7 =	simm.s32 @p2 $0x1082  }
0x22: {  	[simem:s7], [sflag:s8] =	dma.local @!p0 [hbm:s6], $0xF7A  }
0x23: {  	s9 =	sor.u32 $0xD0000000, s2;
	s6 =	simm.s32 $0x108;
	_ =	swait.ge @!p0 [sflag:s8], $0x0  }
0x24: {  	s3 =	sadd.s32 $0x88, s3;
	s6 =	simm.s32 @!p1 $0x1082;
	[sflag:s4] =	ssyncset.s32 $0xFFFFF086  }
0x25: {  	[simem:s6], [sflag:s4] =	dma.local [hbm:s3], $0xF7A  }
0x26: {  	[smem:$0x3F91] =	sst s1;
	(tag) =	ssettag s2;
	_ =	strace s9  }
0x27: {  	s1 =	sld [smem:$0x3FA1]  }
0x28: {  	s2 =	sld [smem:$0x3FA2]  }
0x29: {  	s4 =	sld [smem:$0x3FA4]  }
0x2a: {  	p0 =	seq.s32 s5, $0x0;
	s5 =	sld [smem:$0x3FA5]  }
0x2b: {  	s6 =	sld [smem:$0x3FA6]  }
0x2c: {  	s7 =	sld [smem:$0x3FA7]  }
0x2d: {  	s3 =	simm.s32 $0x108;
	s8 =	sld [smem:$0x3FA8]  }
0x2e: {  	s3 =	simm.s32 @!p0 $0x1082;
	s9 =	sld [smem:$0x3FA9]  }
0x2f: {  	lr =	sadd.s32 s0, s3;
	s0 =	sld [smem:$0x3FA0]  }
0x30: {  	s3 =	sld [smem:$0x3FA3]  }
0x31: {  	[smem:$0x3FAC] =	sst s10  }
0x32: {  	s10 =	sld [smem:$0x3FAA];
	_ =	sdelay $0x3  }
0x33: {  	p0 =	seq.s32 s10, $0x1;
	s10 =	sld [smem:$0x3FAC];
	_ =	sdelay $0x3  }
0x34: {  	[smem:$0x3FAC] =	sst s10  }
0x35: {  	s10 =	sld [smem:$0x3FAB];
	_ =	sdelay $0x3  }
0x36: {  	p1 =	seq.s32 s10, $0x1;
	s10 =	sld [smem:$0x3FAC];
	_ =	sdelay $0x3  }
0x37: {  	[smem:$0x3FAC] =	sst s10  }
0x38: {  	s10 =	sld [smem:$0x3FAD]  }
0x39: {  	_ = 	snop;
	(pc) =	sbr.ind lr, $3  }
0x3a: {  	_ = 	snop  }
0x3b: {  	_ = 	snop  }
0x3c: {  	p2 =	seq.s32 s10, $0x1;
	s10 =	sld [smem:$0x3FAC]  }
0x3d: {  	_ =	shalt  }
0x3e: {  	_ =	shalt  }
0x3f: {  	_ =	shalt  }
0x40: {  	_ =	shalt  }
0x41: {  	_ =	shalt  }
0x42: {  	_ =	shalt  }
0x43: {  	_ =	shalt  }
0x44: {  	_ =	shalt  }
0x45: {  	_ =	shalt  }
0x46: {  	_ =	shalt  }
0x47: {  	_ =	shalt  }
0x48: {  	_ =	shalt  }
0x49: {  	_ =	shalt  }
0x4a: {  	_ =	shalt  }
0x4b: {  	_ =	shalt  }
0x4c: {  	_ =	shalt  }
0x4d: {  	_ =	shalt  }
0x4e: {  	_ =	shalt  }
0x4f: {  	_ =	shalt  }
0x50: {  	_ =	shalt  }
0x51: {  	_ =	shalt  }
0x52: {  	_ =	shalt  }
0x53: {  	_ =	shalt  }
0x54: {  	_ =	shalt  }
0x55: {  	_ =	shalt  }
0x56: {  	_ =	shalt  }
0x57: {  	_ =	shalt  }
0x58: {  	_ =	shalt  }
0x59: {  	_ =	shalt  }
0x5a: {  	_ =	shalt  }
0x5b: {  	_ =	shalt  }
0x5c: {  	_ =	shalt  }
0x5d: {  	_ =	shalt  }
0x5e: {  	_ =	shalt  }
0x5f: {  	_ =	shalt  }
0x60: {  	_ =	shalt  }
0x61: {  	_ =	shalt  }
0x62: {  	_ =	shalt  }
0x63: {  	_ =	shalt  }
0x64: {  	_ =	shalt  }
0x65: {  	_ =	shalt  }
0x66: {  	_ =	shalt  }
0x67: {  	_ =	shalt  }
0x68: {  	_ =	shalt  }
0x69: {  	_ =	shalt  }
0x6a: {  	_ =	shalt  }
0x6b: {  	_ =	shalt  }
0x6c: {  	_ =	shalt  }
0x6d: {  	_ =	shalt  }
0x6e: {  	_ =	shalt  }
0x6f: {  	_ =	shalt  }
0x70: {  	_ =	shalt  }
0x71: {  	_ =	shalt  }
0x72: {  	_ =	shalt  }
0x73: {  	_ =	shalt  }
0x74: {  	_ =	shalt  }
0x75: {  	_ =	shalt  }
0x76: {  	_ =	shalt  }
0x77: {  	_ =	shalt  }
0x78: {  	_ =	shalt  }
0x79: {  	_ =	shalt  }
0x7a: {  	_ =	shalt  }
0x7b: {  	_ =	shalt  }
0x7c: {  	_ =	shalt  }
0x7d: {  	_ =	shalt  }
0x7e: {  	_ =	shalt  }
0x7f: {  	_ =	shalt  }
0x80: {  	_ =	shalt  }
0x81: {  	_ =	shalt  }
0x82: {  	_ =	shalt  }
0x83: {  	_ =	shalt  }
0x84: {  	_ =	shalt  }
0x85: {  	_ =	shalt  }
0x86: {  	_ =	shalt  }
0x87: {  	_ =	shalt  }
.Lfunc_end0:
.L_simem_size_0:
called_computation.4_lowered:
.L_overlay_start_0:
0x88: {  	s2 =	sld [smem:$0x3FD9]  }
0x89: {  	s3 =	sld [smem:$0x3FFE];
	_ =	sdelay $0x1  }
0x8a: {  	s1 =	srdreg.scid  }
0x8b: {  	s0 =	sand.u32 $0x1, s1  }
0x8c: {  	s16 =	sshll.u32 s0, $0xA;
	s2 =	sadd.s32 s3, s2  }
0x8d: {  	s2 =	sadd.s32 s2, s16  }
0x8e: {  	[smem:$0x3FB8] =	sst s2  }
0x8f: {  	_ = 	snop  }
0x90: {  	(tm) =	ssettm $0x1  }
0x91: {  	s17 =	sld [smem:$0x3FFB];
	_ =	sdelay $0x3  }
0x92: {  	_ =	strace s17  }
0x93: {  	s2 =	sld [smem:$0x3FFC];
	_ =	sdelay $0x3  }
0x94: {  	_ =	strace s2  }
0x95: {  	s2 =	sld [smem:$0x3FFD];
	_ =	sdelay $0x3  }
0x96: {  	_ =	strace s2  }
0x97: {  	_ =	strace $0x8FFFFFFF  }
0x98: {  	s18 =	sld [smem:$0x3FDB];
	_ =	sdelay $0x1  }
0x99: {  	s19 =	simm.s32 $_scs_section_size  }
0x9a: {  	s4 =	simm.s32 $_size__tile_overlayer_lowered;
	s5 =	simm.s32 $_tile_overlayer_lowered  }
0x9b: {  	s22 =	simm.s32 $0x1BFF;
	s21 =	sshll.u32 s5, $0x1;
	s2 =	sadd.s32 s19, s18  }
0x9c: {  	s6 =	simm.s32 $0x0;
	s20 =	sshll.u32 s4, $0x1;
	s4 =	sadd.s32 s21, s2  }
0x9d: {  	[timem:s6], [sflag:s22] =	dma.local [hbm:s4], s20  }
0x9e: {  	_ =	swait.ge [sflag:s22], s20  }
0x9f: {  	s3 =	ssub.s32 $0x0, s20;
	[sflag:s22] =	ssyncset.done $0x0  }
0xa0: {  	[sflag:s22] =	ssyncadd.s32 s3;
	_ =	sdelay $0x1  }
0xa1: {  	s23 =	simm.s32 $0x1B8B  }
0xa2: {  	_ =	swait.ge [sflag:s23], $0x1  }
0xa3: {  	[sflag:s23] =	ssyncset.done $0x0  }
0xa4: {  	s25 =	simm.s32 $0x1B8E;
	s24 =	sld [smem:$0x3FFE];
	[sflag:s23] =	ssyncadd.s32 $0xFFFFFFFF  }
0xa5: {  	s26 =	simm.s32 $execute0_lowered;
	[smem:$0x3FD2] =	sst s25  }
0xa6: {  	s4 =	sshll.u32 s26, $0x1;
	_ =	strace $0x80000049;
	[dreg:$0x1] =	wrdreg $0xFFFFFFFF  }
0xa7: {  	s28 =	simm.s32 $_size_execute0_lowered;
	s2 =	sadd.s32 s2, s4;
	[dreg:$0x0] =	wrdreg $0x0  }
0xa8: {  	s4 =	sshll.u32 s28, $0x1;
	[dreg:$0x2] =	wrdreg s2  }
0xa9: {  	[dreg:$0x3] =	wrdreg s4  }
0xaa: {  	[dreg:$0x4] =	wrdreg $0xC0  }
0xab: {  	_ =	task [dreg:s6], $0x5FFFF  }
0xac: {  	[dreg:$0x1] =	wrdreg $0xFFFFFFFF  }
0xad: {  	[dreg:$0x0] =	wrdreg $0x60  }
0xae: {  	[dreg:$0x2] =	wrdreg s24  }
0xaf: {  	[dreg:$0x3] =	wrdreg $0x9  }
0xb0: {  	_ =	task.clear_ibuf [dreg:s6], $0x4FFFF;
	_ =	strace $0x90000049  }
0xb1: {  	s29 =	simm.s32 $0x9;
	_ =	strace $0x8000004B  }
0xb2: {  	_ =	swait.ge [sflag:s29], $0x1  }
0xb3: {  	[sflag:s29] =	ssyncadd.s32 $0xFFFFFFFF  }
0xb4: {  	_ =	strace $0x9000004B  }
0xb5: {  	_ =	sfence  }
0xb6: {  	s30 =	sld [smem:$0x0];
	_ =	sdelay $0x2  }
0xb7: {  	s31 =	sshll.u32 s1, $0xD;
	s1 =	sshrl.u32 s1, $0x2  }
0xb8: {  	s3 =	sand.u32 $0x4000, s31;
	s1 =	sadd.s32 s1, s30  }
0xb9: {  	s0 =	sor.u32 s3, s0;
	s1 =	sshll.u32 s1, $0x11  }
0xba: {  	s0 =	sor.u32 s1, s0  }
0xbb: {  	s0 =	sadd.s32 $0x8F2B, s0  }
0xbc: {  	[sflag:s0] =	ssyncadd.remote.s32 $0x1  }
0xbd: {  	_ =	sfence.sel $0xFFFF  }
0xbe: {  	[dreg:$0x0] =	wrdreg $0xFFFFFFFF;
	(pc) =	sbr.abs _section_cstart, $3  }
0xbf: {  	[dreg:$0x1] =	wrdreg $0xFFFFFFFF  }
0xc0: {  	_ =	task.clear_ibuf [dreg:s6], $0x2FFFF;
	_ =	strace $0x9FFFFFFF  }
0xc1: {  	(tm) =	ssettm $0x7FFFFFFF  }
tec
execute0_lowered:
.L_overlay_start_1:
0x0: {  	(tag) =	ssettag $0x1  }
0x1: {  	s1 =	srdreg.scid  }
0x2: {  	s0 =	stileid.u32;
	s2 =	rddreg [dreg:$0x0];
	s6 =	simm.s32 $0x1  }
0x3: {  	s9 =	simm.s32 $0x1;
	s10 =	simm.s32 $0x3;
	s1 =	sshll.u32 s1, $0x8  }
0x4: {  	s13 =	simm.s32 $0x0;
	s3 =	sshll.u32 s0, $0x9;
	s4 =	sand.u32 $0x100, s1  }
0x5: {  	s12 =	simm.s32 $0x0;
	s5 =	sadd.s32 $0x28C00, s2;
	s3 =	sor.u32 s3, s4  }
0x6: {  	s1 =	rddreg [dreg:$0x1];
	_ =	strace $0x8000004A;
	s8 =	ssub.s32 $0x2800, s3  }
.Ltmp0:
0x7: {  	s4 =	sadd.s32 $0x600, s2;
	s7 =	sand.u32 $0x1F00, s8;
	(pc) =	sbr.rel .LBB2_1-.Ltmp0, $4  }
0x8: {  	[sflag:s6] =	ssyncpa.u1 $0x0;
	s11 =	smov.u32 s3;
	p0 =	sne.s32 s7, $0x0  }
0x9: {  	s8 =	sshrl.u32 s8, $0xD;
	s7 =	simm.s32 $0x2;
	s9 =	simm.s32 @!p0 $0x0  }
0xa: {  	[sflag:s7] =	ssyncpa.u1 $0x0;
	p0 =	por $0x0, $0x0;
	s8 =	sadd.s32 s9, s8  }
0xb: {  	vm0 =	vmmov $0xffff;
	[sflag:s10] =	ssyncpa.u1 $0x0;
	s10 =	simm.s32 $0x0;
	s9 =	sadd.s32 $0x1, s8  }
.LBB2_4:
0xc: {  	vm1 =	veq.s32 v4, $0x80000000;
	v56 =	vand.u32 $0x7, v4;
	v6 =	vand.u32 $0x7FF, v6  }
0xd: {  	v2 =	vor.u32 v2, v5;
	v59 =	vshrl.u32 v1, $0x3;
	v60 =	vand.u32 $0x7, v1  }
0xe: {  	v4 =	vsel vm1, $0xFFFFFFFF, v56;
	v6 =	vsel vm1, $0xFFFFFFFF, v6;
	v2 =	vor.u32 v3, v2  }
0xf: {  	vm1 =	veq.s32 v1, $0x80000000;
	v5 =	vand.u32 $0x7FF, v59;
	v7 =	vshrl.u32 v4, $0x3  }
0x10: {  	v57 =	vshll.u32 v6, $0x3;
	v4 =	vshll.u32 v4, $0x7;
	v1 =	vsel vm1, $0xFFFFFFFF, v60  }
0x11: {  	v5 =	vsel vm1, $0xFFFFFFFF, v5;
	v6 =	vand.u32 $0x7F, v6;
	v7 =	vmul.u32 $0x2800, v7  }
0x12: {  	v58 =	vand.u32 $0xFFFFFC00, v57;
	v4 =	vand.u32 $0x380, v4;
	v61 =	vshrl.u32 v1, $0x3  }
0x13: {  	v62 =	vshll.u32 v5, $0x3;
	v3 =	vadd.s32 v7, v58;
	v7 =	vmul.u32 $0x2800, v61  }
0x14: {  	v1 =	vshll.u32 v1, $0x7;
	v3 =	vor.u32 v4, v3;
	v4 =	vand.u32 $0xFFFFFC00, v62  }
0x15: {  	v1 =	vand.u32 $0x380, v1;
	v3 =	vor.u32 v6, v3;
	v4 =	vadd.s32 v7, v4  }
0x16: {  	[tilespmem:s16], [sflag:$0x1] =	stream.indirect_vreg.gather [hbm4b:s2+s10], $0x1, v0, vm0, $0x4038;
	v63 =	vand.u32 $0x7F, v5;
	v1 =	vor.u32 v1, v4;
	[tilespmem:$0x400] =	vst v63  }
0x17: {  	s15 =	sadd.s32 $0x10, s15;
	(ifvalue) =	ssetifvalue $0x7FFFFFFF;
	v0 =	vor.u32 v63, v1  }
0x18: {  	[tilespmem:s15], [sflag:$0x1] =	stream.indirect_vreg.gather [hbm4b:s2+s10], $0x1, v2, vm0, $0x4038;
	[tilespmem:$0x400] =	vst v63  }
0x19: {  	s15 =	sadd.s32 $0x10, s15;
	(ifvalue) =	ssetifvalue $0x7FFFFFFF  }
0x1a: {  	[tilespmem:s15], [sflag:$0x1] =	stream.indirect_vreg.gather [hbm4b:s2+s10], $0x1, v3, vm0, $0x4038;
	[tilespmem:$0x400] =	vst v63  }
0x1b: {  	s15 =	sadd.s32 $0x10, s15;
	(ifvalue) =	ssetifvalue $0x7FFFFFFF  }
0x1c: {  	[tilespmem:s15], [sflag:$0x1] =	stream.indirect_vreg.gather [hbm4b:s2+s10], $0x1, v0, vm0, $0x4038;
	[tilespmem:$0x400] =	vst v63  }
0x1d: {  	_ =	swait.ge [sflag:s6], $0x100  }
0x1e: {  	s30 =	sshrl.u32 s13, $0x3;
	[sflag:s6] =	ssyncset.done $0x0  }
0x1f: {  	s31 =	sand.u32 $0x7, s13;
	s15 =	sadd.s32 s5, s30;
	[sflag:s6] =	ssyncadd.s32 $0xFFFFFF00  }
0x20: {  	[hbm4b:s15+s31] =	stream.linear.scatter [tilespmem:s14], [sflag:$0x3], $0x100, $0x38;
	[tilespmem:$0x400] =	vst v63  }
.LBB2_5:
0x21: {  	s15 =	sadd.s32 $0x2000, s11  }
0x22: {  	p2 =	sgt.s32 s15, $0x27FF  }
0x23: {  	s15 =	smov.u32 @p2 s3;
	p2 =	sne.s32 s12, s9  }
.Ltmp1:
0x24: {  	p1 =	slt.u32 s12, $0x2;
	(pc) =	sbr.rel @!p2 .LBB2_6-.Ltmp1, $4  }
0x25: {  	s14 =	simm.s32 @!p1 $0x3  }
0x26: {  	s16 =	sadd.s32 $0x1, s12;
	_ =	swait.ge @!p1 [sflag:s14], $0x100  }
0x27: {  	s13 =	smov.u32 s11;
	p0 =	por !p0, !p0;
	[sflag:s14] =	ssyncset.done @!p1 $0x0  }
0x28: {  	s12 =	smov.u32 s16;
	s11 =	smov.u32 s15;
	[sflag:s14] =	ssyncadd.s32 @!p1 $0xFFFFFF00  }
.LBB2_1:
0x29: {  	p1 =	sge.u32 s12, s8  }
0x2a: {  	s14 =	sxor.u32 @!p1 $0xFFFFFFFF, s12  }
0x2b: {  	s31 =	sadd.s32 $0xFFFFFFFF, s12;
	s15 =	sshrl.u32 @!p1 s11, $0x3;
	s14 =	sshll.u32 @!p1 s14, $0x8  }
0x2c: {  	s16 =	sand.u32 @!p1 $0x7, s11;
	s15 =	sadd.s32 @!p1 s4, s15;
	s14 =	sand.u32 @!p1 $0x100, s14  }
0x2d: {  	[tilespmem:s14], [sflag:$0x2] =	stream.linear.gather @!p1 [hbm4b:s15+s16], $0x100, $0x38;
	[tilespmem:$0x400] =	vst v63  }
0x2e: {  	p1 =	sge.u32 s31, s8  }
.Ltmp2:
0x2f: {  	_ = 	snop;
	(pc) =	sbr.rel @p1 .LBB2_5-.Ltmp2, $1  }
0x30: {  	_ =	sdelay $0x3  }
0x31: {  	s14 =	simm.s32 $0x1  }
0x32: {  	_ =	swait.ge [sflag:s7], $0x100;
	s14 =	simm.s32 @!p0 $0x0  }
0x33: {  	[sflag:s7] =	ssyncset.done $0x0;
	s14 =	sshll.u32 s14, $0x8  }
0x34: {  	[sflag:s7] =	ssyncadd.s32 $0xFFFFFF00;
	(ifvalue) =	ssetifvalue $0x7FFFFFFF;
	v0 =	vld.msk [tilespmem:s14+$0x0 ss:$0x1], $0xffff  }
0x35: {  	s15 =	sadd.s32 $0x10, s14  }
0x36: {  	v1 =	vld.msk [tilespmem:s15+$0x0 ss:$0x1], $0xffff;
	_ =	sdelay $0x2  }
0x37: {  	v2 =	vshrl.u32 v0, $0x3  }
0x38: {  	vm1 =	veq.s32 v0, $0x80000000;
	v0 =	vand.u32 $0x7, v0;
	v2 =	vand.u32 $0x7FF, v2  }
0x39: {  	v0 =	vsel vm1, $0xFFFFFFFF, v0;
	v6 =	vshrl.u32 v1, $0x3;
	v2 =	vsel vm1, $0xFFFFFFFF, v2  }
0x3a: {  	v3 =	vshrl.u32 v0, $0x3;
	v0 =	vshll.u32 v0, $0x7;
	vm1 =	veq.s32 v1, $0x80000000  }
0x3b: {  	s15 =	sadd.s32 $0x10, s15;
	v1 =	vand.u32 $0x7, v1;
	v4 =	vshll.u32 v2, $0x3;
	v3 =	vmul.u32 $0x2800, v3  }
0x3c: {  	v0 =	vand.u32 $0x380, v0;
	v7 =	vand.u32 $0x7F, v2;
	v5 =	vand.u32 $0xFFFFFC00, v4;
	v4 =	vld.msk [tilespmem:s15+$0x0 ss:$0x1], $0xffff  }
0x3d: {  	v1 =	vsel vm1, $0xFFFFFFFF, v1;
	v2 =	vadd.s32 v3, v5;
	v3 =	vand.u32 $0x7FF, v6  }
0x3e: {  	v3 =	vsel vm1, $0xFFFFFFFF, v3;
	v0 =	vor.u32 v0, v2;
	v2 =	vshrl.u32 v1, $0x3  }
0x3f: {  	s16 =	sshll.u32 s12, $0x8;
	s18 =	simm.s32 $0x30;
	v1 =	vshll.u32 v1, $0x7;
	v5 =	vshll.u32 v3, $0x3;
	v8 =	vmul.u32 $0x2800, v2  }
0x40: {  	s31 =	sand.u32 $0x100, s16;
	s17 =	sadd.s32 $0x10, s15;
	s15 =	sor.u32 $0x200, s14;
	v2 =	vand.u32 $0x380, v1;
	v0 =	vor.u32 v7, v0;
	v5 =	vand.u32 $0xFFFFFC00, v5  }
0x41: {  	s14 =	sor.u32 $0x200, s31;
	s16 =	smov.u32 s15;
	v1 =	vld.msk [tilespmem:s17+$0x0 ss:$0x1], $0xffff;
	v3 =	vand.u32 $0x7F, v3;
	(ifvalue) =	ssetifvalue $0x7FFFFFFF;
	v6 =	vshrl.u32 v4, $0x3;
	v5 =	vadd.s32 v8, v5  }
.LBB2_3:
0x42: {  	s18 =	sadd.s32 $0x10, s18  }
0x43: {  	vm1 =	veq.s32 v4, $0x80000000;
	v4 =	vand.u32 $0x7, v4;
	v6 =	vand.u32 $0x7FF, v6;
	s15 =	sadd.s32 $0x10, s15;
	p1 =	slt.u32 s18, $0xF0  }
.Ltmp3:
0x44: {  	v5 =	vor.u32 v2, v5;
	v4 =	vsel vm1, $0xFFFFFFFF, v4;
	v7 =	vsel vm1, $0xFFFFFFFF, v6;
	(pc) =	sbr.rel @p1 .LBB2_3-.Ltmp3, $4  }
0x45: {  	v2 =	vshrl.u32 v4, $0x3;
	v6 =	vshll.u32 v7, $0x3;
	v4 =	vshll.u32 v4, $0x7;
	[tilespmem:s16], [sflag:$0x1] =	stream.indirect_vreg.gather [hbm4b:s2+s10], $0x1, v0, vm0, $0x4038;
	[tilespmem:$0x400] =	vst v63  }
0x46: {  	v0 =	vor.u32 v3, v5;
	s16 =	smov.u32 s15;
	v8 =	vmul.u32 $0x2800, v2;
	v2 =	vand.u32 $0x380, v4  }
0x47: {  	s17 =	sadd.s32 $0x10, s17;
	v9 =	vand.u32 $0xFFFFFC00, v6  }
0x48: {  	v3 =	vand.u32 $0x7F, v7;
	v6 =	vshrl.u32 v1, $0x3;
	v5 =	vadd.s32 v8, v9;
	(ifvalue) =	ssetifvalue $0x7FFFFFFF;
	v4 =	vmovc v1;
	v1 =	vld.msk [tilespmem:s17+$0x0 ss:$0x1], $0xffff  }
.Ltmp4:
0x49: {  	_ = 	snop;
	(pc) =	sbr.rel .LBB2_4-.Ltmp4, $1  }
0x4a: {  	_ =	sdelay $0x3  }
.LBB2_6:
0x4b: {  	_ =	sfence.sel $0x180000  }
0x4c: {  	s2 =	simm.s32 $0x2;
	[bflag:$0x0] =	sbarrier.arrive $0xFFFF  }
0x4d: {  	s30 =	simm.s32 $0x3;
	[sflag:s2] =	ssyncpa.u1 $0x1  }
0x4e: {  	s31 =	simm.s32 $0x1;
	[sflag:s30] =	ssyncpa.u1 $0x1  }
0x4f: {  	[sflag:s31] =	ssyncpa.u1 $0x1  }
0x50: {  	p0 =	sne.s32 s0, $0x0;
	_ =	strace $0x9000004A  }
0x51: {  	s0 =	sadd.s32 @!p0 $0x100000, s1;
	[bflag:$0x2] =	sbarrier.arrive $0xFFFF  }
0x52: {  	[sflag:s0] =	ssyncadd.tile.s32 @!p0 $0x1;
	_ =	shalt  }
.Lfunc_end2:
_tile_overlayer_lowered:
.L_overlay_start_2:
0x53: {  	(tag) =	ssettag $0x2  }
0x54: {  	s0 =	rddreg [dreg:$0x0];
	s2 =	stileid.u32  }
0x55: {  	s1 =	rddreg [dreg:$0x1];
	p0 =	sne.s32 s2, $0x0  }
0x56: {  	s3 =	rddreg [dreg:$0x2];
	[bflag:$0x3] =	sbarrier.arrive $0xFFFF;
	s2 =	simm.s32 @!p0 $0x1C01  }
0x57: {  	[timem:s3], [sflag:s2] =	dma.local @!p0 [hbm:s0], s1  }
0x58: {  	s0 =	simm.s32 @!p0 $0x1  }
0x59: {  	_ =	swait.ge @!p0 [sflag:s0], s1  }
0x5a: {  	s1 =	ssub.s32 @!p0 $0x0, s1;
	[sflag:s0] =	ssyncset.done @!p0 $0x0  }
0x5b: {  	[sflag:s0] =	ssyncadd.s32 @!p0 s1  }
0x5c: {  	[bflag:$0x3] =	sbarrier.arrive $0xFFFF  }
0x5d: {  	_ =	shalt  }

// kernel: gather_offload_async_start.5
scs
__scs_entry_jumppad:
0x0: {  	(pc) =	sbr.rel $0x88, $3  }
0x1: {  	(tag) =	ssettag $0x0;
	lr =	simm.s32 $0x1  }
0x2: {  	[smem:$0x3F91] =	sst lr;
	_ =	strace $0xD0000000  }
0x3: {  	_ = 	snop  }
0x4: {  	_ = 	snop  }
0x5: {  	_ = 	snop  }
0x6: {  	_ = 	snop  }
0x7: {  	_ = 	snop  }
__scs_overlays_trampoline_lowered:
0x8: {  	[smem:$0x3FA0] =	sst s0  }
0x9: {  	[smem:$0x3FA1] =	sst s1  }
0xa: {  	[smem:$0x3FA2] =	sst s2  }
0xb: {  	[smem:$0x3FA3] =	sst s3  }
0xc: {  	[smem:$0x3FA4] =	sst s4  }
0xd: {  	[smem:$0x3FA5] =	sst s5  }
0xe: {  	[smem:$0x3FA6] =	sst s6  }
0xf: {  	[smem:$0x3FA7] =	sst s7  }
0x10: {  	[smem:$0x3FA8] =	sst s8  }
0x11: {  	[smem:$0x3FA9] =	sst s9;
	s0 =	simm.s32 @!p0 $0x0  }
0x12: {  	s1 =	sld [smem:$0x3F8F];
	s0 =	simm.s32 @p0 $0x1  }
0x13: {  	[smem:$0x3FAA] =	sst s0;
	s0 =	simm.s32 @!p1 $0x0  }
0x14: {  	s2 =	sld [smem:$0x3F8E];
	s0 =	simm.s32 @p1 $0x1  }
0x15: {  	[smem:$0x3FAB] =	sst s0;
	s0 =	simm.s32 @!p2 $0x0  }
0x16: {  	s3 =	sld [smem:$0x3FDB];
	s0 =	simm.s32 @p2 $0x1  }
0x17: {  	s4 =	simm.s32 $0x1BF5;
	[smem:$0x3FAD] =	sst s0  }
0x18: {  	s0 =	sld [smem:$0x3F90];
	_ =	swait.ge [sflag:s4], $0x0  }
0x19: {  	s7 =	sld [smem:$0x3F91]  }
0x1a: {  	s8 =	sadd.s32 $0xFFFFE003, lr  }
0x1b: {  	s9 =	sadd.s32 $0xFFFFFEF7, lr;
	s5 =	simm.s32 $0xFFFFFFFF;
	p2 =	slt.u32 s8, $0xFFFFF086  }
0x1c: {  	p1 =	slt.u32 s9, $0xF7A;
	s5 =	simm.s32 @!p2 $0x0  }
0x1d: {  	s5 =	simm.s32 @p1 $0x1;
	p0 =	seq.s32 s7, s2  }
0x1e: {  	s7 =	smul.u32 @!p0 $0xF7A, s2;
	p2 =	seq.s32 @!p0 s5, $0x0  }
0x1f: {  	s9 =	smul.u32 $0xF7A, s1;
	s8 =	simm.s32 @!p0 $0x1BF5;
	p2 =	por !p2, p0  }
0x20: {  	[sflag:s8] =	ssyncset.s32 @!p0 $0xFFFFF086;
	s6 =	sadd.s32 @!p0 s3, s7;
	s7 =	simm.s32 @!p0 $0x108  }
0x21: {  	s3 =	sadd.s32 s3, s9;
	s6 =	sadd.s32 @!p0 $0x88, s6;
	s7 =	simm.s32 @p2 $0x1082  }
0x22: {  	[simem:s7], [sflag:s8] =	dma.local @!p0 [hbm:s6], $0xF7A  }
0x23: {  	s9 =	sor.u32 $0xD0000000, s2;
	s6 =	simm.s32 $0x108;
	_ =	swait.ge @!p0 [sflag:s8], $0x0  }
0x24: {  	s3 =	sadd.s32 $0x88, s3;
	s6 =	simm.s32 @!p1 $0x1082;
	[sflag:s4] =	ssyncset.s32 $0xFFFFF086  }
0x25: {  	[simem:s6], [sflag:s4] =	dma.local [hbm:s3], $0xF7A  }
0x26: {  	[smem:$0x3F91] =	sst s1;
	(tag) =	ssettag s2;
	_ =	strace s9  }
0x27: {  	s1 =	sld [smem:$0x3FA1]  }
0x28: {  	s2 =	sld [smem:$0x3FA2]  }
0x29: {  	s4 =	sld [smem:$0x3FA4]  }
0x2a: {  	p0 =	seq.s32 s5, $0x0;
	s5 =	sld [smem:$0x3FA5]  }
0x2b: {  	s6 =	sld [smem:$0x3FA6]  }
0x2c: {  	s7 =	sld [smem:$0x3FA7]  }
0x2d: {  	s3 =	simm.s32 $0x108;
	s8 =	sld [smem:$0x3FA8]  }
0x2e: {  	s3 =	simm.s32 @!p0 $0x1082;
	s9 =	sld [smem:$0x3FA9]  }
0x2f: {  	lr =	sadd.s32 s0, s3;
	s0 =	sld [smem:$0x3FA0]  }
0x30: {  	s3 =	sld [smem:$0x3FA3]  }
0x31: {  	[smem:$0x3FAC] =	sst s10  }
0x32: {  	s10 =	sld [smem:$0x3FAA];
	_ =	sdelay $0x3  }
0x33: {  	p0 =	seq.s32 s10, $0x1;
	s10 =	sld [smem:$0x3FAC];
	_ =	sdelay $0x3  }
0x34: {  	[smem:$0x3FAC] =	sst s10  }
0x35: {  	s10 =	sld [smem:$0x3FAB];
	_ =	sdelay $0x3  }
0x36: {  	p1 =	seq.s32 s10, $0x1;
	s10 =	sld [smem:$0x3FAC];
	_ =	sdelay $0x3  }
0x37: {  	[smem:$0x3FAC] =	sst s10  }
0x38: {  	s10 =	sld [smem:$0x3FAD]  }
0x39: {  	_ = 	snop;
	(pc) =	sbr.ind lr, $3  }
0x3a: {  	_ = 	snop  }
0x3b: {  	_ = 	snop  }
0x3c: {  	p2 =	seq.s32 s10, $0x1;
	s10 =	sld [smem:$0x3FAC]  }
0x3d: {  	_ =	shalt  }
0x3e: {  	_ =	shalt  }
0x3f: {  	_ =	shalt  }
0x40: {  	_ =	shalt  }
0x41: {  	_ =	shalt  }
0x42: {  	_ =	shalt  }
0x43: {  	_ =	shalt  }
0x44: {  	_ =	shalt  }
0x45: {  	_ =	shalt  }
0x46: {  	_ =	shalt  }
0x47: {  	_ =	shalt  }
0x48: {  	_ =	shalt  }
0x49: {  	_ =	shalt  }
0x4a: {  	_ =	shalt  }
0x4b: {  	_ =	shalt  }
0x4c: {  	_ =	shalt  }
0x4d: {  	_ =	shalt  }
0x4e: {  	_ =	shalt  }
0x4f: {  	_ =	shalt  }
0x50: {  	_ =	shalt  }
0x51: {  	_ =	shalt  }
0x52: {  	_ =	shalt  }
0x53: {  	_ =	shalt  }
0x54: {  	_ =	shalt  }
0x55: {  	_ =	shalt  }
0x56: {  	_ =	shalt  }
0x57: {  	_ =	shalt  }
0x58: {  	_ =	shalt  }
0x59: {  	_ =	shalt  }
0x5a: {  	_ =	shalt  }
0x5b: {  	_ =	shalt  }
0x5c: {  	_ =	shalt  }
0x5d: {  	_ =	shalt  }
0x5e: {  	_ =	shalt  }
0x5f: {  	_ =	shalt  }
0x60: {  	_ =	shalt  }
0x61: {  	_ =	shalt  }
0x62: {  	_ =	shalt  }
0x63: {  	_ =	shalt  }
0x64: {  	_ =	shalt  }
0x65: {  	_ =	shalt  }
0x66: {  	_ =	shalt  }
0x67: {  	_ =	shalt  }
0x68: {  	_ =	shalt  }
0x69: {  	_ =	shalt  }
0x6a: {  	_ =	shalt  }
0x6b: {  	_ =	shalt  }
0x6c: {  	_ =	shalt  }
0x6d: {  	_ =	shalt  }
0x6e: {  	_ =	shalt  }
0x6f: {  	_ =	shalt  }
0x70: {  	_ =	shalt  }
0x71: {  	_ =	shalt  }
0x72: {  	_ =	shalt  }
0x73: {  	_ =	shalt  }
0x74: {  	_ =	shalt  }
0x75: {  	_ =	shalt  }
0x76: {  	_ =	shalt  }
0x77: {  	_ =	shalt  }
0x78: {  	_ =	shalt  }
0x79: {  	_ =	shalt  }
0x7a: {  	_ =	shalt  }
0x7b: {  	_ =	shalt  }
0x7c: {  	_ =	shalt  }
0x7d: {  	_ =	shalt  }
0x7e: {  	_ =	shalt  }
0x7f: {  	_ =	shalt  }
0x80: {  	_ =	shalt  }
0x81: {  	_ =	shalt  }
0x82: {  	_ =	shalt  }
0x83: {  	_ =	shalt  }
0x84: {  	_ =	shalt  }
0x85: {  	_ =	shalt  }
0x86: {  	_ =	shalt  }
0x87: {  	_ =	shalt  }
.Lfunc_end0:
.L_simem_size_0:
called_computation.5_lowered:
.L_overlay_start_0:
0x88: {  	s2 =	sld [smem:$0x3FD9]  }
0x89: {  	s3 =	sld [smem:$0x3FFE];
	_ =	sdelay $0x1  }
0x8a: {  	s1 =	srdreg.scid  }
0x8b: {  	s0 =	sand.u32 $0x1, s1  }
0x8c: {  	s16 =	sshll.u32 s0, $0xA;
	s2 =	sadd.s32 s3, s2  }
0x8d: {  	s2 =	sadd.s32 s2, s16  }
0x8e: {  	[smem:$0x3FB8] =	sst s2  }
0x8f: {  	_ = 	snop  }
0x90: {  	(tm) =	ssettm $0x1  }
0x91: {  	s17 =	sld [smem:$0x3FFB];
	_ =	sdelay $0x3  }
0x92: {  	_ =	strace s17  }
0x93: {  	s2 =	sld [smem:$0x3FFC];
	_ =	sdelay $0x3  }
0x94: {  	_ =	strace s2  }
0x95: {  	s2 =	sld [smem:$0x3FFD];
	_ =	sdelay $0x3  }
0x96: {  	_ =	strace s2  }
0x97: {  	_ =	strace $0x8FFFFFFF  }
0x98: {  	s18 =	sld [smem:$0x3FDB];
	_ =	sdelay $0x1  }
0x99: {  	s19 =	simm.s32 $_scs_section_size  }
0x9a: {  	s4 =	simm.s32 $_size__tile_overlayer_lowered;
	s5 =	simm.s32 $_tile_overlayer_lowered  }
0x9b: {  	s22 =	simm.s32 $0x1BFF;
	s21 =	sshll.u32 s5, $0x1;
	s2 =	sadd.s32 s19, s18  }
0x9c: {  	s6 =	simm.s32 $0x0;
	s20 =	sshll.u32 s4, $0x1;
	s4 =	sadd.s32 s21, s2  }
0x9d: {  	[timem:s6], [sflag:s22] =	dma.local [hbm:s4], s20  }
0x9e: {  	_ =	swait.ge [sflag:s22], s20  }
0x9f: {  	s3 =	ssub.s32 $0x0, s20;
	[sflag:s22] =	ssyncset.done $0x0  }
0xa0: {  	[sflag:s22] =	ssyncadd.s32 s3;
	_ =	sdelay $0x1  }
0xa1: {  	s23 =	simm.s32 $0x1B8B  }
0xa2: {  	_ =	swait.ge [sflag:s23], $0x1  }
0xa3: {  	[sflag:s23] =	ssyncset.done $0x0  }
0xa4: {  	s25 =	simm.s32 $0x1B8E;
	s24 =	sld [smem:$0x3FFE];
	[sflag:s23] =	ssyncadd.s32 $0xFFFFFFFF  }
0xa5: {  	s26 =	simm.s32 $execute0_lowered;
	[smem:$0x3FD2] =	sst s25  }
0xa6: {  	s4 =	sshll.u32 s26, $0x1;
	_ =	strace $0x8000004F;
	[dreg:$0x1] =	wrdreg $0xFFFFFFFF  }
0xa7: {  	s28 =	simm.s32 $_size_execute0_lowered;
	s2 =	sadd.s32 s2, s4;
	[dreg:$0x0] =	wrdreg $0x0  }
0xa8: {  	s4 =	sshll.u32 s28, $0x1;
	[dreg:$0x2] =	wrdreg s2  }
0xa9: {  	[dreg:$0x3] =	wrdreg s4  }
0xaa: {  	[dreg:$0x4] =	wrdreg $0xC0  }
0xab: {  	_ =	task [dreg:s6], $0x5FFFF  }
0xac: {  	[dreg:$0x1] =	wrdreg $0xFFFFFFFF  }
0xad: {  	[dreg:$0x0] =	wrdreg $0x60  }
0xae: {  	[dreg:$0x2] =	wrdreg s24  }
0xaf: {  	[dreg:$0x3] =	wrdreg $0x9  }
0xb0: {  	_ =	task.clear_ibuf [dreg:s6], $0x4FFFF;
	_ =	strace $0x9000004F  }
0xb1: {  	s29 =	simm.s32 $0x9;
	_ =	strace $0x80000051  }
0xb2: {  	_ =	swait.ge [sflag:s29], $0x1  }
0xb3: {  	[sflag:s29] =	ssyncadd.s32 $0xFFFFFFFF  }
0xb4: {  	_ =	strace $0x90000051  }
0xb5: {  	_ =	sfence  }
0xb6: {  	s30 =	sld [smem:$0x0];
	_ =	sdelay $0x2  }
0xb7: {  	s31 =	sshll.u32 s1, $0xD;
	s1 =	sshrl.u32 s1, $0x2  }
0xb8: {  	s3 =	sand.u32 $0x4000, s31;
	s1 =	sadd.s32 s1, s30  }
0xb9: {  	s0 =	sor.u32 s3, s0;
	s1 =	sshll.u32 s1, $0x11  }
0xba: {  	s0 =	sor.u32 s1, s0  }
0xbb: {  	s0 =	sadd.s32 $0x8F2B, s0  }
0xbc: {  	[sflag:s0] =	ssyncadd.remote.s32 $0x1  }
0xbd: {  	_ =	sfence.sel $0xFFFF  }
0xbe: {  	[dreg:$0x0] =	wrdreg $0xFFFFFFFF;
	(pc) =	sbr.abs _section_cstart, $3  }
0xbf: {  	[dreg:$0x1] =	wrdreg $0xFFFFFFFF  }
0xc0: {  	_ =	task.clear_ibuf [dreg:s6], $0x2FFFF;
	_ =	strace $0x9FFFFFFF  }
0xc1: {  	(tm) =	ssettm $0x7FFFFFFF  }
tec
execute0_lowered:
.L_overlay_start_1:
0x0: {  	(tag) =	ssettag $0x1  }
0x1: {  	s1 =	srdreg.scid  }
0x2: {  	s0 =	stileid.u32;
	s2 =	rddreg [dreg:$0x0];
	s6 =	simm.s32 $0x1  }
0x3: {  	s9 =	simm.s32 $0x1;
	s10 =	simm.s32 $0x3;
	s1 =	sshll.u32 s1, $0x8  }
0x4: {  	s13 =	simm.s32 $0x0;
	s3 =	sshll.u32 s0, $0x9;
	s4 =	sand.u32 $0x100, s1  }
0x5: {  	s12 =	simm.s32 $0x0;
	s5 =	sadd.s32 $0x600, s2;
	s3 =	sor.u32 s3, s4  }
0x6: {  	s1 =	rddreg [dreg:$0x1];
	_ =	strace $0x80000050;
	s8 =	ssub.s32 $0x2800, s3  }
.Ltmp0:
0x7: {  	s4 =	sadd.s32 $0x28C00, s2;
	s7 =	sand.u32 $0x1F00, s8;
	(pc) =	sbr.rel .LBB2_1-.Ltmp0, $4  }
0x8: {  	[sflag:s6] =	ssyncpa.u1 $0x0;
	s11 =	smov.u32 s3;
	p0 =	sne.s32 s7, $0x0  }
0x9: {  	s8 =	sshrl.u32 s8, $0xD;
	s7 =	simm.s32 $0x2;
	s9 =	simm.s32 @!p0 $0x0  }
0xa: {  	[sflag:s7] =	ssyncpa.u1 $0x0;
	p0 =	por $0x0, $0x0;
	s8 =	sadd.s32 s9, s8  }
0xb: {  	vm0 =	vmmov $0xffff;
	[sflag:s10] =	ssyncpa.u1 $0x0;
	s10 =	simm.s32 $0x0;
	s9 =	sadd.s32 $0x1, s8  }
.LBB2_4:
0xc: {  	vm1 =	veq.s32 v0, $0x80000000;
	v63 =	vand.u32 $0x3F, v0;
	v2 =	vand.u32 $0xFF, v2  }
0xd: {  	v0 =	vsel vm1, $0xFFFFFFFF, v63;
	v2 =	vsel vm1, $0xFFFFFFFF, v2  }
0xe: {  	v3 =	vshll.u32 v0, $0x8;
	v4 =	vshll.u32 v2, $0x3  }
0xf: {  	v0 =	vshll.u32 v0, $0x7;
	v3 =	vand.u32 $0xFFFFF800, v3;
	v4 =	vand.u32 $0xFFFFFC00, v4  }
0x10: {  	v0 =	vand.u32 $0x380, v0;
	v3 =	vadd.s32 v3, v4  }
0x11: {  	v2 =	vand.u32 $0x7F, v2;
	v0 =	vor.u32 v0, v3  }
0x12: {  	v0 =	vor.u32 v2, v0;
	_ =	sdelay $0x1  }
0x13: {  	(ifvalue) =	ssetifvalue $0x7FFFFFFF;
	s14 =	sadd.s32 $0x10, s14  }
0x14: {  	[tilespmem:s14], [sflag:$0x1] =	stream.indirect_vreg.gather [hbm4b:s4+s10], $0x1, v1, vm0, $0x4038;
	[tilespmem:$0x400] =	vst v63  }
0x15: {  	(ifvalue) =	ssetifvalue $0x7FFFFFFF;
	s14 =	sadd.s32 $0x10, s14  }
0x16: {  	[tilespmem:s14], [sflag:$0x1] =	stream.indirect_vreg.gather [hbm4b:s4+s10], $0x1, v0, vm0, $0x4038;
	[tilespmem:$0x400] =	vst v63  }
0x17: {  	_ =	swait.ge [sflag:s6], $0x100  }
0x18: {  	s30 =	sshrl.u32 s13, $0x3;
	[sflag:s6] =	ssyncset.done $0x0  }
0x19: {  	s31 =	sand.u32 $0x7, s13;
	s14 =	sadd.s32 s5, s30;
	[sflag:s6] =	ssyncadd.s32 $0xFFFFFF00  }
0x1a: {  	[hbm4b:s14+s31] =	stream.linear.scatter [tilespmem:s15], [sflag:$0x3], $0x100, $0x38;
	[tilespmem:$0x400] =	vst v63  }
.LBB2_5:
0x1b: {  	s15 =	sadd.s32 $0x2000, s11  }
0x1c: {  	p2 =	sgt.s32 s15, $0x27FF  }
0x1d: {  	s15 =	smov.u32 @p2 s3;
	p2 =	sne.s32 s12, s9  }
.Ltmp1:
0x1e: {  	p1 =	slt.u32 s12, $0x2;
	(pc) =	sbr.rel @!p2 .LBB2_6-.Ltmp1, $4  }
0x1f: {  	s14 =	simm.s32 @!p1 $0x3  }
0x20: {  	s16 =	sadd.s32 $0x1, s12;
	_ =	swait.ge @!p1 [sflag:s14], $0x100  }
0x21: {  	s13 =	smov.u32 s11;
	p0 =	por !p0, !p0;
	[sflag:s14] =	ssyncset.done @!p1 $0x0  }
0x22: {  	s12 =	smov.u32 s16;
	s11 =	smov.u32 s15;
	[sflag:s14] =	ssyncadd.s32 @!p1 $0xFFFFFF00  }
.LBB2_1:
0x23: {  	p1 =	sge.u32 s12, s8  }
0x24: {  	s14 =	sxor.u32 @!p1 $0xFFFFFFFF, s12  }
0x25: {  	s31 =	sadd.s32 $0xFFFFFFFF, s12;
	s15 =	sshrl.u32 @!p1 s11, $0x3;
	s14 =	sshll.u32 @!p1 s14, $0x8  }
0x26: {  	s16 =	sand.u32 @!p1 $0x7, s11;
	s15 =	sadd.s32 @!p1 s2, s15;
	s14 =	sand.u32 @!p1 $0x100, s14  }
0x27: {  	[tilespmem:s14], [sflag:$0x2] =	stream.linear.gather @!p1 [hbm4b:s15+s16], $0x100, $0x38;
	[tilespmem:$0x400] =	vst v63  }
0x28: {  	p1 =	sge.u32 s31, s8  }
.Ltmp2:
0x29: {  	_ = 	snop;
	(pc) =	sbr.rel @p1 .LBB2_5-.Ltmp2, $1  }
0x2a: {  	_ =	sdelay $0x3  }
0x2b: {  	s14 =	simm.s32 $0x1  }
0x2c: {  	_ =	swait.ge [sflag:s7], $0x100;
	s14 =	simm.s32 @!p0 $0x0  }
0x2d: {  	[sflag:s7] =	ssyncset.done $0x0;
	s14 =	sshll.u32 s14, $0x8  }
0x2e: {  	[sflag:s7] =	ssyncadd.s32 $0xFFFFFF00;
	(ifvalue) =	ssetifvalue $0x7FFFFFFF;
	v0 =	vld.msk [tilespmem:s14+$0x0 ss:$0x1], $0xffff;
	_ =	sdelay $0x3  }
0x2f: {  	s15 =	sadd.s32 $0x10, s14  }
0x30: {  	v2 =	vld.msk [tilespmem:s15+$0x0 ss:$0x1], $0xffff;
	v1 =	vshrl.u32 v0, $0x6  }
0x31: {  	vm1 =	veq.s32 v0, $0x80000000;
	v0 =	vand.u32 $0x3F, v0;
	v1 =	vand.u32 $0xFF, v1  }
0x32: {  	v0 =	vsel vm1, $0xFFFFFFFF, v0;
	v1 =	vsel vm1, $0xFFFFFFFF, v1  }
0x33: {  	v3 =	vshll.u32 v0, $0x8;
	v4 =	vshll.u32 v1, $0x3  }
0x34: {  	v0 =	vshll.u32 v0, $0x7;
	v3 =	vand.u32 $0xFFFFF800, v3;
	v4 =	vand.u32 $0xFFFFFC00, v4  }
0x35: {  	vm1 =	veq.s32 v2, $0x80000000;
	v0 =	vand.u32 $0x380, v0;
	v3 =	vadd.s32 v3, v4  }
0x36: {  	v1 =	vand.u32 $0x7F, v1;
	v0 =	vor.u32 v0, v3;
	v3 =	vshrl.u32 v2, $0x6  }
0x37: {  	s17 =	sadd.s32 $0x10, s15;
	v2 =	vand.u32 $0x3F, v2;
	v1 =	vor.u32 v1, v0;
	v3 =	vand.u32 $0xFF, v3  }
0x38: {  	v0 =	vld.msk [tilespmem:s17+$0x0 ss:$0x1], $0xffff;
	v2 =	vsel vm1, $0xFFFFFFFF, v2;
	v3 =	vsel vm1, $0xFFFFFFFF, v3  }
0x39: {  	v63 =	vshll.u32 v2, $0x8;
	v5 =	vshll.u32 v3, $0x3  }
0x3a: {  	s31 =	sshll.u32 s12, $0x8;
	v2 =	vshll.u32 v2, $0x7;
	v4 =	vand.u32 $0xFFFFF800, v63;
	v5 =	vand.u32 $0xFFFFFC00, v5  }
0x3b: {  	s14 =	sor.u32 $0x200, s14;
	s15 =	sand.u32 $0x100, s31;
	(ifvalue) =	ssetifvalue $0x7FFFFFFF;
	v2 =	vand.u32 $0x380, v2;
	v4 =	vadd.s32 v4, v5  }
0x3c: {  	[tilespmem:s14], [sflag:$0x1] =	stream.indirect_vreg.gather [hbm4b:s4+s10], $0x1, v1, vm0, $0x4038;
	v1 =	vand.u32 $0x7F, v3;
	v3 =	vor.u32 v2, v4;
	[tilespmem:$0x400] =	vst v63  }
0x3d: {  	s16 =	simm.s32 $0x20;
	s15 =	sor.u32 $0x200, s15;
	s17 =	sadd.s32 $0x10, s17;
	v2 =	vshrl.u32 v0, $0x6;
	v1 =	vor.u32 v1, v3  }
.LBB2_3:
0x3e: {  	s16 =	sadd.s32 $0x10, s16;
	vm1 =	veq.s32 v0, $0x80000000;
	v3 =	vand.u32 $0x3F, v0;
	v0 =	vld.msk [tilespmem:s17+$0x0 ss:$0x1], $0xffff;
	v2 =	vand.u32 $0xFF, v2  }
0x3f: {  	p1 =	slt.u32 s16, $0xF0;
	v3 =	vsel vm1, $0xFFFFFFFF, v3;
	v2 =	vsel vm1, $0xFFFFFFFF, v2  }
.Ltmp3:
0x40: {  	v4 =	vshll.u32 v3, $0x8;
	v5 =	vshll.u32 v2, $0x3;
	(pc) =	sbr.rel @p1 .LBB2_3-.Ltmp3, $4  }
0x41: {  	s14 =	sadd.s32 $0x10, s14;
	v3 =	vshll.u32 v3, $0x7;
	v4 =	vand.u32 $0xFFFFF800, v4;
	v5 =	vand.u32 $0xFFFFFC00, v5;
	(ifvalue) =	ssetifvalue $0x7FFFFFFF  }
0x42: {  	v3 =	vand.u32 $0x380, v3;
	v4 =	vadd.s32 v4, v5;
	[tilespmem:s14], [sflag:$0x1] =	stream.indirect_vreg.gather [hbm4b:s4+s10], $0x1, v1, vm0, $0x4038;
	[tilespmem:$0x400] =	vst v63  }
0x43: {  	v1 =	vand.u32 $0x7F, v2;
	v3 =	vor.u32 v3, v4  }
0x44: {  	s17 =	sadd.s32 $0x10, s17;
	v2 =	vshrl.u32 v0, $0x6;
	v1 =	vor.u32 v1, v3  }
.Ltmp4:
0x45: {  	_ = 	snop;
	(pc) =	sbr.rel .LBB2_4-.Ltmp4, $1  }
0x46: {  	_ =	sdelay $0x3  }
.LBB2_6:
0x47: {  	_ =	sfence.sel $0x180000  }
0x48: {  	s2 =	simm.s32 $0x2;
	[bflag:$0x0] =	sbarrier.arrive $0xFFFF  }
0x49: {  	s30 =	simm.s32 $0x3;
	[sflag:s2] =	ssyncpa.u1 $0x1  }
0x4a: {  	s31 =	simm.s32 $0x1;
	[sflag:s30] =	ssyncpa.u1 $0x1  }
0x4b: {  	[sflag:s31] =	ssyncpa.u1 $0x1  }
0x4c: {  	p0 =	sne.s32 s0, $0x0;
	_ =	strace $0x90000050  }
0x4d: {  	s0 =	sadd.s32 @!p0 $0x100000, s1;
	[bflag:$0x2] =	sbarrier.arrive $0xFFFF  }
0x4e: {  	[sflag:s0] =	ssyncadd.tile.s32 @!p0 $0x1;
	_ =	shalt  }
.Lfunc_end2:
_tile_overlayer_lowered:
.L_overlay_start_2:
0x4f: {  	(tag) =	ssettag $0x2  }
0x50: {  	s0 =	rddreg [dreg:$0x0];
	s2 =	stileid.u32  }
0x51: {  	s1 =	rddreg [dreg:$0x1];
	p0 =	sne.s32 s2, $0x0  }
0x52: {  	s3 =	rddreg [dreg:$0x2];
	[bflag:$0x3] =	sbarrier.arrive $0xFFFF;
	s2 =	simm.s32 @!p0 $0x1C01  }
0x53: {  	[timem:s3], [sflag:s2] =	dma.local @!p0 [hbm:s0], s1  }
0x54: {  	s0 =	simm.s32 @!p0 $0x1  }
0x55: {  	_ =	swait.ge @!p0 [sflag:s0], s1  }
0x56: {  	s1 =	ssub.s32 @!p0 $0x0, s1;
	[sflag:s0] =	ssyncset.done @!p0 $0x0  }
0x57: {  	[sflag:s0] =	ssyncadd.s32 @!p0 s1  }
0x58: {  	[bflag:$0x3] =	sbarrier.arrive $0xFFFF  }
0x59: {  	_ =	shalt  }

// kernel: gather_offload_async_start
scs
__scs_entry_jumppad:
0x0: {  	(pc) =	sbr.rel $0x88, $3  }
0x1: {  	(tag) =	ssettag $0x0;
	lr =	simm.s32 $0x1  }
0x2: {  	[smem:$0x3F91] =	sst lr;
	_ =	strace $0xD0000000  }
0x3: {  	_ = 	snop  }
0x4: {  	_ = 	snop  }
0x5: {  	_ = 	snop  }
0x6: {  	_ = 	snop  }
0x7: {  	_ = 	snop  }
__scs_overlays_trampoline_lowered:
0x8: {  	[smem:$0x3FA0] =	sst s0  }
0x9: {  	[smem:$0x3FA1] =	sst s1  }
0xa: {  	[smem:$0x3FA2] =	sst s2  }
0xb: {  	[smem:$0x3FA3] =	sst s3  }
0xc: {  	[smem:$0x3FA4] =	sst s4  }
0xd: {  	[smem:$0x3FA5] =	sst s5  }
0xe: {  	[smem:$0x3FA6] =	sst s6  }
0xf: {  	[smem:$0x3FA7] =	sst s7  }
0x10: {  	[smem:$0x3FA8] =	sst s8  }
0x11: {  	[smem:$0x3FA9] =	sst s9;
	s0 =	simm.s32 @!p0 $0x0  }
0x12: {  	s1 =	sld [smem:$0x3F8F];
	s0 =	simm.s32 @p0 $0x1  }
0x13: {  	[smem:$0x3FAA] =	sst s0;
	s0 =	simm.s32 @!p1 $0x0  }
0x14: {  	s2 =	sld [smem:$0x3F8E];
	s0 =	simm.s32 @p1 $0x1  }
0x15: {  	[smem:$0x3FAB] =	sst s0;
	s0 =	simm.s32 @!p2 $0x0  }
0x16: {  	s3 =	sld [smem:$0x3FDB];
	s0 =	simm.s32 @p2 $0x1  }
0x17: {  	s4 =	simm.s32 $0x1BF5;
	[smem:$0x3FAD] =	sst s0  }
0x18: {  	s0 =	sld [smem:$0x3F90];
	_ =	swait.ge [sflag:s4], $0x0  }
0x19: {  	s7 =	sld [smem:$0x3F91]  }
0x1a: {  	s8 =	sadd.s32 $0xFFFFE003, lr  }
0x1b: {  	s9 =	sadd.s32 $0xFFFFFEF7, lr;
	s5 =	simm.s32 $0xFFFFFFFF;
	p2 =	slt.u32 s8, $0xFFFFF086  }
0x1c: {  	p1 =	slt.u32 s9, $0xF7A;
	s5 =	simm.s32 @!p2 $0x0  }
0x1d: {  	s5 =	simm.s32 @p1 $0x1;
	p0 =	seq.s32 s7, s2  }
0x1e: {  	s7 =	smul.u32 @!p0 $0xF7A, s2;
	p2 =	seq.s32 @!p0 s5, $0x0  }
0x1f: {  	s9 =	smul.u32 $0xF7A, s1;
	s8 =	simm.s32 @!p0 $0x1BF5;
	p2 =	por !p2, p0  }
0x20: {  	[sflag:s8] =	ssyncset.s32 @!p0 $0xFFFFF086;
	s6 =	sadd.s32 @!p0 s3, s7;
	s7 =	simm.s32 @!p0 $0x108  }
0x21: {  	s3 =	sadd.s32 s3, s9;
	s6 =	sadd.s32 @!p0 $0x88, s6;
	s7 =	simm.s32 @p2 $0x1082  }
0x22: {  	[simem:s7], [sflag:s8] =	dma.local @!p0 [hbm:s6], $0xF7A  }
0x23: {  	s9 =	sor.u32 $0xD0000000, s2;
	s6 =	simm.s32 $0x108;
	_ =	swait.ge @!p0 [sflag:s8], $0x0  }
0x24: {  	s3 =	sadd.s32 $0x88, s3;
	s6 =	simm.s32 @!p1 $0x1082;
	[sflag:s4] =	ssyncset.s32 $0xFFFFF086  }
0x25: {  	[simem:s6], [sflag:s4] =	dma.local [hbm:s3], $0xF7A  }
0x26: {  	[smem:$0x3F91] =	sst s1;
	(tag) =	ssettag s2;
	_ =	strace s9  }
0x27: {  	s1 =	sld [smem:$0x3FA1]  }
0x28: {  	s2 =	sld [smem:$0x3FA2]  }
0x29: {  	s4 =	sld [smem:$0x3FA4]  }
0x2a: {  	p0 =	seq.s32 s5, $0x0;
	s5 =	sld [smem:$0x3FA5]  }
0x2b: {  	s6 =	sld [smem:$0x3FA6]  }
0x2c: {  	s7 =	sld [smem:$0x3FA7]  }
0x2d: {  	s3 =	simm.s32 $0x108;
	s8 =	sld [smem:$0x3FA8]  }
0x2e: {  	s3 =	simm.s32 @!p0 $0x1082;
	s9 =	sld [smem:$0x3FA9]  }
0x2f: {  	lr =	sadd.s32 s0, s3;
	s0 =	sld [smem:$0x3FA0]  }
0x30: {  	s3 =	sld [smem:$0x3FA3]  }
0x31: {  	[smem:$0x3FAC] =	sst s10  }
0x32: {  	s10 =	sld [smem:$0x3FAA];
	_ =	sdelay $0x3  }
0x33: {  	p0 =	seq.s32 s10, $0x1;
	s10 =	sld [smem:$0x3FAC];
	_ =	sdelay $0x3  }
0x34: {  	[smem:$0x3FAC] =	sst s10  }
0x35: {  	s10 =	sld [smem:$0x3FAB];
	_ =	sdelay $0x3  }
0x36: {  	p1 =	seq.s32 s10, $0x1;
	s10 =	sld [smem:$0x3FAC];
	_ =	sdelay $0x3  }
0x37: {  	[smem:$0x3FAC] =	sst s10  }
0x38: {  	s10 =	sld [smem:$0x3FAD]  }
0x39: {  	_ = 	snop;
	(pc) =	sbr.ind lr, $3  }
0x3a: {  	_ = 	snop  }
0x3b: {  	_ = 	snop  }
0x3c: {  	p2 =	seq.s32 s10, $0x1;
	s10 =	sld [smem:$0x3FAC]  }
0x3d: {  	_ =	shalt  }
0x3e: {  	_ =	shalt  }
0x3f: {  	_ =	shalt  }
0x40: {  	_ =	shalt  }
0x41: {  	_ =	shalt  }
0x42: {  	_ =	shalt  }
0x43: {  	_ =	shalt  }
0x44: {  	_ =	shalt  }
0x45: {  	_ =	shalt  }
0x46: {  	_ =	shalt  }
0x47: {  	_ =	shalt  }
0x48: {  	_ =	shalt  }
0x49: {  	_ =	shalt  }
0x4a: {  	_ =	shalt  }
0x4b: {  	_ =	shalt  }
0x4c: {  	_ =	shalt  }
0x4d: {  	_ =	shalt  }
0x4e: {  	_ =	shalt  }
0x4f: {  	_ =	shalt  }
0x50: {  	_ =	shalt  }
0x51: {  	_ =	shalt  }
0x52: {  	_ =	shalt  }
0x53: {  	_ =	shalt  }
0x54: {  	_ =	shalt  }
0x55: {  	_ =	shalt  }
0x56: {  	_ =	shalt  }
0x57: {  	_ =	shalt  }
0x58: {  	_ =	shalt  }
0x59: {  	_ =	shalt  }
0x5a: {  	_ =	shalt  }
0x5b: {  	_ =	shalt  }
0x5c: {  	_ =	shalt  }
0x5d: {  	_ =	shalt  }
0x5e: {  	_ =	shalt  }
0x5f: {  	_ =	shalt  }
0x60: {  	_ =	shalt  }
0x61: {  	_ =	shalt  }
0x62: {  	_ =	shalt  }
0x63: {  	_ =	shalt  }
0x64: {  	_ =	shalt  }
0x65: {  	_ =	shalt  }
0x66: {  	_ =	shalt  }
0x67: {  	_ =	shalt  }
0x68: {  	_ =	shalt  }
0x69: {  	_ =	shalt  }
0x6a: {  	_ =	shalt  }
0x6b: {  	_ =	shalt  }
0x6c: {  	_ =	shalt  }
0x6d: {  	_ =	shalt  }
0x6e: {  	_ =	shalt  }
0x6f: {  	_ =	shalt  }
0x70: {  	_ =	shalt  }
0x71: {  	_ =	shalt  }
0x72: {  	_ =	shalt  }
0x73: {  	_ =	shalt  }
0x74: {  	_ =	shalt  }
0x75: {  	_ =	shalt  }
0x76: {  	_ =	shalt  }
0x77: {  	_ =	shalt  }
0x78: {  	_ =	shalt  }
0x79: {  	_ =	shalt  }
0x7a: {  	_ =	shalt  }
0x7b: {  	_ =	shalt  }
0x7c: {  	_ =	shalt  }
0x7d: {  	_ =	shalt  }
0x7e: {  	_ =	shalt  }
0x7f: {  	_ =	shalt  }
0x80: {  	_ =	shalt  }
0x81: {  	_ =	shalt  }
0x82: {  	_ =	shalt  }
0x83: {  	_ =	shalt  }
0x84: {  	_ =	shalt  }
0x85: {  	_ =	shalt  }
0x86: {  	_ =	shalt  }
0x87: {  	_ =	shalt  }
.Lfunc_end0:
.L_simem_size_0:
called_computation_lowered:
.L_overlay_start_0:
0x88: {  	s2 =	sld [smem:$0x3FD9]  }
0x89: {  	s3 =	sld [smem:$0x3FFE];
	_ =	sdelay $0x1  }
0x8a: {  	s1 =	srdreg.scid  }
0x8b: {  	s0 =	sand.u32 $0x1, s1  }
0x8c: {  	s16 =	sshll.u32 s0, $0xA;
	s2 =	sadd.s32 s3, s2  }
0x8d: {  	s2 =	sadd.s32 s2, s16  }
0x8e: {  	[smem:$0x3FB8] =	sst s2  }
0x8f: {  	_ = 	snop  }
0x90: {  	(tm) =	ssettm $0x1  }
0x91: {  	s17 =	sld [smem:$0x3FFB];
	_ =	sdelay $0x3  }
0x92: {  	_ =	strace s17  }
0x93: {  	s2 =	sld [smem:$0x3FFC];
	_ =	sdelay $0x3  }
0x94: {  	_ =	strace s2  }
0x95: {  	s2 =	sld [smem:$0x3FFD];
	_ =	sdelay $0x3  }
0x96: {  	_ =	strace s2  }
0x97: {  	_ =	strace $0x8FFFFFFF  }
0x98: {  	s18 =	sld [smem:$0x3FDB];
	_ =	sdelay $0x1  }
0x99: {  	s19 =	simm.s32 $_scs_section_size  }
0x9a: {  	s4 =	simm.s32 $_size__tile_overlayer_lowered;
	s5 =	simm.s32 $_tile_overlayer_lowered  }
0x9b: {  	s22 =	simm.s32 $0x1BFF;
	s21 =	sshll.u32 s5, $0x1;
	s2 =	sadd.s32 s19, s18  }
0x9c: {  	s6 =	simm.s32 $0x0;
	s20 =	sshll.u32 s4, $0x1;
	s4 =	sadd.s32 s21, s2  }
0x9d: {  	[timem:s6], [sflag:s22] =	dma.local [hbm:s4], s20  }
0x9e: {  	_ =	swait.ge [sflag:s22], s20  }
0x9f: {  	s3 =	ssub.s32 $0x0, s20;
	[sflag:s22] =	ssyncset.done $0x0  }
0xa0: {  	[sflag:s22] =	ssyncadd.s32 s3;
	_ =	sdelay $0x1  }
0xa1: {  	s23 =	simm.s32 $0x1B8B  }
0xa2: {  	_ =	swait.ge [sflag:s23], $0x1  }
0xa3: {  	[sflag:s23] =	ssyncset.done $0x0  }
0xa4: {  	s25 =	simm.s32 $0x1B8E;
	s24 =	sld [smem:$0x3FFE];
	[sflag:s23] =	ssyncadd.s32 $0xFFFFFFFF  }
0xa5: {  	s26 =	simm.s32 $execute0_lowered;
	[smem:$0x3FD2] =	sst s25  }
0xa6: {  	s4 =	sshll.u32 s26, $0x1;
	_ =	strace $0x80000046;
	[dreg:$0x1] =	wrdreg $0xFFFFFFFF  }
0xa7: {  	s28 =	simm.s32 $_size_execute0_lowered;
	s2 =	sadd.s32 s2, s4;
	[dreg:$0x0] =	wrdreg $0x0  }
0xa8: {  	s4 =	sshll.u32 s28, $0x1;
	[dreg:$0x2] =	wrdreg s2  }
0xa9: {  	[dreg:$0x3] =	wrdreg s4  }
0xaa: {  	[dreg:$0x4] =	wrdreg $0xC0  }
0xab: {  	_ =	task [dreg:s6], $0x5FFFF  }
0xac: {  	[dreg:$0x1] =	wrdreg $0xFFFFFFFF  }
0xad: {  	[dreg:$0x0] =	wrdreg $0x60  }
0xae: {  	[dreg:$0x2] =	wrdreg s24  }
0xaf: {  	[dreg:$0x3] =	wrdreg $0x9  }
0xb0: {  	_ =	task.clear_ibuf [dreg:s6], $0x4FFFF;
	_ =	strace $0x90000046  }
0xb1: {  	s29 =	simm.s32 $0x9;
	_ =	strace $0x80000048  }
0xb2: {  	_ =	swait.ge [sflag:s29], $0x1  }
0xb3: {  	[sflag:s29] =	ssyncadd.s32 $0xFFFFFFFF  }
0xb4: {  	_ =	strace $0x90000048  }
0xb5: {  	_ =	sfence  }
0xb6: {  	s30 =	sld [smem:$0x0];
	_ =	sdelay $0x2  }
0xb7: {  	s31 =	sshll.u32 s1, $0xD;
	s1 =	sshrl.u32 s1, $0x2  }
0xb8: {  	s3 =	sand.u32 $0x4000, s31;
	s1 =	sadd.s32 s1, s30  }
0xb9: {  	s0 =	sor.u32 s3, s0;
	s1 =	sshll.u32 s1, $0x11  }
0xba: {  	s0 =	sor.u32 s1, s0  }
0xbb: {  	s0 =	sadd.s32 $0x8F2B, s0  }
0xbc: {  	[sflag:s0] =	ssyncadd.remote.s32 $0x1  }
0xbd: {  	_ =	sfence.sel $0xFFFF  }
0xbe: {  	[dreg:$0x0] =	wrdreg $0xFFFFFFFF;
	(pc) =	sbr.abs _section_cstart, $3  }
0xbf: {  	[dreg:$0x1] =	wrdreg $0xFFFFFFFF  }
0xc0: {  	_ =	task.clear_ibuf [dreg:s6], $0x2FFFF;
	_ =	strace $0x9FFFFFFF  }
0xc1: {  	(tm) =	ssettm $0x7FFFFFFF  }
tec
execute0_lowered:
.L_overlay_start_1:
0x0: {  	(tag) =	ssettag $0x1  }
0x1: {  	s0 =	srdreg.scid;
	s5 =	rddreg [dreg:$0x0]  }
0x2: {  	s1 =	stileid.u32;
	s6 =	simm.s32 $0x1;
	s9 =	simm.s32 $0x1  }
0x3: {  	s10 =	simm.s32 $0x3;
	s13 =	simm.s32 $0x0;
	s2 =	sshll.u32 s0, $0x8  }
0x4: {  	s12 =	simm.s32 $0x0;
	s3 =	sshll.u32 s1, $0x9;
	s2 =	sand.u32 $0x100, s2  }
0x5: {  	s0 =	rddreg [dreg:$0x1];
	_ =	strace $0x80000047;
	s2 =	sor.u32 s3, s2  }
0x6: {  	s4 =	sadd.s32 $0x600, s5;
	[sflag:s6] =	ssyncpa.u1 $0x0;
	s8 =	ssub.s32 $0x2800, s2  }
.Ltmp0:
0x7: {  	s3 =	sadd.s32 $0xC00, s5;
	s7 =	sand.u32 $0x1F00, s8;
	(pc) =	sbr.rel .LBB2_1-.Ltmp0, $4  }
0x8: {  	s5 =	sadd.s32 $0x28C00, s5;
	s11 =	smov.u32 s2;
	p0 =	sne.s32 s7, $0x0  }
0x9: {  	s8 =	sshrl.u32 s8, $0xD;
	s7 =	simm.s32 $0x2;
	s9 =	simm.s32 @!p0 $0x0  }
0xa: {  	[sflag:s7] =	ssyncpa.u1 $0x0;
	p0 =	por $0x0, $0x0;
	s8 =	sadd.s32 s9, s8  }
0xb: {  	vm0 =	vmmov $0xffff;
	[sflag:s10] =	ssyncpa.u1 $0x0;
	s10 =	simm.s32 $0x0;
	s9 =	sadd.s32 $0x1, s8  }
.LBB2_4:
0xc: {  	v5 =	vshrl.u32 v1, $0xE;
	v6 =	vshll.u32 v1, $0x7  }
0xd: {  	vm1 =	veq.s32 v1, $0x80000000;
	v58 =	vand.u32 $0x3, v5;
	v59 =	vand.u32 $0x1FFF80, v6  }
0xe: {  	v1 =	vsel vm1, $0xFFFFFFFF, v58;
	v5 =	vsel vm1, $0xFFFFFF80, v59  }
0xf: {  	v3 =	vor.u32 v4, v3;
	v60 =	vand.u32 $0xFFFFFC00, v5;
	v61 =	vand.u32 $0xFFFFFC00, v1  }
0x10: {  	v2 =	vor.u32 v2, v3;
	v63 =	vand.u32 $0x380, v5;
	v62 =	vadd.s32 v61, v60  }
0x11: {  	v1 =	vand.u32 $0x7F, v1;
	v3 =	vor.u32 v63, v62  }
0x12: {  	v1 =	vor.u32 v1, v3  }
0x13: {  	[tilespmem:s15], [sflag:$0x1] =	stream.indirect_vreg.gather [hbm4b:s3+s10], $0x1, v0, vm0, $0x4038;
	[tilespmem:$0x400] =	vst v63  }
0x14: {  	(ifvalue) =	ssetifvalue $0x7FFFFFFF  }
0x15: {  	[tilespmem:s16], [sflag:$0x1] =	stream.indirect_vreg.gather [hbm4b:s3+s10], $0x1, v2, vm0, $0x4038;
	[tilespmem:$0x400] =	vst v63  }
0x16: {  	s29 =	sadd.s32 $0x10, s16;
	(ifvalue) =	ssetifvalue $0x7FFFFFFF  }
0x17: {  	[tilespmem:s29], [sflag:$0x1] =	stream.indirect_vreg.gather [hbm4b:s3+s10], $0x1, v1, vm0, $0x4038;
	[tilespmem:$0x400] =	vst v63  }
0x18: {  	_ =	swait.ge [sflag:s6], $0x100  }
0x19: {  	s30 =	sshrl.u32 s13, $0x3;
	[sflag:s6] =	ssyncset.done $0x0  }
0x1a: {  	s31 =	sand.u32 $0x7, s13;
	s15 =	sadd.s32 s5, s30;
	[sflag:s6] =	ssyncadd.s32 $0xFFFFFF00  }
0x1b: {  	[hbm4b:s15+s31] =	stream.linear.scatter [tilespmem:s14], [sflag:$0x3], $0x100, $0x38;
	[tilespmem:$0x400] =	vst v63  }
.LBB2_5:
0x1c: {  	s15 =	sadd.s32 $0x2000, s11  }
0x1d: {  	p2 =	sgt.s32 s15, $0x27FF  }
0x1e: {  	s15 =	smov.u32 @p2 s2;
	p2 =	sne.s32 s12, s9  }
.Ltmp1:
0x1f: {  	p1 =	slt.u32 s12, $0x2;
	(pc) =	sbr.rel @!p2 .LBB2_6-.Ltmp1, $4  }
0x20: {  	s14 =	simm.s32 @!p1 $0x3  }
0x21: {  	s16 =	sadd.s32 $0x1, s12;
	_ =	swait.ge @!p1 [sflag:s14], $0x100  }
0x22: {  	s13 =	smov.u32 s11;
	p0 =	por !p0, !p0;
	[sflag:s14] =	ssyncset.done @!p1 $0x0  }
0x23: {  	s12 =	smov.u32 s16;
	s11 =	smov.u32 s15;
	[sflag:s14] =	ssyncadd.s32 @!p1 $0xFFFFFF00  }
.LBB2_1:
0x24: {  	p1 =	sge.u32 s12, s8  }
0x25: {  	s14 =	sxor.u32 @!p1 $0xFFFFFFFF, s12  }
0x26: {  	s31 =	sadd.s32 $0xFFFFFFFF, s12;
	s15 =	sshrl.u32 @!p1 s11, $0x3;
	s14 =	sshll.u32 @!p1 s14, $0x8  }
0x27: {  	s16 =	sand.u32 @!p1 $0x7, s11;
	s15 =	sadd.s32 @!p1 s4, s15;
	s14 =	sand.u32 @!p1 $0x100, s14  }
0x28: {  	[tilespmem:s14], [sflag:$0x2] =	stream.linear.gather @!p1 [hbm4b:s15+s16], $0x100, $0x38;
	[tilespmem:$0x400] =	vst v63  }
0x29: {  	p1 =	sge.u32 s31, s8  }
.Ltmp2:
0x2a: {  	_ = 	snop;
	(pc) =	sbr.rel @p1 .LBB2_5-.Ltmp2, $1  }
0x2b: {  	_ =	sdelay $0x3  }
0x2c: {  	s14 =	simm.s32 $0x1  }
0x2d: {  	_ =	swait.ge [sflag:s7], $0x100;
	s14 =	simm.s32 @!p0 $0x0  }
0x2e: {  	[sflag:s7] =	ssyncset.done $0x0;
	s14 =	sshll.u32 s14, $0x8  }
0x2f: {  	[sflag:s7] =	ssyncadd.s32 $0xFFFFFF00;
	(ifvalue) =	ssetifvalue $0x7FFFFFFF;
	v0 =	vld.msk [tilespmem:s14+$0x0 ss:$0x1], $0xffff;
	_ =	sdelay $0x4  }
0x30: {  	s15 =	sadd.s32 $0x10, s14;
	v2 =	vshrl.u32 v0, $0xE;
	v3 =	vshll.u32 v0, $0x7  }
0x31: {  	v1 =	vld.msk [tilespmem:s15+$0x0 ss:$0x1], $0xffff;
	vm1 =	veq.s32 v0, $0x80000000;
	v0 =	vand.u32 $0x3, v2;
	v2 =	vand.u32 $0x1FFF80, v3  }
0x32: {  	v0 =	vsel vm1, $0xFFFFFFFF, v0;
	v2 =	vsel vm1, $0xFFFFFF80, v2  }
0x33: {  	v3 =	vand.u32 $0xFFFFFC00, v2;
	v4 =	vand.u32 $0xFFFFFC00, v0  }
0x34: {  	v2 =	vand.u32 $0x380, v2;
	v3 =	vadd.s32 v4, v3  }
0x35: {  	v0 =	vand.u32 $0x7F, v0;
	v2 =	vor.u32 v2, v3  }
0x36: {  	v5 =	vshll.u32 v1, $0x7;
	v4 =	vshrl.u32 v1, $0xE;
	v0 =	vor.u32 v0, v2  }
0x37: {  	s16 =	sshll.u32 s12, $0x8;
	vm1 =	veq.s32 v1, $0x80000000;
	v1 =	vand.u32 $0x3, v4;
	v4 =	vand.u32 $0x1FFF80, v5  }
0x38: {  	s16 =	sand.u32 $0x100, s16;
	s18 =	sadd.s32 $0x10, s15;
	v3 =	vsel vm1, $0xFFFFFFFF, v1;
	v4 =	vsel vm1, $0xFFFFFF80, v4  }
0x39: {  	s17 =	simm.s32 $0x20;
	s15 =	sor.u32 $0x200, s14;
	s14 =	sor.u32 $0x200, s16;
	v1 =	vld.msk [tilespmem:s18+$0x0 ss:$0x1], $0xffff;
	v5 =	vand.u32 $0xFFFFFC00, v4;
	v6 =	vand.u32 $0xFFFFFC00, v3  }
0x3a: {  	s16 =	sadd.s32 $0x10, s15;
	s18 =	sadd.s32 $0x10, s18;
	(ifvalue) =	ssetifvalue $0x7FFFFFFF;
	v2 =	vand.u32 $0x7F, v3;
	v4 =	vand.u32 $0x380, v4;
	v3 =	vadd.s32 v6, v5  }
.LBB2_3:
0x3b: {  	[tilespmem:s15], [sflag:$0x1] =	stream.indirect_vreg.gather [hbm4b:s3+s10], $0x1, v0, vm0, $0x4038;
	[tilespmem:$0x400] =	vst v63  }
0x3c: {  	s17 =	sadd.s32 $0x10, s17  }
0x3d: {  	v3 =	vor.u32 v4, v3;
	p1 =	slt.u32 s17, $0xF0  }
.Ltmp3:
0x3e: {  	v4 =	vshrl.u32 v1, $0xE;
	v5 =	vshll.u32 v1, $0x7;
	s15 =	smov.u32 s16;
	v0 =	vor.u32 v2, v3;
	v2 =	vmovc v1;
	v1 =	vld.msk [tilespmem:s18+$0x0 ss:$0x1], $0xffff;
	(pc) =	sbr.rel @p1 .LBB2_3-.Ltmp3, $4  }
0x3f: {  	v3 =	vand.u32 $0x1FFF80, v5;
	vm1 =	veq.s32 v2, $0x80000000;
	v2 =	vand.u32 $0x3, v4  }
0x40: {  	v4 =	vsel vm1, $0xFFFFFFFF, v2;
	v5 =	vsel vm1, $0xFFFFFF80, v3  }
0x41: {  	v2 =	vand.u32 $0x7F, v4;
	v3 =	vand.u32 $0xFFFFFC00, v5;
	v4 =	vand.u32 $0xFFFFFC00, v4  }
0x42: {  	s16 =	sadd.s32 $0x10, s16;
	s18 =	sadd.s32 $0x10, s18;
	v3 =	vadd.s32 v4, v3;
	v4 =	vand.u32 $0x380, v5;
	(ifvalue) =	ssetifvalue $0x7FFFFFFF  }
.Ltmp4:
0x43: {  	_ = 	snop;
	(pc) =	sbr.rel .LBB2_4-.Ltmp4, $1  }
0x44: {  	_ =	sdelay $0x3  }
.LBB2_6:
0x45: {  	_ =	sfence.sel $0x180000  }
0x46: {  	s2 =	simm.s32 $0x2;
	[bflag:$0x0] =	sbarrier.arrive $0xFFFF  }
0x47: {  	s30 =	simm.s32 $0x3;
	[sflag:s2] =	ssyncpa.u1 $0x1  }
0x48: {  	s31 =	simm.s32 $0x1;
	[sflag:s30] =	ssyncpa.u1 $0x1  }
0x49: {  	[sflag:s31] =	ssyncpa.u1 $0x1  }
0x4a: {  	p0 =	sne.s32 s1, $0x0;
	_ =	strace $0x90000047  }
0x4b: {  	s0 =	sadd.s32 @!p0 $0x100000, s0;
	[bflag:$0x2] =	sbarrier.arrive $0xFFFF  }
0x4c: {  	[sflag:s0] =	ssyncadd.tile.s32 @!p0 $0x1;
	_ =	shalt  }
.Lfunc_end2:
_tile_overlayer_lowered:
.L_overlay_start_2:
0x4d: {  	(tag) =	ssettag $0x2  }
0x4e: {  	s0 =	rddreg [dreg:$0x0];
	s2 =	stileid.u32  }
0x4f: {  	s1 =	rddreg [dreg:$0x1];
	p0 =	sne.s32 s2, $0x0  }
0x50: {  	s3 =	rddreg [dreg:$0x2];
	[bflag:$0x3] =	sbarrier.arrive $0xFFFF;
	s2 =	simm.s32 @!p0 $0x1C01  }
0x51: {  	[timem:s3], [sflag:s2] =	dma.local @!p0 [hbm:s0], s1  }
0x52: {  	s0 =	simm.s32 @!p0 $0x1  }
0x53: {  	_ =	swait.ge @!p0 [sflag:s0], s1  }
0x54: {  	s1 =	ssub.s32 @!p0 $0x0, s1;
	[sflag:s0] =	ssyncset.done @!p0 $0x0  }
0x55: {  	[sflag:s0] =	ssyncadd.s32 @!p0 s1  }
0x56: {  	[bflag:$0x3] =	sbarrier.arrive $0xFFFF  }
0x57: {  	_ =	shalt  }

// kernel: kernel.11.cloned.1.call-start
scs
__scs_entry_jumppad:
0x0: {  	(pc) =	sbr.rel $0x88, $3  }
0x1: {  	(tag) =	ssettag $0x0;
	lr =	simm.s32 $0x1  }
0x2: {  	[smem:$0x3F91] =	sst lr;
	_ =	strace $0xD0000000  }
0x3: {  	_ = 	snop  }
0x4: {  	_ = 	snop  }
0x5: {  	_ = 	snop  }
0x6: {  	_ = 	snop  }
0x7: {  	_ = 	snop  }
__scs_overlays_trampoline_lowered:
0x8: {  	[smem:$0x3FA0] =	sst s0  }
0x9: {  	[smem:$0x3FA1] =	sst s1  }
0xa: {  	[smem:$0x3FA2] =	sst s2  }
0xb: {  	[smem:$0x3FA3] =	sst s3  }
0xc: {  	[smem:$0x3FA4] =	sst s4  }
0xd: {  	[smem:$0x3FA5] =	sst s5  }
0xe: {  	[smem:$0x3FA6] =	sst s6  }
0xf: {  	[smem:$0x3FA7] =	sst s7  }
0x10: {  	[smem:$0x3FA8] =	sst s8  }
0x11: {  	[smem:$0x3FA9] =	sst s9;
	s0 =	simm.s32 @!p0 $0x0  }
0x12: {  	s1 =	sld [smem:$0x3F8F];
	s0 =	simm.s32 @p0 $0x1  }
0x13: {  	[smem:$0x3FAA] =	sst s0;
	s0 =	simm.s32 @!p1 $0x0  }
0x14: {  	s2 =	sld [smem:$0x3F8E];
	s0 =	simm.s32 @p1 $0x1  }
0x15: {  	[smem:$0x3FAB] =	sst s0;
	s0 =	simm.s32 @!p2 $0x0  }
0x16: {  	s3 =	sld [smem:$0x3FDB];
	s0 =	simm.s32 @p2 $0x1  }
0x17: {  	s4 =	simm.s32 $0x1BF5;
	[smem:$0x3FAD] =	sst s0  }
0x18: {  	s0 =	sld [smem:$0x3F90];
	_ =	swait.ge [sflag:s4], $0x0  }
0x19: {  	s7 =	sld [smem:$0x3F91]  }
0x1a: {  	s8 =	sadd.s32 $0xFFFFE003, lr  }
0x1b: {  	s9 =	sadd.s32 $0xFFFFFEF7, lr;
	s5 =	simm.s32 $0xFFFFFFFF;
	p2 =	slt.u32 s8, $0xFFFFF086  }
0x1c: {  	p1 =	slt.u32 s9, $0xF7A;
	s5 =	simm.s32 @!p2 $0x0  }
0x1d: {  	s5 =	simm.s32 @p1 $0x1;
	p0 =	seq.s32 s7, s2  }
0x1e: {  	s7 =	smul.u32 @!p0 $0xF7A, s2;
	p2 =	seq.s32 @!p0 s5, $0x0  }
0x1f: {  	s9 =	smul.u32 $0xF7A, s1;
	s8 =	simm.s32 @!p0 $0x1BF5;
	p2 =	por !p2, p0  }
0x20: {  	[sflag:s8] =	ssyncset.s32 @!p0 $0xFFFFF086;
	s6 =	sadd.s32 @!p0 s3, s7;
	s7 =	simm.s32 @!p0 $0x108  }
0x21: {  	s3 =	sadd.s32 s3, s9;
	s6 =	sadd.s32 @!p0 $0x88, s6;
	s7 =	simm.s32 @p2 $0x1082  }
0x22: {  	[simem:s7], [sflag:s8] =	dma.local @!p0 [hbm:s6], $0xF7A  }
0x23: {  	s9 =	sor.u32 $0xD0000000, s2;
	s6 =	simm.s32 $0x108;
	_ =	swait.ge @!p0 [sflag:s8], $0x0  }
0x24: {  	s3 =	sadd.s32 $0x88, s3;
	s6 =	simm.s32 @!p1 $0x1082;
	[sflag:s4] =	ssyncset.s32 $0xFFFFF086  }
0x25: {  	[simem:s6], [sflag:s4] =	dma.local [hbm:s3], $0xF7A  }
0x26: {  	[smem:$0x3F91] =	sst s1;
	(tag) =	ssettag s2;
	_ =	strace s9  }
0x27: {  	s1 =	sld [smem:$0x3FA1]  }
0x28: {  	s2 =	sld [smem:$0x3FA2]  }
0x29: {  	s4 =	sld [smem:$0x3FA4]  }
0x2a: {  	p0 =	seq.s32 s5, $0x0;
	s5 =	sld [smem:$0x3FA5]  }
0x2b: {  	s6 =	sld [smem:$0x3FA6]  }
0x2c: {  	s7 =	sld [smem:$0x3FA7]  }
0x2d: {  	s3 =	simm.s32 $0x108;
	s8 =	sld [smem:$0x3FA8]  }
0x2e: {  	s3 =	simm.s32 @!p0 $0x1082;
	s9 =	sld [smem:$0x3FA9]  }
0x2f: {  	lr =	sadd.s32 s0, s3;
	s0 =	sld [smem:$0x3FA0]  }
0x30: {  	s3 =	sld [smem:$0x3FA3]  }
0x31: {  	[smem:$0x3FAC] =	sst s10  }
0x32: {  	s10 =	sld [smem:$0x3FAA];
	_ =	sdelay $0x3  }
0x33: {  	p0 =	seq.s32 s10, $0x1;
	s10 =	sld [smem:$0x3FAC];
	_ =	sdelay $0x3  }
0x34: {  	[smem:$0x3FAC] =	sst s10  }
0x35: {  	s10 =	sld [smem:$0x3FAB];
	_ =	sdelay $0x3  }
0x36: {  	p1 =	seq.s32 s10, $0x1;
	s10 =	sld [smem:$0x3FAC];
	_ =	sdelay $0x3  }
0x37: {  	[smem:$0x3FAC] =	sst s10  }
0x38: {  	s10 =	sld [smem:$0x3FAD]  }
0x39: {  	_ = 	snop;
	(pc) =	sbr.ind lr, $3  }
0x3a: {  	_ = 	snop  }
0x3b: {  	_ = 	snop  }
0x3c: {  	p2 =	seq.s32 s10, $0x1;
	s10 =	sld [smem:$0x3FAC]  }
0x3d: {  	_ =	shalt  }
0x3e: {  	_ =	shalt  }
0x3f: {  	_ =	shalt  }
0x40: {  	_ =	shalt  }
0x41: {  	_ =	shalt  }
0x42: {  	_ =	shalt  }
0x43: {  	_ =	shalt  }
0x44: {  	_ =	shalt  }
0x45: {  	_ =	shalt  }
0x46: {  	_ =	shalt  }
0x47: {  	_ =	shalt  }
0x48: {  	_ =	shalt  }
0x49: {  	_ =	shalt  }
0x4a: {  	_ =	shalt  }
0x4b: {  	_ =	shalt  }
0x4c: {  	_ =	shalt  }
0x4d: {  	_ =	shalt  }
0x4e: {  	_ =	shalt  }
0x4f: {  	_ =	shalt  }
0x50: {  	_ =	shalt  }
0x51: {  	_ =	shalt  }
0x52: {  	_ =	shalt  }
0x53: {  	_ =	shalt  }
0x54: {  	_ =	shalt  }
0x55: {  	_ =	shalt  }
0x56: {  	_ =	shalt  }
0x57: {  	_ =	shalt  }
0x58: {  	_ =	shalt  }
0x59: {  	_ =	shalt  }
0x5a: {  	_ =	shalt  }
0x5b: {  	_ =	shalt  }
0x5c: {  	_ =	shalt  }
0x5d: {  	_ =	shalt  }
0x5e: {  	_ =	shalt  }
0x5f: {  	_ =	shalt  }
0x60: {  	_ =	shalt  }
0x61: {  	_ =	shalt  }
0x62: {  	_ =	shalt  }
0x63: {  	_ =	shalt  }
0x64: {  	_ =	shalt  }
0x65: {  	_ =	shalt  }
0x66: {  	_ =	shalt  }
0x67: {  	_ =	shalt  }
0x68: {  	_ =	shalt  }
0x69: {  	_ =	shalt  }
0x6a: {  	_ =	shalt  }
0x6b: {  	_ =	shalt  }
0x6c: {  	_ =	shalt  }
0x6d: {  	_ =	shalt  }
0x6e: {  	_ =	shalt  }
0x6f: {  	_ =	shalt  }
0x70: {  	_ =	shalt  }
0x71: {  	_ =	shalt  }
0x72: {  	_ =	shalt  }
0x73: {  	_ =	shalt  }
0x74: {  	_ =	shalt  }
0x75: {  	_ =	shalt  }
0x76: {  	_ =	shalt  }
0x77: {  	_ =	shalt  }
0x78: {  	_ =	shalt  }
0x79: {  	_ =	shalt  }
0x7a: {  	_ =	shalt  }
0x7b: {  	_ =	shalt  }
0x7c: {  	_ =	shalt  }
0x7d: {  	_ =	shalt  }
0x7e: {  	_ =	shalt  }
0x7f: {  	_ =	shalt  }
0x80: {  	_ =	shalt  }
0x81: {  	_ =	shalt  }
0x82: {  	_ =	shalt  }
0x83: {  	_ =	shalt  }
0x84: {  	_ =	shalt  }
0x85: {  	_ =	shalt  }
0x86: {  	_ =	shalt  }
0x87: {  	_ =	shalt  }
.Lfunc_end0:
.L_simem_size_0:
called_computation.6_lowered:
.L_overlay_start_0:
0x88: {  	s2 =	sld [smem:$0x3FD9]  }
0x89: {  	s3 =	sld [smem:$0x3FFE];
	_ =	sdelay $0x1  }
0x8a: {  	s1 =	srdreg.scid  }
0x8b: {  	s0 =	sand.u32 $0x1, s1  }
0x8c: {  	s17 =	sshll.u32 s0, $0xA;
	s2 =	sadd.s32 s3, s2  }
0x8d: {  	s2 =	sadd.s32 s2, s17  }
0x8e: {  	[smem:$0x3FB8] =	sst s2  }
0x8f: {  	_ = 	snop  }
0x90: {  	(tm) =	ssettm $0x1  }
0x91: {  	s18 =	sld [smem:$0x3FFB];
	_ =	sdelay $0x3  }
0x92: {  	_ =	strace s18  }
0x93: {  	s2 =	sld [smem:$0x3FFC];
	_ =	sdelay $0x3  }
0x94: {  	_ =	strace s2  }
0x95: {  	s2 =	sld [smem:$0x3FFD];
	_ =	sdelay $0x3  }
0x96: {  	_ =	strace s2  }
0x97: {  	_ =	strace $0x8FFFFFFF  }
0x98: {  	s19 =	sld [smem:$0x3FDB];
	_ =	sdelay $0x1  }
0x99: {  	s20 =	simm.s32 $_scs_section_size  }
0x9a: {  	s4 =	simm.s32 $_size__tile_overlayer_lowered;
	s5 =	simm.s32 $_tile_overlayer_lowered  }
0x9b: {  	s6 =	simm.s32 $0x1BFF;
	s21 =	sshll.u32 s5, $0x1;
	s3 =	sadd.s32 s20, s19  }
0x9c: {  	s22 =	simm.s32 $0x0;
	s4 =	sshll.u32 s4, $0x1;
	s5 =	sadd.s32 s21, s3  }
0x9d: {  	[timem:s22], [sflag:s6] =	dma.local [hbm:s5], s4  }
0x9e: {  	_ =	swait.ge [sflag:s6], s4  }
0x9f: {  	s4 =	ssub.s32 $0x0, s4;
	[sflag:s6] =	ssyncset.done $0x0  }
0xa0: {  	[sflag:s6] =	ssyncadd.s32 s4;
	_ =	sdelay $0x1  }
0xa1: {  	s23 =	simm.s32 $0x1B8B  }
0xa2: {  	_ =	swait.ge [sflag:s23], $0x1  }
0xa3: {  	[sflag:s23] =	ssyncset.done $0x0  }
0xa4: {  	[sflag:s23] =	ssyncadd.s32 $0xFFFFFFFF  }
0xa5: {  	s4 =	sld [smem:$0x0]  }
0xa6: {  	s5 =	sand.u32 $0xFFFFFFFE, s1  }
0xa7: {  	p0 =	sne.s32 s1, s5  }
0xa8: {  	s5 =	sshll.u32 @p0 s5, $0xE  }
0xa9: {  	s5 =	sadd.s32 @p0 $0x11B8D, s5;
	s6 =	sshll.u32 @p0 s4, $0x11  }
0xaa: {  	s5 =	sor.u32 @p0 s6, s5  }
0xab: {  	[sflag:s5] =	ssyncadd.remote.s32 @p0 $0x1;
	_ =	sdelay $0x1  }
0xac: {  	s5 =	simm.s32 @p0 $0x1B8D  }
0xad: {  	_ =	swait.eq @p0 [sflag:s5], $0x1  }
0xae: {  	[sflag:s5] =	ssyncadd.s32 @p0 $0xFFFFFFFF  }
0xaf: {  	s6 =	sshll.u32 @!p0 s1, $0xE  }
0xb0: {  	s6 =	sor.u32 @!p0 $0x4000, s6;
	s5 =	simm.s32 @!p0 $0x1B8D  }
0xb1: {  	s4 =	sshll.u32 @!p0 s4, $0x11;
	s6 =	sadd.s32 @!p0 $0x11B8D, s6;
	_ =	swait.eq @!p0 [sflag:s5], $0x1  }
0xb2: {  	s4 =	sor.u32 @!p0 s4, s6;
	[sflag:s5] =	ssyncadd.s32 @!p0 $0xFFFFFFFF  }
0xb3: {  	s25 =	simm.s32 $0x1B8E;
	s24 =	sld [smem:$0x3FFE];
	[sflag:s4] =	ssyncadd.remote.s32 @!p0 $0x1  }
0xb4: {  	s26 =	simm.s32 $execute0_lowered;
	[smem:$0x3FD2] =	sst s25  }
0xb5: {  	s5 =	sshll.u32 s26, $0x1;
	_ =	strace $0x80000058;
	[dreg:$0x1] =	wrdreg $0xFFFFFFFF  }
0xb6: {  	s28 =	simm.s32 $_size_execute0_lowered;
	s3 =	sadd.s32 s3, s5;
	[dreg:$0x0] =	wrdreg $0x0  }
0xb7: {  	s5 =	sshll.u32 s28, $0x1;
	[dreg:$0x2] =	wrdreg s3  }
0xb8: {  	[dreg:$0x3] =	wrdreg s5  }
0xb9: {  	[dreg:$0x4] =	wrdreg $0xC0  }
0xba: {  	_ =	task [dreg:s22], $0x5FFFF  }
0xbb: {  	[dreg:$0x1] =	wrdreg $0xFFFFFFFF  }
0xbc: {  	[dreg:$0x0] =	wrdreg $0x60  }
0xbd: {  	[dreg:$0x2] =	wrdreg s24  }
0xbe: {  	[dreg:$0x3] =	wrdreg $0xA  }
0xbf: {  	_ =	task.clear_ibuf [dreg:s22], $0x4FFFF;
	_ =	strace $0x90000058  }
0xc0: {  	s29 =	simm.s32 $0xA;
	_ =	strace $0x80000061  }
0xc1: {  	_ =	swait.ge [sflag:s29], $0x1  }
0xc2: {  	[sflag:s29] =	ssyncadd.s32 $0xFFFFFFFF  }
0xc3: {  	_ =	strace $0x90000061  }
0xc4: {  	_ =	sfence  }
0xc5: {  	s30 =	sld [smem:$0x0];
	_ =	sdelay $0x2  }
0xc6: {  	s31 =	sshll.u32 s1, $0xD;
	s1 =	sshrl.u32 s1, $0x2  }
0xc7: {  	s4 =	sand.u32 $0x4000, s31;
	s1 =	sadd.s32 s1, s30  }
0xc8: {  	s0 =	sor.u32 s4, s0;
	s1 =	sshll.u32 s1, $0x11  }
0xc9: {  	s0 =	sor.u32 s1, s0  }
0xca: {  	s0 =	sadd.s32 $0x8F2B, s0  }
0xcb: {  	[sflag:s0] =	ssyncadd.remote.s32 $0x1  }
0xcc: {  	_ =	sfence.sel $0xFFFF  }
0xcd: {  	[dreg:$0x0] =	wrdreg $0xFFFFFFFF;
	(pc) =	sbr.abs _section_cstart, $3  }
0xce: {  	[dreg:$0x1] =	wrdreg $0xFFFFFFFF  }
0xcf: {  	_ =	task.clear_ibuf [dreg:s22], $0x2FFFF;
	_ =	strace $0x9FFFFFFF  }
0xd0: {  	(tm) =	ssettm $0x7FFFFFFF  }
0xd1: {  	_ =	shalt  }
tec
execute0_lowered:
.L_overlay_start_1:
0x0: {  	(tag) =	ssettag $0x1  }
0x1: {  	s10 =	rddreg [dreg:$0x0];
	s2 =	simm.s32 $0x0;
	s1 =	stileid.u32  }
0x2: {  	[smem:$0x7FF] =	sst s2;
	s3 =	smul.u32 $0x50, s1  }
0x3: {  	s0 =	rddreg [dreg:$0x1];
	_ =	strace $0x80000059  }
0x4: {  	s3 =	sadd.s32 s10, s3;
	_ =	strace $0x8000005A  }
0x5: {  	[tilespmem:s2], [sflag:$0x1] =	stream.linear.gather [hbm4b:s3+s2], $0x80, $0x200038;
	[tilespmem:$0x8100] =	vst v63  }
0x6: {  	_ =	strace $0x9000005A  }
0x7: {  	s5 =	simm.s32 $0x80;
	s4 =	sadd.s32 $0x10, s3;
	_ =	strace $0x8000005B  }
0x8: {  	[tilespmem:s5], [sflag:$0x2] =	stream.linear.gather [hbm4b:s4+s2], $0x80, $0x200038;
	[tilespmem:$0x8100] =	vst v63  }
0x9: {  	_ =	strace $0x9000005B  }
0xa: {  	s6 =	simm.s32 $0x1;
	_ =	strace $0x8000005C  }
0xb: {  	_ =	swait.ge [sflag:s6], $0x80  }
0xc: {  	[sflag:s6] =	ssyncset.done $0x0  }
0xd: {  	[sflag:s6] =	ssyncadd.s32 $0xFFFFFF80  }
0xe: {  	s8 =	simm.s32 $0x100;
	_ =	strace $0x9000005C  }
0xf: {  	s9 =	simm.s32 $0x5;
	s7 =	sadd.s32 $0x51800, s10;
	_ =	strace $0x8000005D  }
0x10: {  	[tilespmem:s8], [sflag:$0x5] =	stream.indirect.gather [hbm4b:s7+s5], $0x80, s2, s5, $0x2000b8;
	[tilespmem:$0x8100] =	vst v63  }
0x11: {  	_ =	swait.ge [sflag:s9], $0x4000  }
0x12: {  	s11 =	smul.u32 $0x2800, s1;
	[sflag:s9] =	ssyncset.done $0x0  }
0x13: {  	[sflag:s9] =	ssyncadd.s32 $0xFFFFC000  }
0x14: {  	s21 =	sadd.s32 s11, s10;
	_ =	strace $0x9000005D  }
0x15: {  	s10 =	sadd.s32 $0x52000, s21;
	_ =	strace $0x8000005E  }
0x16: {  	[hbm4b:s10+s2] =	stream.linear.scatter [tilespmem:s8], [sflag:$0x3], $0x4000, $0x200038;
	[tilespmem:$0x8100] =	vst v63  }
0x17: {  	_ =	strace $0x9000005E  }
0x18: {  	s11 =	sadd.s32 $0x20, s3;
	_ =	strace $0x8000005B  }
0x19: {  	[tilespmem:s2], [sflag:$0x1] =	stream.linear.gather [hbm4b:s11+s2], $0x80, $0x200038;
	[tilespmem:$0x8100] =	vst v63  }
0x1a: {  	_ =	strace $0x9000005B  }
0x1b: {  	s12 =	simm.s32 $0x2;
	_ =	strace $0x8000005C  }
0x1c: {  	_ =	swait.ge [sflag:s12], $0x80  }
0x1d: {  	[sflag:s12] =	ssyncset.done $0x0  }
0x1e: {  	[sflag:s12] =	ssyncadd.s32 $0xFFFFFF80  }
0x1f: {  	_ =	strace $0x9000005C  }
0x20: {  	s13 =	simm.s32 $0x4100;
	_ =	strace $0x8000005D  }
0x21: {  	[tilespmem:s13], [sflag:$0x5] =	stream.indirect.gather [hbm4b:s7+s5], $0x80, s5, s5, $0x2000b8;
	[tilespmem:$0x8100] =	vst v63  }
0x22: {  	_ =	swait.ge [sflag:s9], $0x4000  }
0x23: {  	[sflag:s9] =	ssyncset.done $0x0  }
0x24: {  	[sflag:s9] =	ssyncadd.s32 $0xFFFFC000  }
0x25: {  	_ =	strace $0x9000005D  }
0x26: {  	s14 =	sadd.s32 $0x52800, s21;
	_ =	strace $0x8000005E  }
0x27: {  	[hbm4b:s14+s2] =	stream.linear.scatter [tilespmem:s13], [sflag:$0x4], $0x4000, $0x200038;
	[tilespmem:$0x8100] =	vst v63  }
0x28: {  	_ =	strace $0x9000005E  }
0x29: {  	s15 =	simm.s32 $0x3;
	_ =	strace $0x8000005F  }
0x2a: {  	_ =	swait.ge [sflag:s15], $0x4000  }
0x2b: {  	[sflag:s15] =	ssyncset.done $0x0  }
0x2c: {  	[sflag:s15] =	ssyncadd.s32 $0xFFFFC000  }
0x2d: {  	_ =	strace $0x9000005F  }
0x2e: {  	s16 =	sadd.s32 $0x30, s3;
	_ =	strace $0x8000005B  }
0x2f: {  	[tilespmem:s5], [sflag:$0x2] =	stream.linear.gather [hbm4b:s16+s2], $0x80, $0x200038;
	[tilespmem:$0x8100] =	vst v63  }
0x30: {  	_ =	strace $0x9000005B  }
0x31: {  	_ =	strace $0x8000005C  }
0x32: {  	_ =	swait.ge [sflag:s6], $0x80  }
0x33: {  	[sflag:s6] =	ssyncset.done $0x0  }
0x34: {  	[sflag:s6] =	ssyncadd.s32 $0xFFFFFF80  }
0x35: {  	_ =	strace $0x9000005C  }
0x36: {  	_ =	strace $0x8000005D  }
0x37: {  	[tilespmem:s8], [sflag:$0x5] =	stream.indirect.gather [hbm4b:s7+s5], $0x80, s2, s5, $0x2000b8;
	[tilespmem:$0x8100] =	vst v63  }
0x38: {  	_ =	swait.ge [sflag:s9], $0x4000  }
0x39: {  	[sflag:s9] =	ssyncset.done $0x0  }
0x3a: {  	[sflag:s9] =	ssyncadd.s32 $0xFFFFC000  }
0x3b: {  	_ =	strace $0x9000005D  }
0x3c: {  	s17 =	sadd.s32 $0x53000, s21;
	_ =	strace $0x8000005E  }
0x3d: {  	[hbm4b:s17+s2] =	stream.linear.scatter [tilespmem:s8], [sflag:$0x3], $0x4000, $0x200038;
	[tilespmem:$0x8100] =	vst v63  }
0x3e: {  	_ =	strace $0x9000005E  }
0x3f: {  	s18 =	simm.s32 $0x4;
	_ =	strace $0x8000005F  }
0x40: {  	_ =	swait.ge [sflag:s18], $0x4000  }
0x41: {  	[sflag:s18] =	ssyncset.done $0x0  }
0x42: {  	[sflag:s18] =	ssyncadd.s32 $0xFFFFC000  }
0x43: {  	_ =	strace $0x9000005F  }
0x44: {  	s19 =	sadd.s32 $0x40, s3;
	_ =	strace $0x8000005B  }
0x45: {  	[tilespmem:s2], [sflag:$0x1] =	stream.linear.gather [hbm4b:s19+s2], $0x80, $0x200038;
	[tilespmem:$0x8100] =	vst v63  }
0x46: {  	_ =	strace $0x9000005B  }
0x47: {  	_ =	strace $0x8000005C  }
0x48: {  	_ =	swait.ge [sflag:s12], $0x80  }
0x49: {  	[sflag:s12] =	ssyncset.done $0x0  }
0x4a: {  	[sflag:s12] =	ssyncadd.s32 $0xFFFFFF80  }
0x4b: {  	_ =	strace $0x9000005C  }
0x4c: {  	_ =	strace $0x8000005D  }
0x4d: {  	[tilespmem:s13], [sflag:$0x5] =	stream.indirect.gather [hbm4b:s7+s5], $0x80, s5, s5, $0x2000b8;
	[tilespmem:$0x8100] =	vst v63  }
0x4e: {  	_ =	swait.ge [sflag:s9], $0x4000  }
0x4f: {  	[sflag:s9] =	ssyncset.done $0x0  }
0x50: {  	[sflag:s9] =	ssyncadd.s32 $0xFFFFC000  }
0x51: {  	_ =	strace $0x9000005D  }
0x52: {  	s20 =	sadd.s32 $0x53800, s21;
	_ =	strace $0x8000005E  }
0x53: {  	[hbm4b:s20+s2] =	stream.linear.scatter [tilespmem:s13], [sflag:$0x4], $0x4000, $0x200038;
	[tilespmem:$0x8100] =	vst v63  }
0x54: {  	_ =	strace $0x9000005E  }
0x55: {  	_ =	strace $0x8000005F  }
0x56: {  	_ =	swait.ge [sflag:s15], $0x4000  }
0x57: {  	[sflag:s15] =	ssyncset.done $0x0  }
0x58: {  	[sflag:s15] =	ssyncadd.s32 $0xFFFFC000  }
0x59: {  	_ =	strace $0x9000005F  }
0x5a: {  	_ =	strace $0x8000005C  }
0x5b: {  	_ =	swait.ge [sflag:s6], $0x80  }
0x5c: {  	[sflag:s6] =	ssyncset.done $0x0  }
0x5d: {  	[sflag:s6] =	ssyncadd.s32 $0xFFFFFF80  }
0x5e: {  	_ =	strace $0x9000005C  }
0x5f: {  	_ =	strace $0x8000005D  }
0x60: {  	[tilespmem:s8], [sflag:$0x5] =	stream.indirect.gather [hbm4b:s7+s5], $0x80, s2, s5, $0x2000b8;
	[tilespmem:$0x8100] =	vst v63  }
0x61: {  	_ =	swait.ge [sflag:s9], $0x4000  }
0x62: {  	[sflag:s9] =	ssyncset.done $0x0  }
0x63: {  	[sflag:s9] =	ssyncadd.s32 $0xFFFFC000  }
0x64: {  	s22 =	srdreg.scid;
	_ =	strace $0x9000005D  }
0x65: {  	s22 =	sand.u32 $0x1, s22;
	s21 =	sadd.s32 $0x54000, s21;
	_ =	strace $0x8000005E  }
0x66: {  	[hbm4b:s21+s2] =	stream.linear.scatter [tilespmem:s8], [sflag:$0x3], $0x4000, $0x200038;
	[tilespmem:$0x8100] =	vst v63  }
0x67: {  	s22 =	ssub.s32 $0x2, s22;
	_ =	strace $0x9000005E  }
0x68: {  	s23 =	sshrl.u32 s22, $0x1;
	_ =	strace $0x8000005F  }
0x69: {  	s22 =	ssub.s32 s22, s23;
	_ =	swait.ge [sflag:s18], $0x4000  }
0x6a: {  	s22 =	smax.u32 s22, $0x1;
	[sflag:s18] =	ssyncset.done $0x0  }
0x6b: {  	p0 =	sne.s32 s22, $0x1;
	[sflag:s18] =	ssyncadd.s32 $0xFFFFC000  }
.Ltmp0:
0x6c: {  	_ =	strace $0x9000005F;
	(pc) =	sbr.rel @!p0 .LBB2_2-.Ltmp0, $4  }
0x6d: {  	_ =	strace $0x80000060  }
0x6e: {  	_ =	swait.ge [sflag:s15], $0x4000  }
0x6f: {  	[sflag:s15] =	ssyncset.done $0x0  }
0x70: {  	s22 =	sadd.s32 $0xFFFFFFFF, s22;
	[sflag:s15] =	ssyncadd.s32 $0xFFFFC000  }
.LBB2_1:
0x71: {  	p0 =	sne.s32 s22, $0x1;
	s22 =	sadd.s32 $0xFFFFFFFF, s22;
	_ =	strace $0x90000060  }
0x72: {  	_ =	strace $0x8000005A  }
0x73: {  	[tilespmem:s2], [sflag:$0x1] =	stream.linear.gather [hbm4b:s3+s2], $0x80, $0x200038;
	[tilespmem:$0x8100] =	vst v63  }
0x74: {  	_ =	strace $0x9000005A  }
0x75: {  	_ =	strace $0x8000005B  }
0x76: {  	[tilespmem:s5], [sflag:$0x2] =	stream.linear.gather [hbm4b:s4+s2], $0x80, $0x200038;
	[tilespmem:$0x8100] =	vst v63  }
0x77: {  	_ =	strace $0x9000005B  }
0x78: {  	_ =	strace $0x8000005C  }
0x79: {  	_ =	swait.ge [sflag:s6], $0x80  }
0x7a: {  	[sflag:s6] =	ssyncset.done $0x0  }
0x7b: {  	[sflag:s6] =	ssyncadd.s32 $0xFFFFFF80  }
0x7c: {  	_ =	strace $0x9000005C  }
0x7d: {  	_ =	strace $0x8000005D  }
0x7e: {  	[tilespmem:s8], [sflag:$0x5] =	stream.indirect.gather [hbm4b:s7+s5], $0x80, s2, s5, $0x2000b8;
	[tilespmem:$0x8100] =	vst v63  }
0x7f: {  	_ =	swait.ge [sflag:s9], $0x4000  }
0x80: {  	[sflag:s9] =	ssyncset.done $0x0  }
0x81: {  	[sflag:s9] =	ssyncadd.s32 $0xFFFFC000  }
0x82: {  	_ =	strace $0x9000005D  }
0x83: {  	_ =	strace $0x8000005E  }
0x84: {  	[hbm4b:s10+s2] =	stream.linear.scatter [tilespmem:s8], [sflag:$0x3], $0x4000, $0x200038;
	[tilespmem:$0x8100] =	vst v63  }
0x85: {  	_ =	strace $0x9000005E  }
0x86: {  	_ =	strace $0x8000005B  }
0x87: {  	[tilespmem:s2], [sflag:$0x1] =	stream.linear.gather [hbm4b:s11+s2], $0x80, $0x200038;
	[tilespmem:$0x8100] =	vst v63  }
0x88: {  	_ =	strace $0x9000005B  }
0x89: {  	_ =	strace $0x8000005C  }
0x8a: {  	_ =	swait.ge [sflag:s12], $0x80  }
0x8b: {  	[sflag:s12] =	ssyncset.done $0x0  }
0x8c: {  	[sflag:s12] =	ssyncadd.s32 $0xFFFFFF80  }
0x8d: {  	_ =	strace $0x9000005C  }
0x8e: {  	_ =	strace $0x8000005D  }
0x8f: {  	[tilespmem:s13], [sflag:$0x5] =	stream.indirect.gather [hbm4b:s7+s5], $0x80, s5, s5, $0x2000b8;
	[tilespmem:$0x8100] =	vst v63  }
0x90: {  	_ =	swait.ge [sflag:s9], $0x4000  }
0x91: {  	[sflag:s9] =	ssyncset.done $0x0  }
0x92: {  	[sflag:s9] =	ssyncadd.s32 $0xFFFFC000  }
0x93: {  	_ =	strace $0x9000005D  }
0x94: {  	_ =	strace $0x8000005E  }
0x95: {  	[hbm4b:s14+s2] =	stream.linear.scatter [tilespmem:s13], [sflag:$0x4], $0x4000, $0x200038;
	[tilespmem:$0x8100] =	vst v63  }
0x96: {  	_ =	strace $0x9000005E  }
0x97: {  	_ =	strace $0x8000005F  }
0x98: {  	_ =	swait.ge [sflag:s15], $0x4000  }
0x99: {  	[sflag:s15] =	ssyncset.done $0x0  }
0x9a: {  	[sflag:s15] =	ssyncadd.s32 $0xFFFFC000  }
0x9b: {  	_ =	strace $0x9000005F  }
0x9c: {  	_ =	strace $0x8000005B  }
0x9d: {  	[tilespmem:s5], [sflag:$0x2] =	stream.linear.gather [hbm4b:s16+s2], $0x80, $0x200038;
	[tilespmem:$0x8100] =	vst v63  }
0x9e: {  	_ =	strace $0x9000005B  }
0x9f: {  	_ =	strace $0x8000005C  }
0xa0: {  	_ =	swait.ge [sflag:s6], $0x80  }
0xa1: {  	[sflag:s6] =	ssyncset.done $0x0  }
0xa2: {  	[sflag:s6] =	ssyncadd.s32 $0xFFFFFF80  }
0xa3: {  	_ =	strace $0x9000005C  }
0xa4: {  	_ =	strace $0x8000005D  }
0xa5: {  	[tilespmem:s8], [sflag:$0x5] =	stream.indirect.gather [hbm4b:s7+s5], $0x80, s2, s5, $0x2000b8;
	[tilespmem:$0x8100] =	vst v63  }
0xa6: {  	_ =	swait.ge [sflag:s9], $0x4000  }
0xa7: {  	[sflag:s9] =	ssyncset.done $0x0  }
0xa8: {  	[sflag:s9] =	ssyncadd.s32 $0xFFFFC000  }
0xa9: {  	_ =	strace $0x9000005D  }
0xaa: {  	_ =	strace $0x8000005E  }
0xab: {  	[hbm4b:s17+s2] =	stream.linear.scatter [tilespmem:s8], [sflag:$0x3], $0x4000, $0x200038;
	[tilespmem:$0x8100] =	vst v63  }
0xac: {  	_ =	strace $0x9000005E  }
0xad: {  	_ =	strace $0x8000005F  }
0xae: {  	_ =	swait.ge [sflag:s18], $0x4000  }
0xaf: {  	[sflag:s18] =	ssyncset.done $0x0  }
0xb0: {  	[sflag:s18] =	ssyncadd.s32 $0xFFFFC000  }
0xb1: {  	_ =	strace $0x9000005F  }
0xb2: {  	_ =	strace $0x8000005B  }
0xb3: {  	[tilespmem:s2], [sflag:$0x1] =	stream.linear.gather [hbm4b:s19+s2], $0x80, $0x200038;
	[tilespmem:$0x8100] =	vst v63  }
0xb4: {  	_ =	strace $0x9000005B  }
0xb5: {  	_ =	strace $0x8000005C  }
0xb6: {  	_ =	swait.ge [sflag:s12], $0x80  }
0xb7: {  	[sflag:s12] =	ssyncset.done $0x0  }
0xb8: {  	[sflag:s12] =	ssyncadd.s32 $0xFFFFFF80  }
0xb9: {  	_ =	strace $0x9000005C  }
0xba: {  	_ =	strace $0x8000005D  }
0xbb: {  	[tilespmem:s13], [sflag:$0x5] =	stream.indirect.gather [hbm4b:s7+s5], $0x80, s5, s5, $0x2000b8;
	[tilespmem:$0x8100] =	vst v63  }
0xbc: {  	_ =	swait.ge [sflag:s9], $0x4000  }
0xbd: {  	[sflag:s9] =	ssyncset.done $0x0  }
0xbe: {  	[sflag:s9] =	ssyncadd.s32 $0xFFFFC000  }
0xbf: {  	_ =	strace $0x9000005D  }
0xc0: {  	_ =	strace $0x8000005E  }
0xc1: {  	[hbm4b:s20+s2] =	stream.linear.scatter [tilespmem:s13], [sflag:$0x4], $0x4000, $0x200038;
	[tilespmem:$0x8100] =	vst v63  }
0xc2: {  	_ =	strace $0x9000005E  }
0xc3: {  	_ =	strace $0x8000005F  }
0xc4: {  	_ =	swait.ge [sflag:s15], $0x4000  }
0xc5: {  	[sflag:s15] =	ssyncset.done $0x0  }
0xc6: {  	[sflag:s15] =	ssyncadd.s32 $0xFFFFC000  }
0xc7: {  	_ =	strace $0x9000005F  }
0xc8: {  	_ =	strace $0x8000005C  }
0xc9: {  	_ =	swait.ge [sflag:s6], $0x80  }
0xca: {  	[sflag:s6] =	ssyncset.done $0x0  }
0xcb: {  	[sflag:s6] =	ssyncadd.s32 $0xFFFFFF80  }
0xcc: {  	_ =	strace $0x9000005C  }
0xcd: {  	_ =	strace $0x8000005D  }
0xce: {  	[tilespmem:s8], [sflag:$0x5] =	stream.indirect.gather [hbm4b:s7+s5], $0x80, s2, s5, $0x2000b8;
	[tilespmem:$0x8100] =	vst v63  }
0xcf: {  	_ =	swait.ge [sflag:s9], $0x4000  }
0xd0: {  	[sflag:s9] =	ssyncset.done $0x0  }
0xd1: {  	[sflag:s9] =	ssyncadd.s32 $0xFFFFC000  }
0xd2: {  	_ =	strace $0x9000005D  }
0xd3: {  	_ =	strace $0x8000005E  }
0xd4: {  	[hbm4b:s21+s2] =	stream.linear.scatter [tilespmem:s8], [sflag:$0x3], $0x4000, $0x200038;
	[tilespmem:$0x8100] =	vst v63  }
0xd5: {  	_ =	strace $0x9000005E  }
0xd6: {  	_ =	strace $0x8000005F  }
0xd7: {  	_ =	swait.ge [sflag:s18], $0x4000  }
0xd8: {  	[sflag:s18] =	ssyncset.done $0x0  }
0xd9: {  	[sflag:s18] =	ssyncadd.s32 $0xFFFFC000  }
.Ltmp1:
0xda: {  	_ =	strace $0x9000005F;
	(pc) =	sbr.rel @p0 .LBB2_1-.Ltmp1, $4  }
0xdb: {  	_ =	strace $0x80000060  }
0xdc: {  	_ =	swait.ge [sflag:s15], $0x4000  }
0xdd: {  	[sflag:s15] =	ssyncset.done $0x0  }
0xde: {  	[sflag:s15] =	ssyncadd.s32 $0xFFFFC000  }
.LBB2_2:
0xdf: {  	_ =	strace $0x90000060  }
0xe0: {  	_ =	sfence.sel $0x180000  }
0xe1: {  	[bflag:$0x0] =	sbarrier.arrive $0xFFFF  }
0xe2: {  	p0 =	sne.s32 s1, $0x0;
	_ =	strace $0x90000059  }
0xe3: {  	s0 =	sadd.s32 @!p0 $0x100000, s0;
	[bflag:$0x2] =	sbarrier.arrive $0xFFFF  }
0xe4: {  	[sflag:s0] =	ssyncadd.tile.s32 @!p0 $0x1;
	_ =	shalt  }
.Lfunc_end2:
_tile_overlayer_lowered:
.L_overlay_start_2:
0xe5: {  	(tag) =	ssettag $0x2  }
0xe6: {  	s0 =	rddreg [dreg:$0x0];
	s2 =	stileid.u32  }
0xe7: {  	s1 =	rddreg [dreg:$0x1];
	p0 =	sne.s32 s2, $0x0  }
0xe8: {  	s3 =	rddreg [dreg:$0x2];
	[bflag:$0x3] =	sbarrier.arrive $0xFFFF;
	s2 =	simm.s32 @!p0 $0x1C01  }
0xe9: {  	[timem:s3], [sflag:s2] =	dma.local @!p0 [hbm:s0], s1  }
0xea: {  	s0 =	simm.s32 @!p0 $0x1  }
0xeb: {  	_ =	swait.ge @!p0 [sflag:s0], s1  }
0xec: {  	s1 =	ssub.s32 @!p0 $0x0, s1;
	[sflag:s0] =	ssyncset.done @!p0 $0x0  }
0xed: {  	[sflag:s0] =	ssyncadd.s32 @!p0 s1  }
0xee: {  	[bflag:$0x3] =	sbarrier.arrive $0xFFFF  }
0xef: {  	_ =	shalt  }

</sc_bundles>
